<compile_context>
chip_gen: v7x
topology: tpu7x:2x2x1
jax: 0.10.2.dev20260603
libtpu: 0.0.44.dev20260713+nightly
codegen_flags: <defaults>
</compile_context>

<pallas_src>
import functools

import jax
import jax.numpy as jnp
from jax import lax
from jax.experimental import pallas as pl
from jax.experimental.pallas import tpu as pltpu
from jax.experimental.pallas import tpu_sc as plsc

N = 10000
D = 128
H = 32

NC = 2
NS = 16
L = 16
NW = NC * NS

CHUNK = 128
SG = 8
N_PAD = 10240
ZR = N_PAD // NS
NR = N_PAD // 128


def _sc_mesh():
    return plsc.VectorSubcoreMesh(core_axis_name="c", subcore_axis_name="s")


_SC_PARAMS = pltpu.CompilerParams(use_tc_tiling_on_sc=False,
                                  needs_layout_passes=False)


def _make_sc_segsum_wide(K):

    @functools.partial(
        pl.kernel,
        out_type=(
            jax.ShapeDtypeStruct((NC, N_PAD, H), jnp.float32),
            jax.ShapeDtypeStruct((NC, N_PAD), jnp.float32),
        ),
        mesh=_sc_mesh(),
        scratch_types=[
            pltpu.VMEM((K, CHUNK), jnp.int32),
            pltpu.VMEM((K, CHUNK), jnp.int32),
            pltpu.VMEM((2, SG, CHUNK, H), jnp.float32),
            pltpu.VMEM((CHUNK,), jnp.float32),
            pltpu.VMEM_SHARED((N_PAD, H), jnp.float32),
            pltpu.VMEM_SHARED((N_PAD,), jnp.float32),
            pltpu.VMEM_SHARED((N_PAD, H), jnp.float32),
            pltpu.SemaphoreType.DMA((2,)),
            pltpu.SemaphoreType.DMA((2,)),
            pltpu.SemaphoreType.DMA,
        ],
        compiler_params=_SC_PARAMS,
    )
    def sc1(t1_hbm, srcs_hbm, dsts_hbm, z2_hbm, z1_hbm, sum_out, cnt_out,
            src_v, dst_v, rows_v, ones_v, acc_sh, cnt_sh, t1_sh,
            sem_g, sem_s, sem_o):
        cid = lax.axis_index("c")
        sid = lax.axis_index("s")
        wid = cid * NS + sid
        r0 = sid * ZR
        pltpu.sync_copy(srcs_hbm.at[wid], src_v)
        pltpu.sync_copy(dsts_hbm.at[wid], dst_v)
        pltpu.sync_copy(t1_hbm.at[pl.ds(r0, ZR)], t1_sh.at[pl.ds(r0, ZR)])
        pltpu.sync_copy(z2_hbm.at[pl.ds(r0, ZR)], acc_sh.at[pl.ds(r0, ZR)])
        pltpu.sync_copy(z1_hbm.at[pl.ds(r0, ZR)], cnt_sh.at[pl.ds(r0, ZR)])
        for i in range(CHUNK // L):
            ones_v[pl.ds(i * L, L)] = jnp.ones((L,), jnp.float32)
        plsc.subcore_barrier()
        for b in range(SG):
            pltpu.async_copy(t1_sh.at[src_v.at[b]], rows_v.at[0, b],
                             sem_g.at[0])

        NG = K // SG

        def body(g2, carry):
            for par in range(2):
                g = g2 * 2 + par
                base = g * SG
                for b in range(SG):
                    pltpu.make_async_copy(t1_sh.at[src_v.at[base + b]],
                                          rows_v.at[par, b],
                                          sem_g.at[par]).wait()
                sdescs = [
                    pltpu.async_copy(rows_v.at[par, b],
                                     acc_sh.at[dst_v.at[base + b]],
                                     sem_s.at[par], add=True)
                    for b in range(SG)
                ]
                for b in range(SG):
                    pltpu.async_copy(ones_v, cnt_sh.at[dst_v.at[base + b]],
                                     sem_o, add=True)
                nb = base + SG

                @pl.when(nb < K)
                def _():
                    for b in range(SG):
                        pltpu.async_copy(t1_sh.at[src_v.at[nb + b]],
                                         rows_v.at[1 - par, b],
                                         sem_g.at[1 - par])

                for d in sdescs:
                    d.wait()
            return carry

        lax.fori_loop(0, NG // 2, body, 0)

        def drain(j, carry):
            pltpu.make_async_copy(ones_v, cnt_sh.at[dst_v.at[j]], sem_o).wait()
            return carry

        lax.fori_loop(0, K, drain, 0)
        plsc.subcore_barrier()
        pltpu.sync_copy(acc_sh.at[pl.ds(r0, ZR)], sum_out.at[cid, pl.ds(r0, ZR)])
        pltpu.sync_copy(cnt_sh.at[pl.ds(r0, ZR)], cnt_out.at[cid, pl.ds(r0, ZR)])

    return sc1


def _make_sc_segsum_scalar(K):

    @functools.partial(
        pl.kernel,
        out_type=jax.ShapeDtypeStruct((NC, N_PAD), jnp.float32),
        mesh=_sc_mesh(),
        scratch_types=[
            pltpu.VMEM((K, CHUNK), jnp.int32),
            pltpu.VMEM((K, CHUNK), jnp.int32),
            pltpu.VMEM((N_PAD,), jnp.float32),
            pltpu.VMEM((K, CHUNK), jnp.float32),
            pltpu.VMEM_SHARED((N_PAD,), jnp.float32),
            pltpu.SemaphoreType.DMA,
        ],
        compiler_params=_SC_PARAMS,
    )
    def sc2(p_hbm, srcs_hbm, dsts_hbm, z1_hbm, sum_out,
            src_v, dst_v, p_v, vals_v, acc_sh, sem):
        cid = lax.axis_index("c")
        sid = lax.axis_index("s")
        wid = cid * NS + sid
        r0 = sid * ZR
        pltpu.sync_copy(srcs_hbm.at[wid], src_v)
        pltpu.sync_copy(dsts_hbm.at[wid], dst_v)
        pltpu.sync_copy(p_hbm, p_v)
        pltpu.sync_copy(z1_hbm.at[pl.ds(r0, ZR)], acc_sh.at[pl.ds(r0, ZR)])

        def gbody(j, carry):
            for c in range(CHUNK // L):
                idx = src_v[j, pl.ds(c * L, L)]
                vals_v[j, pl.ds(c * L, L)] = plsc.load_gather(p_v, [idx])
            return carry

        lax.fori_loop(0, K, gbody, 0)
        plsc.subcore_barrier()

        G = 8

        def sbody(g, carry):
            descs = [
                pltpu.async_copy(vals_v.at[g * G + b],
                                 acc_sh.at[dst_v.at[g * G + b]], sem, add=True)
                for b in range(G)
            ]
            for d in descs:
                d.wait()
            return carry

        lax.fori_loop(0, K // G, sbody, 0)
        plsc.subcore_barrier()
        pltpu.sync_copy(acc_sh.at[pl.ds(r0, ZR)], sum_out.at[cid, pl.ds(r0, ZR)])

    return sc2


def _tc1_body(x_ref, wl_ref, wr_ref, t1_ref, r1t_ref):
    xv = x_ref[...]
    dn = (((1,), (1,)), ((), ()))
    t1_ref[pl.ds(0, N), :] = lax.dot_general(
        xv, wl_ref[...], dn, preferred_element_type=jnp.float32)
    r1t_ref[:, pl.ds(0, N)] = lax.dot_general(
        wr_ref[...], xv, dn, preferred_element_type=jnp.float32)


def _tc2_body(sum_ref, cnt_ref, r1t_ref, b_ref, u_ref, v_ref, c2_ref,
              p_ref, q_ref, ic_ref):
    ic = 1.0 / jnp.maximum(cnt_ref[0] + cnt_ref[1], 1.0)
    s = sum_ref[0] + sum_ref[1]
    st = lax.dot_general(jnp.eye(H, dtype=jnp.float32), s,
                         (((1,), (1,)), ((), ())),
                         preferred_element_type=jnp.float32)
    st3 = st.reshape(H, NR, 128)
    h = jnp.maximum(st3 * ic[None] + b_ref[...] + r1t_ref[...], 0.0)
    p_ref[...] = jnp.sum(h * u_ref[...], axis=0)
    q_ref[...] = jnp.sum(h * v_ref[...], axis=0) + c2_ref[...]
    ic_ref[...] = ic


def _tc3_body(s2_ref, ic_ref, q_ref, o_ref):
    o_ref[...] = (s2_ref[0] + s2_ref[1]) * ic_ref[...] + q_ref[...]


def kernel(x, edge_index, W1l, b1l, W1r, W2l, b2l, W2r, Wlin, blin):
    E = edge_index.shape[1]
    K = 2 * SG * -(-E // (NW * CHUNK * 2 * SG))
    E_pad = NW * K * CHUNK

    src = edge_index[0]
    dst = edge_index[1]
    pad = E_pad - E
    src_p = jnp.concatenate([src, jnp.zeros((pad,), jnp.int32)])
    dst_p = jnp.concatenate([dst, jnp.full((pad,), N, jnp.int32)])
    srcs = src_p.reshape(NW, K, CHUNK)
    dsts = dst_p.reshape(NW, K, CHUNK)
    u3 = jnp.broadcast_to((Wlin @ W2l).reshape(H, 1, 1), (H, 1, 128))
    v3 = jnp.broadcast_to((Wlin @ W2r).reshape(H, 1, 1), (H, 1, 128))
    b3 = jnp.broadcast_to(b1l.reshape(H, 1, 1), (H, 1, 128))
    c2 = (Wlin @ b2l + blin).reshape(1, 1)
    z2 = jnp.zeros((N_PAD, H), jnp.float32)
    z1 = jnp.zeros((N_PAD,), jnp.float32)

    t1, r1t = pl.pallas_call(
        _tc1_body,
        out_shape=(
            jax.ShapeDtypeStruct((N_PAD, H), jnp.float32),
            jax.ShapeDtypeStruct((H, N_PAD), jnp.float32),
        ),
    )(x, W1l, W1r)

    sum1, cnt = _make_sc_segsum_wide(K)(t1, srcs, dsts, z2, z1)

    p, q, ic = pl.pallas_call(
        _tc2_body,
        out_shape=(
            jax.ShapeDtypeStruct((NR, 128), jnp.float32),
            jax.ShapeDtypeStruct((NR, 128), jnp.float32),
            jax.ShapeDtypeStruct((NR, 128), jnp.float32),
        ),
    )(sum1, cnt.reshape(NC, NR, 128), r1t.reshape(H, NR, 128), b3, u3, v3, c2)

    sum2 = _make_sc_segsum_scalar(K)(p.reshape(N_PAD), srcs, dsts, z1)

    out_full = pl.pallas_call(
        _tc3_body,
        out_shape=jax.ShapeDtypeStruct((NR, 128), jnp.float32),
    )(sum2.reshape(NC, NR, 128), ic, q)
    return out_full.reshape(N_PAD)[:N, None]

# --- scband reference (transcript-rebuilt; emitter-appended) ---
"""Pipeline reference for scband-hetero-sage-70231305224958 (READ-ONLY COPY).

The authoritative reference and input builder live on the scoring server;
editing this copy changes nothing except your own understanding.
"""

import jax, jax.numpy as jnp
import numpy as np

N = 10000
E = 320000
D = 128
H = 32
OUT = 1


def setup_inputs(seed: int = 0) -> dict:
    key = jax.random.key(seed)
    ks = jax.random.split(key, 12)
    x = jax.random.normal(ks[0], (N, D), dtype=jnp.float32)
    # edge_index: row 0 = src, row 1 = dst. Values in [0, N).
    edge_index = jax.random.randint(ks[1], (2, E), 0, N, dtype=jnp.int32)
    # SAGEConv 1: (D -> H). lin_l (neighbor aggr, has bias), lin_r (root, no bias)
    W1l = jax.random.normal(ks[2], (H, D), dtype=jnp.float32) * (1.0 / np.sqrt(D))
    b1l = jnp.zeros((H,), dtype=jnp.float32)
    W1r = jax.random.normal(ks[3], (H, D), dtype=jnp.float32) * (1.0 / np.sqrt(D))
    # SAGEConv 2: (H -> H)
    W2l = jax.random.normal(ks[4], (H, H), dtype=jnp.float32) * (1.0 / np.sqrt(H))
    b2l = jnp.zeros((H,), dtype=jnp.float32)
    W2r = jax.random.normal(ks[5], (H, H), dtype=jnp.float32) * (1.0 / np.sqrt(H))
    # Final linear: (H -> OUT)
    Wlin = jax.random.normal(ks[6], (OUT, H), dtype=jnp.float32) * (1.0 / np.sqrt(H))
    blin = jnp.zeros((OUT,), dtype=jnp.float32)
    return {
        "x": x,
        "edge_index": edge_index,
        "W1l": W1l, "b1l": b1l, "W1r": W1r,
        "W2l": W2l, "b2l": b2l, "W2r": W2r,
        "Wlin": Wlin, "blin": blin,
    }


def _sage_conv(h, src, dst, Wl, bl, Wr):
    # SAGEConv with mean aggregation:
    # out = lin_l(mean_{j in N(i)} x_j) + lin_r(x_i)
    msgs = h[src]  # gather source node features along edges
    summed = jax.ops.segment_sum(msgs, dst, num_segments=N)
    cnt = jax.ops.segment_sum(jnp.ones((src.shape[0],), dtype=h.dtype), dst, num_segments=N)
    mean = summed / jnp.clip(cnt, 1.0)[:, None]
    return mean @ Wl.T + bl + h @ Wr.T


def reference(x, edge_index, W1l, b1l, W1r, W2l, b2l, W2r, Wlin, blin):
    src = edge_index[0]
    dst = edge_index[1]
    h = _sage_conv(x, src, dst, W1l, b1l, W1r)
    h = jax.nn.relu(h)
    h = _sage_conv(h, src, dst, W2l, b2l, W2r)
    # model_config is None -> plain linear head, no sigmoid/softmax
    out = h @ Wlin.T + blin
    return out

if __name__ == "__main__":
    import jax
    _d = setup_inputs()
    print(jax.jit(kernel)(*tuple(_d.values())))

</pallas_src>

<mosaic_0001>
#map = affine_map<(d0, d1) -> (0, 0)>
#map1 = affine_map<(d0, d1) -> (0, 0, 0)>
#map2 = affine_map<(d0, d1) -> (0)>
module attributes {stable_mosaic.version = 14 : i64} {
  func.func @sc1(%arg0: i32, %arg1: i32, %arg2: memref<10240x32xf32, #tpu.memory_space<hbm>>, %arg3: memref<32x80x128xi32, #tpu.memory_space<hbm>>, %arg4: memref<32x80x128xi32, #tpu.memory_space<hbm>>, %arg5: memref<10240x32xf32, #tpu.memory_space<hbm>>, %arg6: memref<10240xf32, #tpu.memory_space<hbm>>, %arg7: memref<2x10240x32xf32, #tpu.memory_space<hbm>>, %arg8: memref<2x10240xf32, #tpu.memory_space<hbm>>, %arg9: memref<80x128xi32, #tpu.memory_space<vmem>>, %arg10: memref<80x128xi32, #tpu.memory_space<vmem>>, %arg11: memref<2x8x128x32xf32, #tpu.memory_space<vmem>>, %arg12: memref<128xf32, #tpu.memory_space<vmem>>, %arg13: memref<10240x32xf32, #tpu.memory_space<vmem_shared>>, %arg14: memref<10240xf32, #tpu.memory_space<vmem_shared>>, %arg15: memref<10240x32xf32, #tpu.memory_space<vmem_shared>>, %arg16: memref<2x!tpu.dma_semaphore, #tpu.memory_space<semaphore_mem>>, %arg17: memref<2x!tpu.dma_semaphore, #tpu.memory_space<semaphore_mem>>, %arg18: memref<!tpu.dma_semaphore, #tpu.memory_space<semaphore_mem>>) attributes {dimension_semantics = [#tpu.dimension_semantics<core_parallel>, #tpu.dimension_semantics<subcore_parallel>], iteration_bounds = array<i64: 2, 16>, scalar_prefetch = 0 : i64, scratch_operands = 10 : i64, tpu.core_type = #tpu.core_type<sc_vector_subcore>, window_params = [{transform_indices = #map}, {transform_indices = #map1}, {transform_indices = #map1}, {transform_indices = #map}, {transform_indices = #map2}, {transform_indices = #map1}, {transform_indices = #map}]} {
    %mul3A = arith.constant 16 : i32
    %mul3A_0 = arith.muli %arg0, %mul3A : i32
    %add3A = arith.addi %mul3A_0, %arg1 : i32
    %mul3A_1 = arith.constant 640 : i32
    %mul3A_2 = arith.muli %arg1, %mul3A_1 : i32
    "tpu.region"() ({
      %run_scoped3A = tpu.sem_alloc : memref<!tpu.dma_semaphore, #tpu.memory_space<semaphore_mem>>
      %dma_start3A_172 = arith.constant 0 : i32
      %dma_start3A_173 = arith.constant 0 : i32
      %dma_start3A_174 = tpu.memref_slice %arg3[%add3A, %dma_start3A_172, %dma_start3A_173] : memref<32x80x128xi32, #tpu.memory_space<hbm>> -> memref<1x80x128xi32, #tpu.memory_space<hbm>>
      %dma_start3A_175 = tpu.memref_squeeze %dma_start3A_174 : memref<1x80x128xi32, #tpu.memory_space<hbm>> -> memref<80x128xi32, #tpu.memory_space<hbm>>
      %dma_start3A_176 = arith.constant 0 : i32
      %dma_start3A_177 = arith.constant 0 : i32
      %dma_start3A_178 = tpu.memref_slice %arg3[%add3A, %dma_start3A_176, %dma_start3A_177] : memref<32x80x128xi32, #tpu.memory_space<hbm>> -> memref<1x80x128xi32, #tpu.memory_space<hbm>>
      %dma_start3A_179 = tpu.memref_squeeze %dma_start3A_178 : memref<1x80x128xi32, #tpu.memory_space<hbm>> -> memref<80x128xi32, #tpu.memory_space<hbm>>
      tpu.enqueue_dma source(%dma_start3A_179 : memref<80x128xi32, #tpu.memory_space<hbm>>) target(%arg9 : memref<80x128xi32, #tpu.memory_space<vmem>>) target_semaphore(%run_scoped3A : memref<!tpu.dma_semaphore, #tpu.memory_space<semaphore_mem>>)
      %dma_wait3A = arith.constant 0 : i32
      %dma_wait3A_180 = arith.constant 0 : i32
      %dma_wait3A_181 = tpu.memref_slice %arg3[%add3A, %dma_wait3A, %dma_wait3A_180] : memref<32x80x128xi32, #tpu.memory_space<hbm>> -> memref<1x80x128xi32, #tpu.memory_space<hbm>>
      %dma_wait3A_182 = tpu.memref_squeeze %dma_wait3A_181 : memref<1x80x128xi32, #tpu.memory_space<hbm>> -> memref<80x128xi32, #tpu.memory_space<hbm>>
      %dma_wait3A_183 = arith.constant 0 : i32
      %dma_wait3A_184 = arith.constant 0 : i32
      %dma_wait3A_185 = tpu.memref_slice %arg3[%add3A, %dma_wait3A_183, %dma_wait3A_184] : memref<32x80x128xi32, #tpu.memory_space<hbm>> -> memref<1x80x128xi32, #tpu.memory_space<hbm>>
      %dma_wait3A_186 = tpu.memref_squeeze %dma_wait3A_185 : memref<1x80x128xi32, #tpu.memory_space<hbm>> -> memref<80x128xi32, #tpu.memory_space<hbm>>
      tpu.wait_dma2 semaphore(%run_scoped3A : memref<!tpu.dma_semaphore, #tpu.memory_space<semaphore_mem>>) src(%dma_wait3A_186 : memref<80x128xi32, #tpu.memory_space<hbm>>) dst(%arg9 : memref<80x128xi32, #tpu.memory_space<vmem>>)
      tpu.yield
    }) : () -> ()
    "tpu.region"() ({
      %run_scoped3A = tpu.sem_alloc : memref<!tpu.dma_semaphore, #tpu.memory_space<semaphore_mem>>
      %dma_start3A_172 = arith.constant 0 : i32
      %dma_start3A_173 = arith.constant 0 : i32
      %dma_start3A_174 = tpu.memref_slice %arg4[%add3A, %dma_start3A_172, %dma_start3A_173] : memref<32x80x128xi32, #tpu.memory_space<hbm>> -> memref<1x80x128xi32, #tpu.memory_space<hbm>>
      %dma_start3A_175 = tpu.memref_squeeze %dma_start3A_174 : memref<1x80x128xi32, #tpu.memory_space<hbm>> -> memref<80x128xi32, #tpu.memory_space<hbm>>
      %dma_start3A_176 = arith.constant 0 : i32
      %dma_start3A_177 = arith.constant 0 : i32
      %dma_start3A_178 = tpu.memref_slice %arg4[%add3A, %dma_start3A_176, %dma_start3A_177] : memref<32x80x128xi32, #tpu.memory_space<hbm>> -> memref<1x80x128xi32, #tpu.memory_space<hbm>>
      %dma_start3A_179 = tpu.memref_squeeze %dma_start3A_178 : memref<1x80x128xi32, #tpu.memory_space<hbm>> -> memref<80x128xi32, #tpu.memory_space<hbm>>
      tpu.enqueue_dma source(%dma_start3A_179 : memref<80x128xi32, #tpu.memory_space<hbm>>) target(%arg10 : memref<80x128xi32, #tpu.memory_space<vmem>>) target_semaphore(%run_scoped3A : memref<!tpu.dma_semaphore, #tpu.memory_space<semaphore_mem>>)
      %dma_wait3A = arith.constant 0 : i32
      %dma_wait3A_180 = arith.constant 0 : i32
      %dma_wait3A_181 = tpu.memref_slice %arg4[%add3A, %dma_wait3A, %dma_wait3A_180] : memref<32x80x128xi32, #tpu.memory_space<hbm>> -> memref<1x80x128xi32, #tpu.memory_space<hbm>>
      %dma_wait3A_182 = tpu.memref_squeeze %dma_wait3A_181 : memref<1x80x128xi32, #tpu.memory_space<hbm>> -> memref<80x128xi32, #tpu.memory_space<hbm>>
      %dma_wait3A_183 = arith.constant 0 : i32
      %dma_wait3A_184 = arith.constant 0 : i32
      %dma_wait3A_185 = tpu.memref_slice %arg4[%add3A, %dma_wait3A_183, %dma_wait3A_184] : memref<32x80x128xi32, #tpu.memory_space<hbm>> -> memref<1x80x128xi32, #tpu.memory_space<hbm>>
      %dma_wait3A_186 = tpu.memref_squeeze %dma_wait3A_185 : memref<1x80x128xi32, #tpu.memory_space<hbm>> -> memref<80x128xi32, #tpu.memory_space<hbm>>
      tpu.wait_dma2 semaphore(%run_scoped3A : memref<!tpu.dma_semaphore, #tpu.memory_space<semaphore_mem>>) src(%dma_wait3A_186 : memref<80x128xi32, #tpu.memory_space<hbm>>) dst(%arg10 : memref<80x128xi32, #tpu.memory_space<vmem>>)
      tpu.yield
    }) : () -> ()
    "tpu.region"() ({
      %run_scoped3A = tpu.sem_alloc : memref<!tpu.dma_semaphore, #tpu.memory_space<semaphore_mem>>
      %dma_start3A_172 = arith.constant 0 : i32
      %dma_start3A_173 = tpu.memref_slice %arg15[%mul3A_2, %dma_start3A_172] : memref<10240x32xf32, #tpu.memory_space<vmem_shared>> -> memref<640x32xf32, #tpu.memory_space<vmem_shared>>
      %dma_start3A_174 = arith.constant 0 : i32
      %dma_start3A_175 = tpu.memref_slice %arg2[%mul3A_2, %dma_start3A_174] : memref<10240x32xf32, #tpu.memory_space<hbm>> -> memref<640x32xf32, #tpu.memory_space<hbm>>
      tpu.enqueue_dma source(%dma_start3A_175 : memref<640x32xf32, #tpu.memory_space<hbm>>) target(%dma_start3A_173 : memref<640x32xf32, #tpu.memory_space<vmem_shared>>) target_semaphore(%run_scoped3A : memref<!tpu.dma_semaphore, #tpu.memory_space<semaphore_mem>>)
      %dma_wait3A = arith.constant 0 : i32
      %dma_wait3A_176 = tpu.memref_slice %arg15[%mul3A_2, %dma_wait3A] : memref<10240x32xf32, #tpu.memory_space<vmem_shared>> -> memref<640x32xf32, #tpu.memory_space<vmem_shared>>
      %dma_wait3A_177 = arith.constant 0 : i32
      %dma_wait3A_178 = tpu.memref_slice %arg2[%mul3A_2, %dma_wait3A_177] : memref<10240x32xf32, #tpu.memory_space<hbm>> -> memref<640x32xf32, #tpu.memory_space<hbm>>
      tpu.wait_dma2 semaphore(%run_scoped3A : memref<!tpu.dma_semaphore, #tpu.memory_space<semaphore_mem>>) src(%dma_wait3A_178 : memref<640x32xf32, #tpu.memory_space<hbm>>) dst(%dma_wait3A_176 : memref<640x32xf32, #tpu.memory_space<vmem_shared>>)
      tpu.yield
    }) : () -> ()
    "tpu.region"() ({
      %run_scoped3A = tpu.sem_alloc : memref<!tpu.dma_semaphore, #tpu.memory_space<semaphore_mem>>
      %dma_start3A_172 = arith.constant 0 : i32
      %dma_start3A_173 = tpu.memref_slice %arg13[%mul3A_2, %dma_start3A_172] : memref<10240x32xf32, #tpu.memory_space<vmem_shared>> -> memref<640x32xf32, #tpu.memory_space<vmem_shared>>
      %dma_start3A_174 = arith.constant 0 : i32
      %dma_start3A_175 = tpu.memref_slice %arg5[%mul3A_2, %dma_start3A_174] : memref<10240x32xf32, #tpu.memory_space<hbm>> -> memref<640x32xf32, #tpu.memory_space<hbm>>
      tpu.enqueue_dma source(%dma_start3A_175 : memref<640x32xf32, #tpu.memory_space<hbm>>) target(%dma_start3A_173 : memref<640x32xf32, #tpu.memory_space<vmem_shared>>) target_semaphore(%run_scoped3A : memref<!tpu.dma_semaphore, #tpu.memory_space<semaphore_mem>>)
      %dma_wait3A = arith.constant 0 : i32
      %dma_wait3A_176 = tpu.memref_slice %arg13[%mul3A_2, %dma_wait3A] : memref<10240x32xf32, #tpu.memory_space<vmem_shared>> -> memref<640x32xf32, #tpu.memory_space<vmem_shared>>
      %dma_wait3A_177 = arith.constant 0 : i32
      %dma_wait3A_178 = tpu.memref_slice %arg5[%mul3A_2, %dma_wait3A_177] : memref<10240x32xf32, #tpu.memory_space<hbm>> -> memref<640x32xf32, #tpu.memory_space<hbm>>
      tpu.wait_dma2 semaphore(%run_scoped3A : memref<!tpu.dma_semaphore, #tpu.memory_space<semaphore_mem>>) src(%dma_wait3A_178 : memref<640x32xf32, #tpu.memory_space<hbm>>) dst(%dma_wait3A_176 : memref<640x32xf32, #tpu.memory_space<vmem_shared>>)
      tpu.yield
    }) : () -> ()
    "tpu.region"() ({
      %run_scoped3A = tpu.sem_alloc : memref<!tpu.dma_semaphore, #tpu.memory_space<semaphore_mem>>
      %dma_start3A_172 = tpu.memref_slice %arg14[%mul3A_2] : memref<10240xf32, #tpu.memory_space<vmem_shared>> -> memref<640xf32, #tpu.memory_space<vmem_shared>>
      %dma_start3A_173 = tpu.memref_slice %arg6[%mul3A_2] : memref<10240xf32, #tpu.memory_space<hbm>> -> memref<640xf32, #tpu.memory_space<hbm>>
      tpu.enqueue_dma source(%dma_start3A_173 : memref<640xf32, #tpu.memory_space<hbm>>) target(%dma_start3A_172 : memref<640xf32, #tpu.memory_space<vmem_shared>>) target_semaphore(%run_scoped3A : memref<!tpu.dma_semaphore, #tpu.memory_space<semaphore_mem>>)
      %dma_wait3A = tpu.memref_slice %arg14[%mul3A_2] : memref<10240xf32, #tpu.memory_space<vmem_shared>> -> memref<640xf32, #tpu.memory_space<vmem_shared>>
      %dma_wait3A_174 = tpu.memref_slice %arg6[%mul3A_2] : memref<10240xf32, #tpu.memory_space<hbm>> -> memref<640xf32, #tpu.memory_space<hbm>>
      tpu.wait_dma2 semaphore(%run_scoped3A : memref<!tpu.dma_semaphore, #tpu.memory_space<semaphore_mem>>) src(%dma_wait3A_174 : memref<640xf32, #tpu.memory_space<hbm>>) dst(%dma_wait3A : memref<640xf32, #tpu.memory_space<vmem_shared>>)
      tpu.yield
    }) : () -> ()
    %broadcast_in_dim3A = arith.constant 1.000000e+00 : f32
    %broadcast_in_dim3A_3 = vector.broadcast %broadcast_in_dim3A : f32 to vector<16xf32>
    %swap3A = arith.constant 0 : index
    %swap3A_4 = tpu.vector_load %arg12[%swap3A] {strides = array<i32>} : memref<128xf32, #tpu.memory_space<vmem>>, vector<16xf32>,
    tpu.vector_store %arg12[%swap3A], %broadcast_in_dim3A_3 {strides = array<i32>} : memref<128xf32, #tpu.memory_space<vmem>>, vector<16xf32>,
    %broadcast_in_dim3A_5 = arith.constant 1.000000e+00 : f32
    %broadcast_in_dim3A_6 = vector.broadcast %broadcast_in_dim3A_5 : f32 to vector<16xf32>
    %swap3A_7 = arith.constant 16 : index
    %swap3A_8 = tpu.vector_load %arg12[%swap3A_7] {strides = array<i32>} : memref<128xf32, #tpu.memory_space<vmem>>, vector<16xf32>,
    tpu.vector_store %arg12[%swap3A_7], %broadcast_in_dim3A_6 {strides = array<i32>} : memref<128xf32, #tpu.memory_space<vmem>>, vector<16xf32>,
    %broadcast_in_dim3A_9 = arith.constant 1.000000e+00 : f32
    %broadcast_in_dim3A_10 = vector.broadcast %broadcast_in_dim3A_9 : f32 to vector<16xf32>
    %swap3A_11 = arith.constant 32 : index
    %swap3A_12 = tpu.vector_load %arg12[%swap3A_11] {strides = array<i32>} : memref<128xf32, #tpu.memory_space<vmem>>, vector<16xf32>,
    tpu.vector_store %arg12[%swap3A_11], %broadcast_in_dim3A_10 {strides = array<i32>} : memref<128xf32, #tpu.memory_space<vmem>>, vector<16xf32>,
    %broadcast_in_dim3A_13 = arith.constant 1.000000e+00 : f32
    %broadcast_in_dim3A_14 = vector.broadcast %broadcast_in_dim3A_13 : f32 to vector<16xf32>
    %swap3A_15 = arith.constant 48 : index
    %swap3A_16 = tpu.vector_load %arg12[%swap3A_15] {strides = array<i32>} : memref<128xf32, #tpu.memory_space<vmem>>, vector<16xf32>,
    tpu.vector_store %arg12[%swap3A_15], %broadcast_in_dim3A_14 {strides = array<i32>} : memref<128xf32, #tpu.memory_space<vmem>>, vector<16xf32>,
    %broadcast_in_dim3A_17 = arith.constant 1.000000e+00 : f32
    %broadcast_in_dim3A_18 = vector.broadcast %broadcast_in_dim3A_17 : f32 to vector<16xf32>
    %swap3A_19 = arith.constant 64 : index
    %swap3A_20 = tpu.vector_load %arg12[%swap3A_19] {strides = array<i32>} : memref<128xf32, #tpu.memory_space<vmem>>, vector<16xf32>,
    tpu.vector_store %arg12[%swap3A_19], %broadcast_in_dim3A_18 {strides = array<i32>} : memref<128xf32, #tpu.memory_space<vmem>>, vector<16xf32>,
    %broadcast_in_dim3A_21 = arith.constant 1.000000e+00 : f32
    %broadcast_in_dim3A_22 = vector.broadcast %broadcast_in_dim3A_21 : f32 to vector<16xf32>
    %swap3A_23 = arith.constant 80 : index
    %swap3A_24 = tpu.vector_load %arg12[%swap3A_23] {strides = array<i32>} : memref<128xf32, #tpu.memory_space<vmem>>, vector<16xf32>,
    tpu.vector_store %arg12[%swap3A_23], %broadcast_in_dim3A_22 {strides = array<i32>} : memref<128xf32, #tpu.memory_space<vmem>>, vector<16xf32>,
    %broadcast_in_dim3A_25 = arith.constant 1.000000e+00 : f32
    %broadcast_in_dim3A_26 = vector.broadcast %broadcast_in_dim3A_25 : f32 to vector<16xf32>
    %swap3A_27 = arith.constant 96 : index
    %swap3A_28 = tpu.vector_load %arg12[%swap3A_27] {strides = array<i32>} : memref<128xf32, #tpu.memory_space<vmem>>, vector<16xf32>,
    tpu.vector_store %arg12[%swap3A_27], %broadcast_in_dim3A_26 {strides = array<i32>} : memref<128xf32, #tpu.memory_space<vmem>>, vector<16xf32>,
    %broadcast_in_dim3A_29 = arith.constant 1.000000e+00 : f32
    %broadcast_in_dim3A_30 = vector.broadcast %broadcast_in_dim3A_29 : f32 to vector<16xf32>
    %swap3A_31 = arith.constant 112 : index
    %swap3A_32 = tpu.vector_load %arg12[%swap3A_31] {strides = array<i32>} : memref<128xf32, #tpu.memory_space<vmem>>, vector<16xf32>,
    tpu.vector_store %arg12[%swap3A_31], %broadcast_in_dim3A_30 {strides = array<i32>} : memref<128xf32, #tpu.memory_space<vmem>>, vector<16xf32>,
    %barrier3A = arith.constant 0 : index
    tpu.barrier barrier_id(%barrier3A)
    %dma_start3A = arith.constant 0 : i32
    %dma_start3A_33 = arith.constant 0 : i32
    %dma_start3A_34 = arith.constant 0 : i32
    %dma_start3A_35 = arith.constant 0 : i32
    %dma_start3A_36 = arith.constant 0 : i32
    %dma_start3A_37 = arith.constant 0 : i32
    %dma_start3A_38 = tpu.memref_slice %arg11[%dma_start3A_33, %dma_start3A_34, %dma_start3A_36, %dma_start3A_37] : memref<2x8x128x32xf32, #tpu.memory_space<vmem>> -> memref<1x1x128x32xf32, #tpu.memory_space<vmem>>
    %dma_start3A_39 = tpu.memref_squeeze %dma_start3A_38 : memref<1x1x128x32xf32, #tpu.memory_space<vmem>> -> memref<128x32xf32, #tpu.memory_space<vmem>>
    %dma_start3A_40 = arith.constant 0 : i32
    %dma_start3A_41 = tpu.memref_slice %arg9[%dma_start3A, %dma_start3A_40] : memref<80x128xi32, #tpu.memory_space<vmem>> -> memref<1x128xi32, #tpu.memory_space<vmem>>
    %dma_start3A_42 = tpu.memref_squeeze %dma_start3A_41 : memref<1x128xi32, #tpu.memory_space<vmem>> -> memref<128xi32, #tpu.memory_space<vmem>>
    %dma_start3A_43 = arith.constant 0 : i32
    %dma_start3A_44 = arith.constant 0 : i32
    %dma_start3A_45 = tpu.memref_slice %arg15[%dma_start3A_43, %dma_start3A_44] : memref<10240x32xf32, #tpu.memory_space<vmem_shared>> -> memref<10240x32xf32, #tpu.memory_space<vmem_shared>>
    %dma_start3A_46 = tpu.memref_slice %arg16[%dma_start3A_35] : memref<2x!tpu.dma_semaphore, #tpu.memory_space<semaphore_mem>> -> memref<1x!tpu.dma_semaphore, #tpu.memory_space<semaphore_mem>>
    %dma_start3A_47 = tpu.memref_squeeze %dma_start3A_46 : memref<1x!tpu.dma_semaphore, #tpu.memory_space<semaphore_mem>> -> memref<!tpu.dma_semaphore, #tpu.memory_space<semaphore_mem>>
    tpu.enqueue_indirect_dma source(%dma_start3A_45 : memref<10240x32xf32, #tpu.memory_space<vmem_shared>>) target(%dma_start3A_39 : memref<128x32xf32, #tpu.memory_space<vmem>>) offsets(%dma_start3A_42 : memref<128xi32, #tpu.memory_space<vmem>>) semaphore(%dma_start3A_47 : memref<!tpu.dma_semaphore, #tpu.memory_space<semaphore_mem>>)
    %dma_start3A_48 = arith.constant 1 : i32
    %dma_start3A_49 = arith.constant 0 : i32
    %dma_start3A_50 = arith.constant 1 : i32
    %dma_start3A_51 = arith.constant 0 : i32
    %dma_start3A_52 = arith.constant 0 : i32
    %dma_start3A_53 = arith.constant 0 : i32
    %dma_start3A_54 = tpu.memref_slice %arg11[%dma_start3A_49, %dma_start3A_50, %dma_start3A_52, %dma_start3A_53] : memref<2x8x128x32xf32, #tpu.memory_space<vmem>> -> memref<1x1x128x32xf32, #tpu.memory_space<vmem>>
    %dma_start3A_55 = tpu.memref_squeeze %dma_start3A_54 : memref<1x1x128x32xf32, #tpu.memory_space<vmem>> -> memref<128x32xf32, #tpu.memory_space<vmem>>
    %dma_start3A_56 = arith.constant 0 : i32
    %dma_start3A_57 = tpu.memref_slice %arg9[%dma_start3A_48, %dma_start3A_56] : memref<80x128xi32, #tpu.memory_space<vmem>> -> memref<1x128xi32, #tpu.memory_space<vmem>>
    %dma_start3A_58 = tpu.memref_squeeze %dma_start3A_57 : memref<1x128xi32, #tpu.memory_space<vmem>> -> memref<128xi32, #tpu.memory_space<vmem>>
    %dma_start3A_59 = arith.constant 0 : i32
    %dma_start3A_60 = arith.constant 0 : i32
    %dma_start3A_61 = tpu.memref_slice %arg15[%dma_start3A_59, %dma_start3A_60] : memref<10240x32xf32, #tpu.memory_space<vmem_shared>> -> memref<10240x32xf32, #tpu.memory_space<vmem_shared>>
    %dma_start3A_62 = tpu.memref_slice %arg16[%dma_start3A_51] : memref<2x!tpu.dma_semaphore, #tpu.memory_space<semaphore_mem>> -> memref<1x!tpu.dma_semaphore, #tpu.memory_space<semaphore_mem>>
    %dma_start3A_63 = tpu.memref_squeeze %dma_start3A_62 : memref<1x!tpu.dma_semaphore, #tpu.memory_space<semaphore_mem>> -> memref<!tpu.dma_semaphore, #tpu.memory_space<semaphore_mem>>
    tpu.enqueue_indirect_dma source(%dma_start3A_61 : memref<10240x32xf32, #tpu.memory_space<vmem_shared>>) target(%dma_start3A_55 : memref<128x32xf32, #tpu.memory_space<vmem>>) offsets(%dma_start3A_58 : memref<128xi32, #tpu.memory_space<vmem>>) semaphore(%dma_start3A_63 : memref<!tpu.dma_semaphore, #tpu.memory_space<semaphore_mem>>)
    %dma_start3A_64 = arith.constant 2 : i32
    %dma_start3A_65 = arith.constant 0 : i32
    %dma_start3A_66 = arith.constant 2 : i32
    %dma_start3A_67 = arith.constant 0 : i32
    %dma_start3A_68 = arith.constant 0 : i32
    %dma_start3A_69 = arith.constant 0 : i32
    %dma_start3A_70 = tpu.memref_slice %arg11[%dma_start3A_65, %dma_start3A_66, %dma_start3A_68, %dma_start3A_69] : memref<2x8x128x32xf32, #tpu.memory_space<vmem>> -> memref<1x1x128x32xf32, #tpu.memory_space<vmem>>
    %dma_start3A_71 = tpu.memref_squeeze %dma_start3A_70 : memref<1x1x128x32xf32, #tpu.memory_space<vmem>> -> memref<128x32xf32, #tpu.memory_space<vmem>>
    %dma_start3A_72 = arith.constant 0 : i32
    %dma_start3A_73 = tpu.memref_slice %arg9[%dma_start3A_64, %dma_start3A_72] : memref<80x128xi32, #tpu.memory_space<vmem>> -> memref<1x128xi32, #tpu.memory_space<vmem>>
    %dma_start3A_74 = tpu.memref_squeeze %dma_start3A_73 : memref<1x128xi32, #tpu.memory_space<vmem>> -> memref<128xi32, #tpu.memory_space<vmem>>
    %dma_start3A_75 = arith.constant 0 : i32
    %dma_start3A_76 = arith.constant 0 : i32
    %dma_start3A_77 = tpu.memref_slice %arg15[%dma_start3A_75, %dma_start3A_76] : memref<10240x32xf32, #tpu.memory_space<vmem_shared>> -> memref<10240x32xf32, #tpu.memory_space<vmem_shared>>
    %dma_start3A_78 = tpu.memref_slice %arg16[%dma_start3A_67] : memref<2x!tpu.dma_semaphore, #tpu.memory_space<semaphore_mem>> -> memref<1x!tpu.dma_semaphore, #tpu.memory_space<semaphore_mem>>
    %dma_start3A_79 = tpu.memref_squeeze %dma_start3A_78 : memref<1x!tpu.dma_semaphore, #tpu.memory_space<semaphore_mem>> -> memref<!tpu.dma_semaphore, #tpu.memory_space<semaphore_mem>>
    tpu.enqueue_indirect_dma source(%dma_start3A_77 : memref<10240x32xf32, #tpu.memory_space<vmem_shared>>) target(%dma_start3A_71 : memref<128x32xf32, #tpu.memory_space<vmem>>) offsets(%dma_start3A_74 : memref<128xi32, #tpu.memory_space<vmem>>) semaphore(%dma_start3A_79 : memref<!tpu.dma_semaphore, #tpu.memory_space<semaphore_mem>>)
    %dma_start3A_80 = arith.constant 3 : i32
    %dma_start3A_81 = arith.constant 0 : i32
    %dma_start3A_82 = arith.constant 3 : i32
    %dma_start3A_83 = arith.constant 0 : i32
    %dma_start3A_84 = arith.constant 0 : i32
    %dma_start3A_85 = arith.constant 0 : i32
    %dma_start3A_86 = tpu.memref_slice %arg11[%dma_start3A_81, %dma_start3A_82, %dma_start3A_84, %dma_start3A_85] : memref<2x8x128x32xf32, #tpu.memory_space<vmem>> -> memref<1x1x128x32xf32, #tpu.memory_space<vmem>>
    %dma_start3A_87 = tpu.memref_squeeze %dma_start3A_86 : memref<1x1x128x32xf32, #tpu.memory_space<vmem>> -> memref<128x32xf32, #tpu.memory_space<vmem>>
    %dma_start3A_88 = arith.constant 0 : i32
    %dma_start3A_89 = tpu.memref_slice %arg9[%dma_start3A_80, %dma_start3A_88] : memref<80x128xi32, #tpu.memory_space<vmem>> -> memref<1x128xi32, #tpu.memory_space<vmem>>
    %dma_start3A_90 = tpu.memref_squeeze %dma_start3A_89 : memref<1x128xi32, #tpu.memory_space<vmem>> -> memref<128xi32, #tpu.memory_space<vmem>>
    %dma_start3A_91 = arith.constant 0 : i32
    %dma_start3A_92 = arith.constant 0 : i32
    %dma_start3A_93 = tpu.memref_slice %arg15[%dma_start3A_91, %dma_start3A_92] : memref<10240x32xf32, #tpu.memory_space<vmem_shared>> -> memref<10240x32xf32, #tpu.memory_space<vmem_shared>>
    %dma_start3A_94 = tpu.memref_slice %arg16[%dma_start3A_83] : memref<2x!tpu.dma_semaphore, #tpu.memory_space<semaphore_mem>> -> memref<1x!tpu.dma_semaphore, #tpu.memory_space<semaphore_mem>>
    %dma_start3A_95 = tpu.memref_squeeze %dma_start3A_94 : memref<1x!tpu.dma_semaphore, #tpu.memory_space<semaphore_mem>> -> memref<!tpu.dma_semaphore, #tpu.memory_space<semaphore_mem>>
    tpu.enqueue_indirect_dma source(%dma_start3A_93 : memref<10240x32xf32, #tpu.memory_space<vmem_shared>>) target(%dma_start3A_87 : memref<128x32xf32, #tpu.memory_space<vmem>>) offsets(%dma_start3A_90 : memref<128xi32, #tpu.memory_space<vmem>>) semaphore(%dma_start3A_95 : memref<!tpu.dma_semaphore, #tpu.memory_space<semaphore_mem>>)
    %dma_start3A_96 = arith.constant 4 : i32
    %dma_start3A_97 = arith.constant 0 : i32
    %dma_start3A_98 = arith.constant 4 : i32
    %dma_start3A_99 = arith.constant 0 : i32
    %dma_start3A_100 = arith.constant 0 : i32
    %dma_start3A_101 = arith.constant 0 : i32
    %dma_start3A_102 = tpu.memref_slice %arg11[%dma_start3A_97, %dma_start3A_98, %dma_start3A_100, %dma_start3A_101] : memref<2x8x128x32xf32, #tpu.memory_space<vmem>> -> memref<1x1x128x32xf32, #tpu.memory_space<vmem>>
    %dma_start3A_103 = tpu.memref_squeeze %dma_start3A_102 : memref<1x1x128x32xf32, #tpu.memory_space<vmem>> -> memref<128x32xf32, #tpu.memory_space<vmem>>
    %dma_start3A_104 = arith.constant 0 : i32
    %dma_start3A_105 = tpu.memref_slice %arg9[%dma_start3A_96, %dma_start3A_104] : memref<80x128xi32, #tpu.memory_space<vmem>> -> memref<1x128xi32, #tpu.memory_space<vmem>>
    %dma_start3A_106 = tpu.memref_squeeze %dma_start3A_105 : memref<1x128xi32, #tpu.memory_space<vmem>> -> memref<128xi32, #tpu.memory_space<vmem>>
    %dma_start3A_107 = arith.constant 0 : i32
    %dma_start3A_108 = arith.constant 0 : i32
    %dma_start3A_109 = tpu.memref_slice %arg15[%dma_start3A_107, %dma_start3A_108] : memref<10240x32xf32, #tpu.memory_space<vmem_shared>> -> memref<10240x32xf32, #tpu.memory_space<vmem_shared>>
    %dma_start3A_110 = tpu.memref_slice %arg16[%dma_start3A_99] : memref<2x!tpu.dma_semaphore, #tpu.memory_space<semaphore_mem>> -> memref<1x!tpu.dma_semaphore, #tpu.memory_space<semaphore_mem>>
    %dma_start3A_111 = tpu.memref_squeeze %dma_start3A_110 : memref<1x!tpu.dma_semaphore, #tpu.memory_space<semaphore_mem>> -> memref<!tpu.dma_semaphore, #tpu.memory_space<semaphore_mem>>
    tpu.enqueue_indirect_dma source(%dma_start3A_109 : memref<10240x32xf32, #tpu.memory_space<vmem_shared>>) target(%dma_start3A_103 : memref<128x32xf32, #tpu.memory_space<vmem>>) offsets(%dma_start3A_106 : memref<128xi32, #tpu.memory_space<vmem>>) semaphore(%dma_start3A_111 : memref<!tpu.dma_semaphore, #tpu.memory_space<semaphore_mem>>)
    %dma_start3A_112 = arith.constant 5 : i32
    %dma_start3A_113 = arith.constant 0 : i32
    %dma_start3A_114 = arith.constant 5 : i32
    %dma_start3A_115 = arith.constant 0 : i32
    %dma_start3A_116 = arith.constant 0 : i32
    %dma_start3A_117 = arith.constant 0 : i32
    %dma_start3A_118 = tpu.memref_slice %arg11[%dma_start3A_113, %dma_start3A_114, %dma_start3A_116, %dma_start3A_117] : memref<2x8x128x32xf32, #tpu.memory_space<vmem>> -> memref<1x1x128x32xf32, #tpu.memory_space<vmem>>
    %dma_start3A_119 = tpu.memref_squeeze %dma_start3A_118 : memref<1x1x128x32xf32, #tpu.memory_space<vmem>> -> memref<128x32xf32, #tpu.memory_space<vmem>>
    %dma_start3A_120 = arith.constant 0 : i32
    %dma_start3A_121 = tpu.memref_slice %arg9[%dma_start3A_112, %dma_start3A_120] : memref<80x128xi32, #tpu.memory_space<vmem>> -> memref<1x128xi32, #tpu.memory_space<vmem>>
    %dma_start3A_122 = tpu.memref_squeeze %dma_start3A_121 : memref<1x128xi32, #tpu.memory_space<vmem>> -> memref<128xi32, #tpu.memory_space<vmem>>
    %dma_start3A_123 = arith.constant 0 : i32
    %dma_start3A_124 = arith.constant 0 : i32
    %dma_start3A_125 = tpu.memref_slice %arg15[%dma_start3A_123, %dma_start3A_124] : memref<10240x32xf32, #tpu.memory_space<vmem_shared>> -> memref<10240x32xf32, #tpu.memory_space<vmem_shared>>
    %dma_start3A_126 = tpu.memref_slice %arg16[%dma_start3A_115] : memref<2x!tpu.dma_semaphore, #tpu.memory_space<semaphore_mem>> -> memref<1x!tpu.dma_semaphore, #tpu.memory_space<semaphore_mem>>
    %dma_start3A_127 = tpu.memref_squeeze %dma_start3A_126 : memref<1x!tpu.dma_semaphore, #tpu.memory_space<semaphore_mem>> -> memref<!tpu.dma_semaphore, #tpu.memory_space<semaphore_mem>>
    tpu.enqueue_indirect_dma source(%dma_start3A_125 : memref<10240x32xf32, #tpu.memory_space<vmem_shared>>) target(%dma_start3A_119 : memref<128x32xf32, #tpu.memory_space<vmem>>) offsets(%dma_start3A_122 : memref<128xi32, #tpu.memory_space<vmem>>) semaphore(%dma_start3A_127 : memref<!tpu.dma_semaphore, #tpu.memory_space<semaphore_mem>>)
    %dma_start3A_128 = arith.constant 6 : i32
    %dma_start3A_129 = arith.constant 0 : i32
    %dma_start3A_130 = arith.constant 6 : i32
    %dma_start3A_131 = arith.constant 0 : i32
    %dma_start3A_132 = arith.constant 0 : i32
    %dma_start3A_133 = arith.constant 0 : i32
    %dma_start3A_134 = tpu.memref_slice %arg11[%dma_start3A_129, %dma_start3A_130, %dma_start3A_132, %dma_start3A_133] : memref<2x8x128x32xf32, #tpu.memory_space<vmem>> -> memref<1x1x128x32xf32, #tpu.memory_space<vmem>>
    %dma_start3A_135 = tpu.memref_squeeze %dma_start3A_134 : memref<1x1x128x32xf32, #tpu.memory_space<vmem>> -> memref<128x32xf32, #tpu.memory_space<vmem>>
    %dma_start3A_136 = arith.constant 0 : i32
    %dma_start3A_137 = tpu.memref_slice %arg9[%dma_start3A_128, %dma_start3A_136] : memref<80x128xi32, #tpu.memory_space<vmem>> -> memref<1x128xi32, #tpu.memory_space<vmem>>
    %dma_start3A_138 = tpu.memref_squeeze %dma_start3A_137 : memref<1x128xi32, #tpu.memory_space<vmem>> -> memref<128xi32, #tpu.memory_space<vmem>>
    %dma_start3A_139 = arith.constant 0 : i32
    %dma_start3A_140 = arith.constant 0 : i32
    %dma_start3A_141 = tpu.memref_slice %arg15[%dma_start3A_139, %dma_start3A_140] : memref<10240x32xf32, #tpu.memory_space<vmem_shared>> -> memref<10240x32xf32, #tpu.memory_space<vmem_shared>>
    %dma_start3A_142 = tpu.memref_slice %arg16[%dma_start3A_131] : memref<2x!tpu.dma_semaphore, #tpu.memory_space<semaphore_mem>> -> memref<1x!tpu.dma_semaphore, #tpu.memory_space<semaphore_mem>>
    %dma_start3A_143 = tpu.memref_squeeze %dma_start3A_142 : memref<1x!tpu.dma_semaphore, #tpu.memory_space<semaphore_mem>> -> memref<!tpu.dma_semaphore, #tpu.memory_space<semaphore_mem>>
    tpu.enqueue_indirect_dma source(%dma_start3A_141 : memref<10240x32xf32, #tpu.memory_space<vmem_shared>>) target(%dma_start3A_135 : memref<128x32xf32, #tpu.memory_space<vmem>>) offsets(%dma_start3A_138 : memref<128xi32, #tpu.memory_space<vmem>>) semaphore(%dma_start3A_143 : memref<!tpu.dma_semaphore, #tpu.memory_space<semaphore_mem>>)
    %dma_start3A_144 = arith.constant 7 : i32
    %dma_start3A_145 = arith.constant 0 : i32
    %dma_start3A_146 = arith.constant 7 : i32
    %dma_start3A_147 = arith.constant 0 : i32
    %dma_start3A_148 = arith.constant 0 : i32
    %dma_start3A_149 = arith.constant 0 : i32
    %dma_start3A_150 = tpu.memref_slice %arg11[%dma_start3A_145, %dma_start3A_146, %dma_start3A_148, %dma_start3A_149] : memref<2x8x128x32xf32, #tpu.memory_space<vmem>> -> memref<1x1x128x32xf32, #tpu.memory_space<vmem>>
    %dma_start3A_151 = tpu.memref_squeeze %dma_start3A_150 : memref<1x1x128x32xf32, #tpu.memory_space<vmem>> -> memref<128x32xf32, #tpu.memory_space<vmem>>
    %dma_start3A_152 = arith.constant 0 : i32
    %dma_start3A_153 = tpu.memref_slice %arg9[%dma_start3A_144, %dma_start3A_152] : memref<80x128xi32, #tpu.memory_space<vmem>> -> memref<1x128xi32, #tpu.memory_space<vmem>>
    %dma_start3A_154 = tpu.memref_squeeze %dma_start3A_153 : memref<1x128xi32, #tpu.memory_space<vmem>> -> memref<128xi32, #tpu.memory_space<vmem>>
    %dma_start3A_155 = arith.constant 0 : i32
    %dma_start3A_156 = arith.constant 0 : i32
    %dma_start3A_157 = tpu.memref_slice %arg15[%dma_start3A_155, %dma_start3A_156] : memref<10240x32xf32, #tpu.memory_space<vmem_shared>> -> memref<10240x32xf32, #tpu.memory_space<vmem_shared>>
    %dma_start3A_158 = tpu.memref_slice %arg16[%dma_start3A_147] : memref<2x!tpu.dma_semaphore, #tpu.memory_space<semaphore_mem>> -> memref<1x!tpu.dma_semaphore, #tpu.memory_space<semaphore_mem>>
    %dma_start3A_159 = tpu.memref_squeeze %dma_start3A_158 : memref<1x!tpu.dma_semaphore, #tpu.memory_space<semaphore_mem>> -> memref<!tpu.dma_semaphore, #tpu.memory_space<semaphore_mem>>
    tpu.enqueue_indirect_dma source(%dma_start3A_157 : memref<10240x32xf32, #tpu.memory_space<vmem_shared>>) target(%dma_start3A_151 : memref<128x32xf32, #tpu.memory_space<vmem>>) offsets(%dma_start3A_154 : memref<128xi32, #tpu.memory_space<vmem>>) semaphore(%dma_start3A_159 : memref<!tpu.dma_semaphore, #tpu.memory_space<semaphore_mem>>)
    %scan3A = arith.constant 0 : i32
    %scan3A_160 = arith.constant 0 : i32
    %scan3A_161 = arith.constant 5 : i32
    %scan3A_162 = arith.addi %scan3A_160, %scan3A_161 : i32
    %scan3A_163 = arith.constant 1 : i32
    scf.for %scan3A_172 = %scan3A_160 to %scan3A_162 step %scan3A_163  : i32 {
      %mul3A_173 = arith.constant 2 : i32
      %mul3A_174 = arith.muli %scan3A_172, %mul3A_173 : i32
      %add3A_175 = arith.constant 0 : i32
      %add3A_176 = arith.addi %mul3A_174, %add3A_175 : i32
      %mul3A_177 = arith.constant 8 : i32
      %mul3A_178 = arith.muli %add3A_176, %mul3A_177 : i32
      %add3A_179 = arith.constant 0 : i32
      %add3A_180 = arith.addi %mul3A_178, %add3A_179 : i32
      %dma_wait3A = arith.constant 0 : i32
      %dma_wait3A_181 = arith.constant 0 : i32
      %dma_wait3A_182 = arith.constant 0 : i32
      %dma_wait3A_183 = arith.constant 0 : i32
      %dma_wait3A_184 = arith.constant 0 : i32
      %dma_wait3A_185 = tpu.memref_slice %arg11[%dma_wait3A, %dma_wait3A_181, %dma_wait3A_183, %dma_wait3A_184] : memref<2x8x128x32xf32, #tpu.memory_space<vmem>> -> memref<1x1x128x32xf32, #tpu.memory_space<vmem>>
      %dma_wait3A_186 = tpu.memref_squeeze %dma_wait3A_185 : memref<1x1x128x32xf32, #tpu.memory_space<vmem>> -> memref<128x32xf32, #tpu.memory_space<vmem>>
      %dma_wait3A_187 = arith.constant 0 : i32
      %dma_wait3A_188 = tpu.memref_slice %arg9[%add3A_180, %dma_wait3A_187] : memref<80x128xi32, #tpu.memory_space<vmem>> -> memref<1x128xi32, #tpu.memory_space<vmem>>
      %dma_wait3A_189 = tpu.memref_squeeze %dma_wait3A_188 : memref<1x128xi32, #tpu.memory_space<vmem>> -> memref<128xi32, #tpu.memory_space<vmem>>
      %dma_wait3A_190 = arith.constant 0 : i32
      %dma_wait3A_191 = arith.constant 0 : i32
      %dma_wait3A_192 = tpu.memref_slice %arg15[%dma_wait3A_190, %dma_wait3A_191] : memref<10240x32xf32, #tpu.memory_space<vmem_shared>> -> memref<10240x32xf32, #tpu.memory_space<vmem_shared>>
      %dma_wait3A_193 = tpu.memref_slice %arg16[%dma_wait3A_182] : memref<2x!tpu.dma_semaphore, #tpu.memory_space<semaphore_mem>> -> memref<1x!tpu.dma_semaphore, #tpu.memory_space<semaphore_mem>>
      %dma_wait3A_194 = tpu.memref_squeeze %dma_wait3A_193 : memref<1x!tpu.dma_semaphore, #tpu.memory_space<semaphore_mem>> -> memref<!tpu.dma_semaphore, #tpu.memory_space<semaphore_mem>>
      tpu.wait_indirect_dma semaphore(%dma_wait3A_194 : memref<!tpu.dma_semaphore, #tpu.memory_space<semaphore_mem>>) src(%dma_wait3A_192 : memref<10240x32xf32, #tpu.memory_space<vmem_shared>>) dst(%dma_wait3A_186 : memref<128x32xf32, #tpu.memory_space<vmem>>)
      %add3A_195 = arith.constant 1 : i32
      %add3A_196 = arith.addi %mul3A_178, %add3A_195 : i32
      %dma_wait3A_197 = arith.constant 0 : i32
      %dma_wait3A_198 = arith.constant 1 : i32
      %dma_wait3A_199 = arith.constant 0 : i32
      %dma_wait3A_200 = arith.constant 0 : i32
      %dma_wait3A_201 = arith.constant 0 : i32
      %dma_wait3A_202 = tpu.memref_slice %arg11[%dma_wait3A_197, %dma_wait3A_198, %dma_wait3A_200, %dma_wait3A_201] : memref<2x8x128x32xf32, #tpu.memory_space<vmem>> -> memref<1x1x128x32xf32, #tpu.memory_space<vmem>>
      %dma_wait3A_203 = tpu.memref_squeeze %dma_wait3A_202 : memref<1x1x128x32xf32, #tpu.memory_space<vmem>> -> memref<128x32xf32, #tpu.memory_space<vmem>>
      %dma_wait3A_204 = arith.constant 0 : i32
      %dma_wait3A_205 = tpu.memref_slice %arg9[%add3A_196, %dma_wait3A_204] : memref<80x128xi32, #tpu.memory_space<vmem>> -> memref<1x128xi32, #tpu.memory_space<vmem>>
      %dma_wait3A_206 = tpu.memref_squeeze %dma_wait3A_205 : memref<1x128xi32, #tpu.memory_space<vmem>> -> memref<128xi32, #tpu.memory_space<vmem>>
      %dma_wait3A_207 = arith.constant 0 : i32
      %dma_wait3A_208 = arith.constant 0 : i32
      %dma_wait3A_209 = tpu.memref_slice %arg15[%dma_wait3A_207, %dma_wait3A_208] : memref<10240x32xf32, #tpu.memory_space<vmem_shared>> -> memref<10240x32xf32, #tpu.memory_space<vmem_shared>>
      %dma_wait3A_210 = tpu.memref_slice %arg16[%dma_wait3A_199] : memref<2x!tpu.dma_semaphore, #tpu.memory_space<semaphore_mem>> -> memref<1x!tpu.dma_semaphore, #tpu.memory_space<semaphore_mem>>
      %dma_wait3A_211 = tpu.memref_squeeze %dma_wait3A_210 : memref<1x!tpu.dma_semaphore, #tpu.memory_space<semaphore_mem>> -> memref<!tpu.dma_semaphore, #tpu.memory_space<semaphore_mem>>
      tpu.wait_indirect_dma semaphore(%dma_wait3A_211 : memref<!tpu.dma_semaphore, #tpu.memory_space<semaphore_mem>>) src(%dma_wait3A_209 : memref<10240x32xf32, #tpu.memory_space<vmem_shared>>) dst(%dma_wait3A_203 : memref<128x32xf32, #tpu.memory_space<vmem>>)
      %add3A_212 = arith.constant 2 : i32
      %add3A_213 = arith.addi %mul3A_178, %add3A_212 : i32
      %dma_wait3A_214 = arith.constant 0 : i32
      %dma_wait3A_215 = arith.constant 2 : i32
      %dma_wait3A_216 = arith.constant 0 : i32
      %dma_wait3A_217 = arith.constant 0 : i32
      %dma_wait3A_218 = arith.constant 0 : i32
      %dma_wait3A_219 = tpu.memref_slice %arg11[%dma_wait3A_214, %dma_wait3A_215, %dma_wait3A_217, %dma_wait3A_218] : memref<2x8x128x32xf32, #tpu.memory_space<vmem>> -> memref<1x1x128x32xf32, #tpu.memory_space<vmem>>
      %dma_wait3A_220 = tpu.memref_squeeze %dma_wait3A_219 : memref<1x1x128x32xf32, #tpu.memory_space<vmem>> -> memref<128x32xf32, #tpu.memory_space<vmem>>
      %dma_wait3A_221 = arith.constant 0 : i32
      %dma_wait3A_222 = tpu.memref_slice %arg9[%add3A_213, %dma_wait3A_221] : memref<80x128xi32, #tpu.memory_space<vmem>> -> memref<1x128xi32, #tpu.memory_space<vmem>>
      %dma_wait3A_223 = tpu.memref_squeeze %dma_wait3A_222 : memref<1x128xi32, #tpu.memory_space<vmem>> -> memref<128xi32, #tpu.memory_space<vmem>>
      %dma_wait3A_224 = arith.constant 0 : i32
      %dma_wait3A_225 = arith.constant 0 : i32
      %dma_wait3A_226 = tpu.memref_slice %arg15[%dma_wait3A_224, %dma_wait3A_225] : memref<10240x32xf32, #tpu.memory_space<vmem_shared>> -> memref<10240x32xf32, #tpu.memory_space<vmem_shared>>
      %dma_wait3A_227 = tpu.memref_slice %arg16[%dma_wait3A_216] : memref<2x!tpu.dma_semaphore, #tpu.memory_space<semaphore_mem>> -> memref<1x!tpu.dma_semaphore, #tpu.memory_space<semaphore_mem>>
      %dma_wait3A_228 = tpu.memref_squeeze %dma_wait3A_227 : memref<1x!tpu.dma_semaphore, #tpu.memory_space<semaphore_mem>> -> memref<!tpu.dma_semaphore, #tpu.memory_space<semaphore_mem>>
      tpu.wait_indirect_dma semaphore(%dma_wait3A_228 : memref<!tpu.dma_semaphore, #tpu.memory_space<semaphore_mem>>) src(%dma_wait3A_226 : memref<10240x32xf32, #tpu.memory_space<vmem_shared>>) dst(%dma_wait3A_220 : memref<128x32xf32, #tpu.memory_space<vmem>>)
      %add3A_229 = arith.constant 3 : i32
      %add3A_230 = arith.addi %mul3A_178, %add3A_229 : i32
      %dma_wait3A_231 = arith.constant 0 : i32
      %dma_wait3A_232 = arith.constant 3 : i32
      %dma_wait3A_233 = arith.constant 0 : i32
      %dma_wait3A_234 = arith.constant 0 : i32
      %dma_wait3A_235 = arith.constant 0 : i32
      %dma_wait3A_236 = tpu.memref_slice %arg11[%dma_wait3A_231, %dma_wait3A_232, %dma_wait3A_234, %dma_wait3A_235] : memref<2x8x128x32xf32, #tpu.memory_space<vmem>> -> memref<1x1x128x32xf32, #tpu.memory_space<vmem>>
      %dma_wait3A_237 = tpu.memref_squeeze %dma_wait3A_236 : memref<1x1x128x32xf32, #tpu.memory_space<vmem>> -> memref<128x32xf32, #tpu.memory_space<vmem>>
      %dma_wait3A_238 = arith.constant 0 : i32
      %dma_wait3A_239 = tpu.memref_slice %arg9[%add3A_230, %dma_wait3A_238] : memref<80x128xi32, #tpu.memory_space<vmem>> -> memref<1x128xi32, #tpu.memory_space<vmem>>
      %dma_wait3A_240 = tpu.memref_squeeze %dma_wait3A_239 : memref<1x128xi32, #tpu.memory_space<vmem>> -> memref<128xi32, #tpu.memory_space<vmem>>
      %dma_wait3A_241 = arith.constant 0 : i32
      %dma_wait3A_242 = arith.constant 0 : i32
      %dma_wait3A_243 = tpu.memref_slice %arg15[%dma_wait3A_241, %dma_wait3A_242] : memref<10240x32xf32, #tpu.memory_space<vmem_shared>> -> memref<10240x32xf32, #tpu.memory_space<vmem_shared>>
      %dma_wait3A_244 = tpu.memref_slice %arg16[%dma_wait3A_233] : memref<2x!tpu.dma_semaphore, #tpu.memory_space<semaphore_mem>> -> memref<1x!tpu.dma_semaphore, #tpu.memory_space<semaphore_mem>>
      %dma_wait3A_245 = tpu.memref_squeeze %dma_wait3A_244 : memref<1x!tpu.dma_semaphore, #tpu.memory_space<semaphore_mem>> -> memref<!tpu.dma_semaphore, #tpu.memory_space<semaphore_mem>>
      tpu.wait_indirect_dma semaphore(%dma_wait3A_245 : memref<!tpu.dma_semaphore, #tpu.memory_space<semaphore_mem>>) src(%dma_wait3A_243 : memref<10240x32xf32, #tpu.memory_space<vmem_shared>>) dst(%dma_wait3A_237 : memref<128x32xf32, #tpu.memory_space<vmem>>)
      %add3A_246 = arith.constant 4 : i32
      %add3A_247 = arith.addi %mul3A_178, %add3A_246 : i32
      %dma_wait3A_248 = arith.constant 0 : i32
      %dma_wait3A_249 = arith.constant 4 : i32
      %dma_wait3A_250 = arith.constant 0 : i32
      %dma_wait3A_251 = arith.constant 0 : i32
      %dma_wait3A_252 = arith.constant 0 : i32
      %dma_wait3A_253 = tpu.memref_slice %arg11[%dma_wait3A_248, %dma_wait3A_249, %dma_wait3A_251, %dma_wait3A_252] : memref<2x8x128x32xf32, #tpu.memory_space<vmem>> -> memref<1x1x128x32xf32, #tpu.memory_space<vmem>>
      %dma_wait3A_254 = tpu.memref_squeeze %dma_wait3A_253 : memref<1x1x128x32xf32, #tpu.memory_space<vmem>> -> memref<128x32xf32, #tpu.memory_space<vmem>>
      %dma_wait3A_255 = arith.constant 0 : i32
      %dma_wait3A_256 = tpu.memref_slice %arg9[%add3A_247, %dma_wait3A_255] : memref<80x128xi32, #tpu.memory_space<vmem>> -> memref<1x128xi32, #tpu.memory_space<vmem>>
      %dma_wait3A_257 = tpu.memref_squeeze %dma_wait3A_256 : memref<1x128xi32, #tpu.memory_space<vmem>> -> memref<128xi32, #tpu.memory_space<vmem>>
      %dma_wait3A_258 = arith.constant 0 : i32
      %dma_wait3A_259 = arith.constant 0 : i32
      %dma_wait3A_260 = tpu.memref_slice %arg15[%dma_wait3A_258, %dma_wait3A_259] : memref<10240x32xf32, #tpu.memory_space<vmem_shared>> -> memref<10240x32xf32, #tpu.memory_space<vmem_shared>>
      %dma_wait3A_261 = tpu.memref_slice %arg16[%dma_wait3A_250] : memref<2x!tpu.dma_semaphore, #tpu.memory_space<semaphore_mem>> -> memref<1x!tpu.dma_semaphore, #tpu.memory_space<semaphore_mem>>
      %dma_wait3A_262 = tpu.memref_squeeze %dma_wait3A_261 : memref<1x!tpu.dma_semaphore, #tpu.memory_space<semaphore_mem>> -> memref<!tpu.dma_semaphore, #tpu.memory_space<semaphore_mem>>
      tpu.wait_indirect_dma semaphore(%dma_wait3A_262 : memref<!tpu.dma_semaphore, #tpu.memory_space<semaphore_mem>>) src(%dma_wait3A_260 : memref<10240x32xf32, #tpu.memory_space<vmem_shared>>) dst(%dma_wait3A_254 : memref<128x32xf32, #tpu.memory_space<vmem>>)
      %add3A_263 = arith.constant 5 : i32
      %add3A_264 = arith.addi %mul3A_178, %add3A_263 : i32
      %dma_wait3A_265 = arith.constant 0 : i32
      %dma_wait3A_266 = arith.constant 5 : i32
      %dma_wait3A_267 = arith.constant 0 : i32
      %dma_wait3A_268 = arith.constant 0 : i32
      %dma_wait3A_269 = arith.constant 0 : i32
      %dma_wait3A_270 = tpu.memref_slice %arg11[%dma_wait3A_265, %dma_wait3A_266, %dma_wait3A_268, %dma_wait3A_269] : memref<2x8x128x32xf32, #tpu.memory_space<vmem>> -> memref<1x1x128x32xf32, #tpu.memory_space<vmem>>
      %dma_wait3A_271 = tpu.memref_squeeze %dma_wait3A_270 : memref<1x1x128x32xf32, #tpu.memory_space<vmem>> -> memref<128x32xf32, #tpu.memory_space<vmem>>
      %dma_wait3A_272 = arith.constant 0 : i32
      %dma_wait3A_273 = tpu.memref_slice %arg9[%add3A_264, %dma_wait3A_272] : memref<80x128xi32, #tpu.memory_space<vmem>> -> memref<1x128xi32, #tpu.memory_space<vmem>>
      %dma_wait3A_274 = tpu.memref_squeeze %dma_wait3A_273 : memref<1x128xi32, #tpu.memory_space<vmem>> -> memref<128xi32, #tpu.memory_space<vmem>>
      %dma_wait3A_275 = arith.constant 0 : i32
      %dma_wait3A_276 = arith.constant 0 : i32
      %dma_wait3A_277 = tpu.memref_slice %arg15[%dma_wait3A_275, %dma_wait3A_276] : memref<10240x32xf32, #tpu.memory_space<vmem_shared>> -> memref<10240x32xf32, #tpu.memory_space<vmem_shared>>
      %dma_wait3A_278 = tpu.memref_slice %arg16[%dma_wait3A_267] : memref<2x!tpu.dma_semaphore, #tpu.memory_space<semaphore_mem>> -> memref<1x!tpu.dma_semaphore, #tpu.memory_space<semaphore_mem>>
      %dma_wait3A_279 = tpu.memref_squeeze %dma_wait3A_278 : memref<1x!tpu.dma_semaphore, #tpu.memory_space<semaphore_mem>> -> memref<!tpu.dma_semaphore, #tpu.memory_space<semaphore_mem>>
      tpu.wait_indirect_dma semaphore(%dma_wait3A_279 : memref<!tpu.dma_semaphore, #tpu.memory_space<semaphore_mem>>) src(%dma_wait3A_277 : memref<10240x32xf32, #tpu.memory_space<vmem_shared>>) dst(%dma_wait3A_271 : memref<128x32xf32, #tpu.memory_space<vmem>>)
      %add3A_280 = arith.constant 6 : i32
      %add3A_281 = arith.addi %mul3A_178, %add3A_280 : i32
      %dma_wait3A_282 = arith.constant 0 : i32
      %dma_wait3A_283 = arith.constant 6 : i32
      %dma_wait3A_284 = arith.constant 0 : i32
      %dma_wait3A_285 = arith.constant 0 : i32
      %dma_wait3A_286 = arith.constant 0 : i32
      %dma_wait3A_287 = tpu.memref_slice %arg11[%dma_wait3A_282, %dma_wait3A_283, %dma_wait3A_285, %dma_wait3A_286] : memref<2x8x128x32xf32, #tpu.memory_space<vmem>> -> memref<1x1x128x32xf32, #tpu.memory_space<vmem>>
      %dma_wait3A_288 = tpu.memref_squeeze %dma_wait3A_287 : memref<1x1x128x32xf32, #tpu.memory_space<vmem>> -> memref<128x32xf32, #tpu.memory_space<vmem>>
      %dma_wait3A_289 = arith.constant 0 : i32
      %dma_wait3A_290 = tpu.memref_slice %arg9[%add3A_281, %dma_wait3A_289] : memref<80x128xi32, #tpu.memory_space<vmem>> -> memref<1x128xi32, #tpu.memory_space<vmem>>
      %dma_wait3A_291 = tpu.memref_squeeze %dma_wait3A_290 : memref<1x128xi32, #tpu.memory_space<vmem>> -> memref<128xi32, #tpu.memory_space<vmem>>
      %dma_wait3A_292 = arith.constant 0 : i32
      %dma_wait3A_293 = arith.constant 0 : i32
      %dma_wait3A_294 = tpu.memref_slice %arg15[%dma_wait3A_292, %dma_wait3A_293] : memref<10240x32xf32, #tpu.memory_space<vmem_shared>> -> memref<10240x32xf32, #tpu.memory_space<vmem_shared>>
      %dma_wait3A_295 = tpu.memref_slice %arg16[%dma_wait3A_284] : memref<2x!tpu.dma_semaphore, #tpu.memory_space<semaphore_mem>> -> memref<1x!tpu.dma_semaphore, #tpu.memory_space<semaphore_mem>>
      %dma_wait3A_296 = tpu.memref_squeeze %dma_wait3A_295 : memref<1x!tpu.dma_semaphore, #tpu.memory_space<semaphore_mem>> -> memref<!tpu.dma_semaphore, #tpu.memory_space<semaphore_mem>>
      tpu.wait_indirect_dma semaphore(%dma_wait3A_296 : memref<!tpu.dma_semaphore, #tpu.memory_space<semaphore_mem>>) src(%dma_wait3A_294 : memref<10240x32xf32, #tpu.memory_space<vmem_shared>>) dst(%dma_wait3A_288 : memref<128x32xf32, #tpu.memory_space<vmem>>)
      %add3A_297 = arith.constant 7 : i32
      %add3A_298 = arith.addi %mul3A_178, %add3A_297 : i32
      %dma_wait3A_299 = arith.constant 0 : i32
      %dma_wait3A_300 = arith.constant 7 : i32
      %dma_wait3A_301 = arith.constant 0 : i32
      %dma_wait3A_302 = arith.constant 0 : i32
      %dma_wait3A_303 = arith.constant 0 : i32
      %dma_wait3A_304 = tpu.memref_slice %arg11[%dma_wait3A_299, %dma_wait3A_300, %dma_wait3A_302, %dma_wait3A_303] : memref<2x8x128x32xf32, #tpu.memory_space<vmem>> -> memref<1x1x128x32xf32, #tpu.memory_space<vmem>>
      %dma_wait3A_305 = tpu.memref_squeeze %dma_wait3A_304 : memref<1x1x128x32xf32, #tpu.memory_space<vmem>> -> memref<128x32xf32, #tpu.memory_space<vmem>>
      %dma_wait3A_306 = arith.constant 0 : i32
      %dma_wait3A_307 = tpu.memref_slice %arg9[%add3A_298, %dma_wait3A_306] : memref<80x128xi32, #tpu.memory_space<vmem>> -> memref<1x128xi32, #tpu.memory_space<vmem>>
      %dma_wait3A_308 = tpu.memref_squeeze %dma_wait3A_307 : memref<1x128xi32, #tpu.memory_space<vmem>> -> memref<128xi32, #tpu.memory_space<vmem>>
      %dma_wait3A_309 = arith.constant 0 : i32
      %dma_wait3A_310 = arith.constant 0 : i32
      %dma_wait3A_311 = tpu.memref_slice %arg15[%dma_wait3A_309, %dma_wait3A_310] : memref<10240x32xf32, #tpu.memory_space<vmem_shared>> -> memref<10240x32xf32, #tpu.memory_space<vmem_shared>>
      %dma_wait3A_312 = tpu.memref_slice %arg16[%dma_wait3A_301] : memref<2x!tpu.dma_semaphore, #tpu.memory_space<semaphore_mem>> -> memref<1x!tpu.dma_semaphore, #tpu.memory_space<semaphore_mem>>
      %dma_wait3A_313 = tpu.memref_squeeze %dma_wait3A_312 : memref<1x!tpu.dma_semaphore, #tpu.memory_space<semaphore_mem>> -> memref<!tpu.dma_semaphore, #tpu.memory_space<semaphore_mem>>
      tpu.wait_indirect_dma semaphore(%dma_wait3A_313 : memref<!tpu.dma_semaphore, #tpu.memory_space<semaphore_mem>>) src(%dma_wait3A_311 : memref<10240x32xf32, #tpu.memory_space<vmem_shared>>) dst(%dma_wait3A_305 : memref<128x32xf32, #tpu.memory_space<vmem>>)
      %add3A_314 = arith.constant 0 : i32
      %add3A_315 = arith.addi %mul3A_178, %add3A_314 : i32
      %dma_start3A_316 = arith.constant 0 : i32
      %dma_start3A_317 = arith.constant 0 : i32
      %dma_start3A_318 = arith.constant 0 : i32
      %dma_start3A_319 = arith.constant 0 : i32
      %dma_start3A_320 = arith.constant 0 : i32
      %dma_start3A_321 = tpu.memref_slice %arg11[%dma_start3A_316, %dma_start3A_317, %dma_start3A_319, %dma_start3A_320] : memref<2x8x128x32xf32, #tpu.memory_space<vmem>> -> memref<1x1x128x32xf32, #tpu.memory_space<vmem>>
      %dma_start3A_322 = tpu.memref_squeeze %dma_start3A_321 : memref<1x1x128x32xf32, #tpu.memory_space<vmem>> -> memref<128x32xf32, #tpu.memory_space<vmem>>
      %dma_start3A_323 = arith.constant 0 : i32
      %dma_start3A_324 = tpu.memref_slice %arg10[%add3A_315, %dma_start3A_323] : memref<80x128xi32, #tpu.memory_space<vmem>> -> memref<1x128xi32, #tpu.memory_space<vmem>>
      %dma_start3A_325 = tpu.memref_squeeze %dma_start3A_324 : memref<1x128xi32, #tpu.memory_space<vmem>> -> memref<128xi32, #tpu.memory_space<vmem>>
      %dma_start3A_326 = arith.constant 0 : i32
      %dma_start3A_327 = arith.constant 0 : i32
      %dma_start3A_328 = tpu.memref_slice %arg13[%dma_start3A_326, %dma_start3A_327] : memref<10240x32xf32, #tpu.memory_space<vmem_shared>> -> memref<10240x32xf32, #tpu.memory_space<vmem_shared>>
      %dma_start3A_329 = tpu.memref_slice %arg17[%dma_start3A_318] : memref<2x!tpu.dma_semaphore, #tpu.memory_space<semaphore_mem>> -> memref<1x!tpu.dma_semaphore, #tpu.memory_space<semaphore_mem>>
      %dma_start3A_330 = tpu.memref_squeeze %dma_start3A_329 : memref<1x!tpu.dma_semaphore, #tpu.memory_space<semaphore_mem>> -> memref<!tpu.dma_semaphore, #tpu.memory_space<semaphore_mem>>
      tpu.enqueue_indirect_dma source(%dma_start3A_322 : memref<128x32xf32, #tpu.memory_space<vmem>>) target(%dma_start3A_328 : memref<10240x32xf32, #tpu.memory_space<vmem_shared>>) offsets(%dma_start3A_325 : memref<128xi32, #tpu.memory_space<vmem>>) semaphore(%dma_start3A_330 : memref<!tpu.dma_semaphore, #tpu.memory_space<semaphore_mem>>) {add = true}
      %add3A_331 = arith.constant 1 : i32
      %add3A_332 = arith.addi %mul3A_178, %add3A_331 : i32
      %dma_start3A_333 = arith.constant 0 : i32
      %dma_start3A_334 = arith.constant 1 : i32
      %dma_start3A_335 = arith.constant 0 : i32
      %dma_start3A_336 = arith.constant 0 : i32
      %dma_start3A_337 = arith.constant 0 : i32
      %dma_start3A_338 = tpu.memref_slice %arg11[%dma_start3A_333, %dma_start3A_334, %dma_start3A_336, %dma_start3A_337] : memref<2x8x128x32xf32, #tpu.memory_space<vmem>> -> memref<1x1x128x32xf32, #tpu.memory_space<vmem>>
      %dma_start3A_339 = tpu.memref_squeeze %dma_start3A_338 : memref<1x1x128x32xf32, #tpu.memory_space<vmem>> -> memref<128x32xf32, #tpu.memory_space<vmem>>
      %dma_start3A_340 = arith.constant 0 : i32
      %dma_start3A_341 = tpu.memref_slice %arg10[%add3A_332, %dma_start3A_340] : memref<80x128xi32, #tpu.memory_space<vmem>> -> memref<1x128xi32, #tpu.memory_space<vmem>>
      %dma_start3A_342 = tpu.memref_squeeze %dma_start3A_341 : memref<1x128xi32, #tpu.memory_space<vmem>> -> memref<128xi32, #tpu.memory_space<vmem>>
      %dma_start3A_343 = arith.constant 0 : i32
      %dma_start3A_344 = arith.constant 0 : i32
      %dma_start3A_345 = tpu.memref_slice %arg13[%dma_start3A_343, %dma_start3A_344] : memref<10240x32xf32, #tpu.memory_space<vmem_shared>> -> memref<10240x32xf32, #tpu.memory_space<vmem_shared>>
      %dma_start3A_346 = tpu.memref_slice %arg17[%dma_start3A_335] : memref<2x!tpu.dma_semaphore, #tpu.memory_space<semaphore_mem>> -> memref<1x!tpu.dma_semaphore, #tpu.memory_space<semaphore_mem>>
      %dma_start3A_347 = tpu.memref_squeeze %dma_start3A_346 : memref<1x!tpu.dma_semaphore, #tpu.memory_space<semaphore_mem>> -> memref<!tpu.dma_semaphore, #tpu.memory_space<semaphore_mem>>
      tpu.enqueue_indirect_dma source(%dma_start3A_339 : memref<128x32xf32, #tpu.memory_space<vmem>>) target(%dma_start3A_345 : memref<10240x32xf32, #tpu.memory_space<vmem_shared>>) offsets(%dma_start3A_342 : memref<128xi32, #tpu.memory_space<vmem>>) semaphore(%dma_start3A_347 : memref<!tpu.dma_semaphore, #tpu.memory_space<semaphore_mem>>) {add = true}
      %add3A_348 = arith.constant 2 : i32
      %add3A_349 = arith.addi %mul3A_178, %add3A_348 : i32
      %dma_start3A_350 = arith.constant 0 : i32
      %dma_start3A_351 = arith.constant 2 : i32
      %dma_start3A_352 = arith.constant 0 : i32
      %dma_start3A_353 = arith.constant 0 : i32
      %dma_start3A_354 = arith.constant 0 : i32
      %dma_start3A_355 = tpu.memref_slice %arg11[%dma_start3A_350, %dma_start3A_351, %dma_start3A_353, %dma_start3A_354] : memref<2x8x128x32xf32, #tpu.memory_space<vmem>> -> memref<1x1x128x32xf32, #tpu.memory_space<vmem>>
      %dma_start3A_356 = tpu.memref_squeeze %dma_start3A_355 : memref<1x1x128x32xf32, #tpu.memory_space<vmem>> -> memref<128x32xf32, #tpu.memory_space<vmem>>
      %dma_start3A_357 = arith.constant 0 : i32
      %dma_start3A_358 = tpu.memref_slice %arg10[%add3A_349, %dma_start3A_357] : memref<80x128xi32, #tpu.memory_space<vmem>> -> memref<1x128xi32, #tpu.memory_space<vmem>>
      %dma_start3A_359 = tpu.memref_squeeze %dma_start3A_358 : memref<1x128xi32, #tpu.memory_space<vmem>> -> memref<128xi32, #tpu.memory_space<vmem>>
      %dma_start3A_360 = arith.constant 0 : i32
      %dma_start3A_361 = arith.constant 0 : i32
      %dma_start3A_362 = tpu.memref_slice %arg13[%dma_start3A_360, %dma_start3A_361] : memref<10240x32xf32, #tpu.memory_space<vmem_shared>> -> memref<10240x32xf32, #tpu.memory_space<vmem_shared>>
      %dma_start3A_363 = tpu.memref_slice %arg17[%dma_start3A_352] : memref<2x!tpu.dma_semaphore, #tpu.memory_space<semaphore_mem>> -> memref<1x!tpu.dma_semaphore, #tpu.memory_space<semaphore_mem>>
      %dma_start3A_364 = tpu.memref_squeeze %dma_start3A_363 : memref<1x!tpu.dma_semaphore, #tpu.memory_space<semaphore_mem>> -> memref<!tpu.dma_semaphore, #tpu.memory_space<semaphore_mem>>
      tpu.enqueue_indirect_dma source(%dma_start3A_356 : memref<128x32xf32, #tpu.memory_space<vmem>>) target(%dma_start3A_362 : memref<10240x32xf32, #tpu.memory_space<vmem_shared>>) offsets(%dma_start3A_359 : memref<128xi32, #tpu.memory_space<vmem>>) semaphore(%dma_start3A_364 : memref<!tpu.dma_semaphore, #tpu.memory_space<semaphore_mem>>) {add = true}
      %add3A_365 = arith.constant 3 : i32
      %add3A_366 = arith.addi %mul3A_178, %add3A_365 : i32
      %dma_start3A_367 = arith.constant 0 : i32
      %dma_start3A_368 = arith.constant 3 : i32
      %dma_start3A_369 = arith.constant 0 : i32
      %dma_start3A_370 = arith.constant 0 : i32
      %dma_start3A_371 = arith.constant 0 : i32
      %dma_start3A_372 = tpu.memref_slice %arg11[%dma_start3A_367, %dma_start3A_368, %dma_start3A_370, %dma_start3A_371] : memref<2x8x128x32xf32, #tpu.memory_space<vmem>> -> memref<1x1x128x32xf32, #tpu.memory_space<vmem>>
      %dma_start3A_373 = tpu.memref_squeeze %dma_start3A_372 : memref<1x1x128x32xf32, #tpu.memory_space<vmem>> -> memref<128x32xf32, #tpu.memory_space<vmem>>
      %dma_start3A_374 = arith.constant 0 : i32
      %dma_start3A_375 = tpu.memref_slice %arg10[%add3A_366, %dma_start3A_374] : memref<80x128xi32, #tpu.memory_space<vmem>> -> memref<1x128xi32, #tpu.memory_space<vmem>>
      %dma_start3A_376 = tpu.memref_squeeze %dma_start3A_375 : memref<1x128xi32, #tpu.memory_space<vmem>> -> memref<128xi32, #tpu.memory_space<vmem>>
      %dma_start3A_377 = arith.constant 0 : i32
      %dma_start3A_378 = arith.constant 0 : i32
      %dma_start3A_379 = tpu.memref_slice %arg13[%dma_start3A_377, %dma_start3A_378] : memref<10240x32xf32, #tpu.memory_space<vmem_shared>> -> memref<10240x32xf32, #tpu.memory_space<vmem_shared>>
      %dma_start3A_380 = tpu.memref_slice %arg17[%dma_start3A_369] : memref<2x!tpu.dma_semaphore, #tpu.memory_space<semaphore_mem>> -> memref<1x!tpu.dma_semaphore, #tpu.memory_space<semaphore_mem>>
      %dma_start3A_381 = tpu.memref_squeeze %dma_start3A_380 : memref<1x!tpu.dma_semaphore, #tpu.memory_space<semaphore_mem>> -> memref<!tpu.dma_semaphore, #tpu.memory_space<semaphore_mem>>
      tpu.enqueue_indirect_dma source(%dma_start3A_373 : memref<128x32xf32, #tpu.memory_space<vmem>>) target(%dma_start3A_379 : memref<10240x32xf32, #tpu.memory_space<vmem_shared>>) offsets(%dma_start3A_376 : memref<128xi32, #tpu.memory_space<vmem>>) semaphore(%dma_start3A_381 : memref<!tpu.dma_semaphore, #tpu.memory_space<semaphore_mem>>) {add = true}
      %add3A_382 = arith.constant 4 : i32
      %add3A_383 = arith.addi %mul3A_178, %add3A_382 : i32
      %dma_start3A_384 = arith.constant 0 : i32
      %dma_start3A_385 = arith.constant 4 : i32
      %dma_start3A_386 = arith.constant 0 : i32
      %dma_start3A_387 = arith.constant 0 : i32
      %dma_start3A_388 = arith.constant 0 : i32
      %dma_start3A_389 = tpu.memref_slice %arg11[%dma_start3A_384, %dma_start3A_385, %dma_start3A_387, %dma_start3A_388] : memref<2x8x128x32xf32, #tpu.memory_space<vmem>> -> memref<1x1x128x32xf32, #tpu.memory_space<vmem>>
      %dma_start3A_390 = tpu.memref_squeeze %dma_start3A_389 : memref<1x1x128x32xf32, #tpu.memory_space<vmem>> -> memref<128x32xf32, #tpu.memory_space<vmem>>
      %dma_start3A_391 = arith.constant 0 : i32
      %dma_start3A_392 = tpu.memref_slice %arg10[%add3A_383, %dma_start3A_391] : memref<80x128xi32, #tpu.memory_space<vmem>> -> memref<1x128xi32, #tpu.memory_space<vmem>>
      %dma_start3A_393 = tpu.memref_squeeze %dma_start3A_392 : memref<1x128xi32, #tpu.memory_space<vmem>> -> memref<128xi32, #tpu.memory_space<vmem>>
      %dma_start3A_394 = arith.constant 0 : i32
      %dma_start3A_395 = arith.constant 0 : i32
      %dma_start3A_396 = tpu.memref_slice %arg13[%dma_start3A_394, %dma_start3A_395] : memref<10240x32xf32, #tpu.memory_space<vmem_shared>> -> memref<10240x32xf32, #tpu.memory_space<vmem_shared>>
      %dma_start3A_397 = tpu.memref_slice %arg17[%dma_start3A_386] : memref<2x!tpu.dma_semaphore, #tpu.memory_space<semaphore_mem>> -> memref<1x!tpu.dma_semaphore, #tpu.memory_space<semaphore_mem>>
      %dma_start3A_398 = tpu.memref_squeeze %dma_start3A_397 : memref<1x!tpu.dma_semaphore, #tpu.memory_space<semaphore_mem>> -> memref<!tpu.dma_semaphore, #tpu.memory_space<semaphore_mem>>
      tpu.enqueue_indirect_dma source(%dma_start3A_390 : memref<128x32xf32, #tpu.memory_space<vmem>>) target(%dma_start3A_396 : memref<10240x32xf32, #tpu.memory_space<vmem_shared>>) offsets(%dma_start3A_393 : memref<128xi32, #tpu.memory_space<vmem>>) semaphore(%dma_start3A_398 : memref<!tpu.dma_semaphore, #tpu.memory_space<semaphore_mem>>) {add = true}
      %add3A_399 = arith.constant 5 : i32
      %add3A_400 = arith.addi %mul3A_178, %add3A_399 : i32
      %dma_start3A_401 = arith.constant 0 : i32
      %dma_start3A_402 = arith.constant 5 : i32
      %dma_start3A_403 = arith.constant 0 : i32
      %dma_start3A_404 = arith.constant 0 : i32
      %dma_start3A_405 = arith.constant 0 : i32
      %dma_start3A_406 = tpu.memref_slice %arg11[%dma_start3A_401, %dma_start3A_402, %dma_start3A_404, %dma_start3A_405] : memref<2x8x128x32xf32, #tpu.memory_space<vmem>> -> memref<1x1x128x32xf32, #tpu.memory_space<vmem>>
      %dma_start3A_407 = tpu.memref_squeeze %dma_start3A_406 : memref<1x1x128x32xf32, #tpu.memory_space<vmem>> -> memref<128x32xf32, #tpu.memory_space<vmem>>
      %dma_start3A_408 = arith.constant 0 : i32
      %dma_start3A_409 = tpu.memref_slice %arg10[%add3A_400, %dma_start3A_408] : memref<80x128xi32, #tpu.memory_space<vmem>> -> memref<1x128xi32, #tpu.memory_space<vmem>>
      %dma_start3A_410 = tpu.memref_squeeze %dma_start3A_409 : memref<1x128xi32, #tpu.memory_space<vmem>> -> memref<128xi32, #tpu.memory_space<vmem>>
      %dma_start3A_411 = arith.constant 0 : i32
      %dma_start3A_412 = arith.constant 0 : i32
      %dma_start3A_413 = tpu.memref_slice %arg13[%dma_start3A_411, %dma_start3A_412] : memref<10240x32xf32, #tpu.memory_space<vmem_shared>> -> memref<10240x32xf32, #tpu.memory_space<vmem_shared>>
      %dma_start3A_414 = tpu.memref_slice %arg17[%dma_start3A_403] : memref<2x!tpu.dma_semaphore, #tpu.memory_space<semaphore_mem>> -> memref<1x!tpu.dma_semaphore, #tpu.memory_space<semaphore_mem>>
      %dma_start3A_415 = tpu.memref_squeeze %dma_start3A_414 : memref<1x!tpu.dma_semaphore, #tpu.memory_space<semaphore_mem>> -> memref<!tpu.dma_semaphore, #tpu.memory_space<semaphore_mem>>
      tpu.enqueue_indirect_dma source(%dma_start3A_407 : memref<128x32xf32, #tpu.memory_space<vmem>>) target(%dma_start3A_413 : memref<10240x32xf32, #tpu.memory_space<vmem_shared>>) offsets(%dma_start3A_410 : memref<128xi32, #tpu.memory_space<vmem>>) semaphore(%dma_start3A_415 : memref<!tpu.dma_semaphore, #tpu.memory_space<semaphore_mem>>) {add = true}
      %add3A_416 = arith.constant 6 : i32
      %add3A_417 = arith.addi %mul3A_178, %add3A_416 : i32
      %dma_start3A_418 = arith.constant 0 : i32
      %dma_start3A_419 = arith.constant 6 : i32
      %dma_start3A_420 = arith.constant 0 : i32
      %dma_start3A_421 = arith.constant 0 : i32
      %dma_start3A_422 = arith.constant 0 : i32
      %dma_start3A_423 = tpu.memref_slice %arg11[%dma_start3A_418, %dma_start3A_419, %dma_start3A_421, %dma_start3A_422] : memref<2x8x128x32xf32, #tpu.memory_space<vmem>> -> memref<1x1x128x32xf32, #tpu.memory_space<vmem>>
      %dma_start3A_424 = tpu.memref_squeeze %dma_start3A_423 : memref<1x1x128x32xf32, #tpu.memory_space<vmem>> -> memref<128x32xf32, #tpu.memory_space<vmem>>
      %dma_start3A_425 = arith.constant 0 : i32
      %dma_start3A_426 = tpu.memref_slice %arg10[%add3A_417, %dma_start3A_425] : memref<80x128xi32, #tpu.memory_space<vmem>> -> memref<1x128xi32, #tpu.memory_space<vmem>>
      %dma_start3A_427 = tpu.memref_squeeze %dma_start3A_426 : memref<1x128xi32, #tpu.memory_space<vmem>> -> memref<128xi32, #tpu.memory_space<vmem>>
      %dma_start3A_428 = arith.constant 0 : i32
      %dma_start3A_429 = arith.constant 0 : i32
      %dma_start3A_430 = tpu.memref_slice %arg13[%dma_start3A_428, %dma_start3A_429] : memref<10240x32xf32, #tpu.memory_space<vmem_shared>> -> memref<10240x32xf32, #tpu.memory_space<vmem_shared>>
      %dma_start3A_431 = tpu.memref_slice %arg17[%dma_start3A_420] : memref<2x!tpu.dma_semaphore, #tpu.memory_space<semaphore_mem>> -> memref<1x!tpu.dma_semaphore, #tpu.memory_space<semaphore_mem>>
      %dma_start3A_432 = tpu.memref_squeeze %dma_start3A_431 : memref<1x!tpu.dma_semaphore, #tpu.memory_space<semaphore_mem>> -> memref<!tpu.dma_semaphore, #tpu.memory_space<semaphore_mem>>
      tpu.enqueue_indirect_dma source(%dma_start3A_424 : memref<128x32xf32, #tpu.memory_space<vmem>>) target(%dma_start3A_430 : memref<10240x32xf32, #tpu.memory_space<vmem_shared>>) offsets(%dma_start3A_427 : memref<128xi32, #tpu.memory_space<vmem>>) semaphore(%dma_start3A_432 : memref<!tpu.dma_semaphore, #tpu.memory_space<semaphore_mem>>) {add = true}
      %add3A_433 = arith.constant 7 : i32
      %add3A_434 = arith.addi %mul3A_178, %add3A_433 : i32
      %dma_start3A_435 = arith.constant 0 : i32
      %dma_start3A_436 = arith.constant 7 : i32
      %dma_start3A_437 = arith.constant 0 : i32
      %dma_start3A_438 = arith.constant 0 : i32
      %dma_start3A_439 = arith.constant 0 : i32
      %dma_start3A_440 = tpu.memref_slice %arg11[%dma_start3A_435, %dma_start3A_436, %dma_start3A_438, %dma_start3A_439] : memref<2x8x128x32xf32, #tpu.memory_space<vmem>> -> memref<1x1x128x32xf32, #tpu.memory_space<vmem>>
      %dma_start3A_441 = tpu.memref_squeeze %dma_start3A_440 : memref<1x1x128x32xf32, #tpu.memory_space<vmem>> -> memref<128x32xf32, #tpu.memory_space<vmem>>
      %dma_start3A_442 = arith.constant 0 : i32
      %dma_start3A_443 = tpu.memref_slice %arg10[%add3A_434, %dma_start3A_442] : memref<80x128xi32, #tpu.memory_space<vmem>> -> memref<1x128xi32, #tpu.memory_space<vmem>>
      %dma_start3A_444 = tpu.memref_squeeze %dma_start3A_443 : memref<1x128xi32, #tpu.memory_space<vmem>> -> memref<128xi32, #tpu.memory_space<vmem>>
      %dma_start3A_445 = arith.constant 0 : i32
      %dma_start3A_446 = arith.constant 0 : i32
      %dma_start3A_447 = tpu.memref_slice %arg13[%dma_start3A_445, %dma_start3A_446] : memref<10240x32xf32, #tpu.memory_space<vmem_shared>> -> memref<10240x32xf32, #tpu.memory_space<vmem_shared>>
      %dma_start3A_448 = tpu.memref_slice %arg17[%dma_start3A_437] : memref<2x!tpu.dma_semaphore, #tpu.memory_space<semaphore_mem>> -> memref<1x!tpu.dma_semaphore, #tpu.memory_space<semaphore_mem>>
      %dma_start3A_449 = tpu.memref_squeeze %dma_start3A_448 : memref<1x!tpu.dma_semaphore, #tpu.memory_space<semaphore_mem>> -> memref<!tpu.dma_semaphore, #tpu.memory_space<semaphore_mem>>
      tpu.enqueue_indirect_dma source(%dma_start3A_441 : memref<128x32xf32, #tpu.memory_space<vmem>>) target(%dma_start3A_447 : memref<10240x32xf32, #tpu.memory_space<vmem_shared>>) offsets(%dma_start3A_444 : memref<128xi32, #tpu.memory_space<vmem>>) semaphore(%dma_start3A_449 : memref<!tpu.dma_semaphore, #tpu.memory_space<semaphore_mem>>) {add = true}
      %add3A_450 = arith.constant 0 : i32
      %add3A_451 = arith.addi %mul3A_178, %add3A_450 : i32
      %dma_start3A_452 = arith.constant 0 : i32
      %dma_start3A_453 = tpu.memref_slice %arg10[%add3A_451, %dma_start3A_452] : memref<80x128xi32, #tpu.memory_space<vmem>> -> memref<1x128xi32, #tpu.memory_space<vmem>>
      %dma_start3A_454 = tpu.memref_squeeze %dma_start3A_453 : memref<1x128xi32, #tpu.memory_space<vmem>> -> memref<128xi32, #tpu.memory_space<vmem>>
      %dma_start3A_455 = arith.constant 0 : i32
      %dma_start3A_456 = tpu.memref_slice %arg14[%dma_start3A_455] : memref<10240xf32, #tpu.memory_space<vmem_shared>> -> memref<10240xf32, #tpu.memory_space<vmem_shared>>
      tpu.enqueue_indirect_dma source(%arg12 : memref<128xf32, #tpu.memory_space<vmem>>) target(%dma_start3A_456 : memref<10240xf32, #tpu.memory_space<vmem_shared>>) offsets(%dma_start3A_454 : memref<128xi32, #tpu.memory_space<vmem>>) semaphore(%arg18 : memref<!tpu.dma_semaphore, #tpu.memory_space<semaphore_mem>>) {add = true}
      %add3A_457 = arith.constant 1 : i32
      %add3A_458 = arith.addi %mul3A_178, %add3A_457 : i32
      %dma_start3A_459 = arith.constant 0 : i32
      %dma_start3A_460 = tpu.memref_slice %arg10[%add3A_458, %dma_start3A_459] : memref<80x128xi32, #tpu.memory_space<vmem>> -> memref<1x128xi32, #tpu.memory_space<vmem>>
      %dma_start3A_461 = tpu.memref_squeeze %dma_start3A_460 : memref<1x128xi32, #tpu.memory_space<vmem>> -> memref<128xi32, #tpu.memory_space<vmem>>
      %dma_start3A_462 = arith.constant 0 : i32
      %dma_start3A_463 = tpu.memref_slice %arg14[%dma_start3A_462] : memref<10240xf32, #tpu.memory_space<vmem_shared>> -> memref<10240xf32, #tpu.memory_space<vmem_shared>>
      tpu.enqueue_indirect_dma source(%arg12 : memref<128xf32, #tpu.memory_space<vmem>>) target(%dma_start3A_463 : memref<10240xf32, #tpu.memory_space<vmem_shared>>) offsets(%dma_start3A_461 : memref<128xi32, #tpu.memory_space<vmem>>) semaphore(%arg18 : memref<!tpu.dma_semaphore, #tpu.memory_space<semaphore_mem>>) {add = true}
      %add3A_464 = arith.constant 2 : i32
      %add3A_465 = arith.addi %mul3A_178, %add3A_464 : i32
      %dma_start3A_466 = arith.constant 0 : i32
      %dma_start3A_467 = tpu.memref_slice %arg10[%add3A_465, %dma_start3A_466] : memref<80x128xi32, #tpu.memory_space<vmem>> -> memref<1x128xi32, #tpu.memory_space<vmem>>
      %dma_start3A_468 = tpu.memref_squeeze %dma_start3A_467 : memref<1x128xi32, #tpu.memory_space<vmem>> -> memref<128xi32, #tpu.memory_space<vmem>>
      %dma_start3A_469 = arith.constant 0 : i32
      %dma_start3A_470 = tpu.memref_slice %arg14[%dma_start3A_469] : memref<10240xf32, #tpu.memory_space<vmem_shared>> -> memref<10240xf32, #tpu.memory_space<vmem_shared>>
      tpu.enqueue_indirect_dma source(%arg12 : memref<128xf32, #tpu.memory_space<vmem>>) target(%dma_start3A_470 : memref<10240xf32, #tpu.memory_space<vmem_shared>>) offsets(%dma_start3A_468 : memref<128xi32, #tpu.memory_space<vmem>>) semaphore(%arg18 : memref<!tpu.dma_semaphore, #tpu.memory_space<semaphore_mem>>) {add = true}
      %add3A_471 = arith.constant 3 : i32
      %add3A_472 = arith.addi %mul3A_178, %add3A_471 : i32
      %dma_start3A_473 = arith.constant 0 : i32
      %dma_start3A_474 = tpu.memref_slice %arg10[%add3A_472, %dma_start3A_473] : memref<80x128xi32, #tpu.memory_space<vmem>> -> memref<1x128xi32, #tpu.memory_space<vmem>>
      %dma_start3A_475 = tpu.memref_squeeze %dma_start3A_474 : memref<1x128xi32, #tpu.memory_space<vmem>> -> memref<128xi32, #tpu.memory_space<vmem>>
      %dma_start3A_476 = arith.constant 0 : i32
      %dma_start3A_477 = tpu.memref_slice %arg14[%dma_start3A_476] : memref<10240xf32, #tpu.memory_space<vmem_shared>> -> memref<10240xf32, #tpu.memory_space<vmem_shared>>
      tpu.enqueue_indirect_dma source(%arg12 : memref<128xf32, #tpu.memory_space<vmem>>) target(%dma_start3A_477 : memref<10240xf32, #tpu.memory_space<vmem_shared>>) offsets(%dma_start3A_475 : memref<128xi32, #tpu.memory_space<vmem>>) semaphore(%arg18 : memref<!tpu.dma_semaphore, #tpu.memory_space<semaphore_mem>>) {add = true}
      %add3A_478 = arith.constant 4 : i32
      %add3A_479 = arith.addi %mul3A_178, %add3A_478 : i32
      %dma_start3A_480 = arith.constant 0 : i32
      %dma_start3A_481 = tpu.memref_slice %arg10[%add3A_479, %dma_start3A_480] : memref<80x128xi32, #tpu.memory_space<vmem>> -> memref<1x128xi32, #tpu.memory_space<vmem>>
      %dma_start3A_482 = tpu.memref_squeeze %dma_start3A_481 : memref<1x128xi32, #tpu.memory_space<vmem>> -> memref<128xi32, #tpu.memory_space<vmem>>
      %dma_start3A_483 = arith.constant 0 : i32
      %dma_start3A_484 = tpu.memref_slice %arg14[%dma_start3A_483] : memref<10240xf32, #tpu.memory_space<vmem_shared>> -> memref<10240xf32, #tpu.memory_space<vmem_shared>>
      tpu.enqueue_indirect_dma source(%arg12 : memref<128xf32, #tpu.memory_space<vmem>>) target(%dma_start3A_484 : memref<10240xf32, #tpu.memory_space<vmem_shared>>) offsets(%dma_start3A_482 : memref<128xi32, #tpu.memory_space<vmem>>) semaphore(%arg18 : memref<!tpu.dma_semaphore, #tpu.memory_space<semaphore_mem>>) {add = true}
      %add3A_485 = arith.constant 5 : i32
      %add3A_486 = arith.addi %mul3A_178, %add3A_485 : i32
      %dma_start3A_487 = arith.constant 0 : i32
      %dma_start3A_488 = tpu.memref_slice %arg10[%add3A_486, %dma_start3A_487] : memref<80x128xi32, #tpu.memory_space<vmem>> -> memref<1x128xi32, #tpu.memory_space<vmem>>
      %dma_start3A_489 = tpu.memref_squeeze %dma_start3A_488 : memref<1x128xi32, #tpu.memory_space<vmem>> -> memref<128xi32, #tpu.memory_space<vmem>>
      %dma_start3A_490 = arith.constant 0 : i32
      %dma_start3A_491 = tpu.memref_slice %arg14[%dma_start3A_490] : memref<10240xf32, #tpu.memory_space<vmem_shared>> -> memref<10240xf32, #tpu.memory_space<vmem_shared>>
      tpu.enqueue_indirect_dma source(%arg12 : memref<128xf32, #tpu.memory_space<vmem>>) target(%dma_start3A_491 : memref<10240xf32, #tpu.memory_space<vmem_shared>>) offsets(%dma_start3A_489 : memref<128xi32, #tpu.memory_space<vmem>>) semaphore(%arg18 : memref<!tpu.dma_semaphore, #tpu.memory_space<semaphore_mem>>) {add = true}
      %add3A_492 = arith.constant 6 : i32
      %add3A_493 = arith.addi %mul3A_178, %add3A_492 : i32
      %dma_start3A_494 = arith.constant 0 : i32
      %dma_start3A_495 = tpu.memref_slice %arg10[%add3A_493, %dma_start3A_494] : memref<80x128xi32, #tpu.memory_space<vmem>> -> memref<1x128xi32, #tpu.memory_space<vmem>>
      %dma_start3A_496 = tpu.memref_squeeze %dma_start3A_495 : memref<1x128xi32, #tpu.memory_space<vmem>> -> memref<128xi32, #tpu.memory_space<vmem>>
      %dma_start3A_497 = arith.constant 0 : i32
      %dma_start3A_498 = tpu.memref_slice %arg14[%dma_start3A_497] : memref<10240xf32, #tpu.memory_space<vmem_shared>> -> memref<10240xf32, #tpu.memory_space<vmem_shared>>
      tpu.enqueue_indirect_dma source(%arg12 : memref<128xf32, #tpu.memory_space<vmem>>) target(%dma_start3A_498 : memref<10240xf32, #tpu.memory_space<vmem_shared>>) offsets(%dma_start3A_496 : memref<128xi32, #tpu.memory_space<vmem>>) semaphore(%arg18 : memref<!tpu.dma_semaphore, #tpu.memory_space<semaphore_mem>>) {add = true}
      %add3A_499 = arith.constant 7 : i32
      %add3A_500 = arith.addi %mul3A_178, %add3A_499 : i32
      %dma_start3A_501 = arith.constant 0 : i32
      %dma_start3A_502 = tpu.memref_slice %arg10[%add3A_500, %dma_start3A_501] : memref<80x128xi32, #tpu.memory_space<vmem>> -> memref<1x128xi32, #tpu.memory_space<vmem>>
      %dma_start3A_503 = tpu.memref_squeeze %dma_start3A_502 : memref<1x128xi32, #tpu.memory_space<vmem>> -> memref<128xi32, #tpu.memory_space<vmem>>
      %dma_start3A_504 = arith.constant 0 : i32
      %dma_start3A_505 = tpu.memref_slice %arg14[%dma_start3A_504] : memref<10240xf32, #tpu.memory_space<vmem_shared>> -> memref<10240xf32, #tpu.memory_space<vmem_shared>>
      tpu.enqueue_indirect_dma source(%arg12 : memref<128xf32, #tpu.memory_space<vmem>>) target(%dma_start3A_505 : memref<10240xf32, #tpu.memory_space<vmem_shared>>) offsets(%dma_start3A_503 : memref<128xi32, #tpu.memory_space<vmem>>) semaphore(%arg18 : memref<!tpu.dma_semaphore, #tpu.memory_space<semaphore_mem>>) {add = true}
      %add3A_506 = arith.constant 8 : i32
      %add3A_507 = arith.addi %mul3A_178, %add3A_506 : i32
      %lt3A = arith.constant 80 : i32
      %lt3A_508 = arith.cmpi slt, %add3A_507, %lt3A : i32
      %convert_element_type3A = arith.extui %lt3A_508 : i1 to i32
      %cond3A = arith.constant 0 : i32
      %cond3A_509 = arith.cmpi ne, %convert_element_type3A, %cond3A : i32
      scf.if %cond3A_509 {
        %add3A_1091 = arith.constant 0 : i32
        %add3A_1092 = arith.addi %add3A_507, %add3A_1091 : i32
        %dma_start3A_1093 = arith.constant 1 : i32
        %dma_start3A_1094 = arith.constant 0 : i32
        %dma_start3A_1095 = arith.constant 1 : i32
        %dma_start3A_1096 = arith.constant 0 : i32
        %dma_start3A_1097 = arith.constant 0 : i32
        %dma_start3A_1098 = tpu.memref_slice %arg11[%dma_start3A_1093, %dma_start3A_1094, %dma_start3A_1096, %dma_start3A_1097] : memref<2x8x128x32xf32, #tpu.memory_space<vmem>> -> memref<1x1x128x32xf32, #tpu.memory_space<vmem>>
        %dma_start3A_1099 = tpu.memref_squeeze %dma_start3A_1098 : memref<1x1x128x32xf32, #tpu.memory_space<vmem>> -> memref<128x32xf32, #tpu.memory_space<vmem>>
        %dma_start3A_1100 = arith.constant 0 : i32
        %dma_start3A_1101 = tpu.memref_slice %arg9[%add3A_1092, %dma_start3A_1100] : memref<80x128xi32, #tpu.memory_space<vmem>> -> memref<1x128xi32, #tpu.memory_space<vmem>>
        %dma_start3A_1102 = tpu.memref_squeeze %dma_start3A_1101 : memref<1x128xi32, #tpu.memory_space<vmem>> -> memref<128xi32, #tpu.memory_space<vmem>>
        %dma_start3A_1103 = arith.constant 0 : i32
        %dma_start3A_1104 = arith.constant 0 : i32
        %dma_start3A_1105 = tpu.memref_slice %arg15[%dma_start3A_1103, %dma_start3A_1104] : memref<10240x32xf32, #tpu.memory_space<vmem_shared>> -> memref<10240x32xf32, #tpu.memory_space<vmem_shared>>
        %dma_start3A_1106 = tpu.memref_slice %arg16[%dma_start3A_1095] : memref<2x!tpu.dma_semaphore, #tpu.memory_space<semaphore_mem>> -> memref<1x!tpu.dma_semaphore, #tpu.memory_space<semaphore_mem>>
        %dma_start3A_1107 = tpu.memref_squeeze %dma_start3A_1106 : memref<1x!tpu.dma_semaphore, #tpu.memory_space<semaphore_mem>> -> memref<!tpu.dma_semaphore, #tpu.memory_space<semaphore_mem>>
        tpu.enqueue_indirect_dma source(%dma_start3A_1105 : memref<10240x32xf32, #tpu.memory_space<vmem_shared>>) target(%dma_start3A_1099 : memref<128x32xf32, #tpu.memory_space<vmem>>) offsets(%dma_start3A_1102 : memref<128xi32, #tpu.memory_space<vmem>>) semaphore(%dma_start3A_1107 : memref<!tpu.dma_semaphore, #tpu.memory_space<semaphore_mem>>)
        %add3A_1108 = arith.constant 1 : i32
        %add3A_1109 = arith.addi %add3A_507, %add3A_1108 : i32
        %dma_start3A_1110 = arith.constant 1 : i32
        %dma_start3A_1111 = arith.constant 1 : i32
        %dma_start3A_1112 = arith.constant 1 : i32
        %dma_start3A_1113 = arith.constant 0 : i32
        %dma_start3A_1114 = arith.constant 0 : i32
        %dma_start3A_1115 = tpu.memref_slice %arg11[%dma_start3A_1110, %dma_start3A_1111, %dma_start3A_1113, %dma_start3A_1114] : memref<2x8x128x32xf32, #tpu.memory_space<vmem>> -> memref<1x1x128x32xf32, #tpu.memory_space<vmem>>
        %dma_start3A_1116 = tpu.memref_squeeze %dma_start3A_1115 : memref<1x1x128x32xf32, #tpu.memory_space<vmem>> -> memref<128x32xf32, #tpu.memory_space<vmem>>
        %dma_start3A_1117 = arith.constant 0 : i32
        %dma_start3A_1118 = tpu.memref_slice %arg9[%add3A_1109, %dma_start3A_1117] : memref<80x128xi32, #tpu.memory_space<vmem>> -> memref<1x128xi32, #tpu.memory_space<vmem>>
        %dma_start3A_1119 = tpu.memref_squeeze %dma_start3A_1118 : memref<1x128xi32, #tpu.memory_space<vmem>> -> memref<128xi32, #tpu.memory_space<vmem>>
        %dma_start3A_1120 = arith.constant 0 : i32
        %dma_start3A_1121 = arith.constant 0 : i32
        %dma_start3A_1122 = tpu.memref_slice %arg15[%dma_start3A_1120, %dma_start3A_1121] : memref<10240x32xf32, #tpu.memory_space<vmem_shared>> -> memref<10240x32xf32, #tpu.memory_space<vmem_shared>>
        %dma_start3A_1123 = tpu.memref_slice %arg16[%dma_start3A_1112] : memref<2x!tpu.dma_semaphore, #tpu.memory_space<semaphore_mem>> -> memref<1x!tpu.dma_semaphore, #tpu.memory_space<semaphore_mem>>
        %dma_start3A_1124 = tpu.memref_squeeze %dma_start3A_1123 : memref<1x!tpu.dma_semaphore, #tpu.memory_space<semaphore_mem>> -> memref<!tpu.dma_semaphore, #tpu.memory_space<semaphore_mem>>
        tpu.enqueue_indirect_dma source(%dma_start3A_1122 : memref<10240x32xf32, #tpu.memory_space<vmem_shared>>) target(%dma_start3A_1116 : memref<128x32xf32, #tpu.memory_space<vmem>>) offsets(%dma_start3A_1119 : memref<128xi32, #tpu.memory_space<vmem>>) semaphore(%dma_start3A_1124 : memref<!tpu.dma_semaphore, #tpu.memory_space<semaphore_mem>>)
        %add3A_1125 = arith.constant 2 : i32
        %add3A_1126 = arith.addi %add3A_507, %add3A_1125 : i32
        %dma_start3A_1127 = arith.constant 1 : i32
        %dma_start3A_1128 = arith.constant 2 : i32
        %dma_start3A_1129 = arith.constant 1 : i32
        %dma_start3A_1130 = arith.constant 0 : i32
        %dma_start3A_1131 = arith.constant 0 : i32
        %dma_start3A_1132 = tpu.memref_slice %arg11[%dma_start3A_1127, %dma_start3A_1128, %dma_start3A_1130, %dma_start3A_1131] : memref<2x8x128x32xf32, #tpu.memory_space<vmem>> -> memref<1x1x128x32xf32, #tpu.memory_space<vmem>>
        %dma_start3A_1133 = tpu.memref_squeeze %dma_start3A_1132 : memref<1x1x128x32xf32, #tpu.memory_space<vmem>> -> memref<128x32xf32, #tpu.memory_space<vmem>>
        %dma_start3A_1134 = arith.constant 0 : i32
        %dma_start3A_1135 = tpu.memref_slice %arg9[%add3A_1126, %dma_start3A_1134] : memref<80x128xi32, #tpu.memory_space<vmem>> -> memref<1x128xi32, #tpu.memory_space<vmem>>
        %dma_start3A_1136 = tpu.memref_squeeze %dma_start3A_1135 : memref<1x128xi32, #tpu.memory_space<vmem>> -> memref<128xi32, #tpu.memory_space<vmem>>
        %dma_start3A_1137 = arith.constant 0 : i32
        %dma_start3A_1138 = arith.constant 0 : i32
        %dma_start3A_1139 = tpu.memref_slice %arg15[%dma_start3A_1137, %dma_start3A_1138] : memref<10240x32xf32, #tpu.memory_space<vmem_shared>> -> memref<10240x32xf32, #tpu.memory_space<vmem_shared>>
        %dma_start3A_1140 = tpu.memref_slice %arg16[%dma_start3A_1129] : memref<2x!tpu.dma_semaphore, #tpu.memory_space<semaphore_mem>> -> memref<1x!tpu.dma_semaphore, #tpu.memory_space<semaphore_mem>>
        %dma_start3A_1141 = tpu.memref_squeeze %dma_start3A_1140 : memref<1x!tpu.dma_semaphore, #tpu.memory_space<semaphore_mem>> -> memref<!tpu.dma_semaphore, #tpu.memory_space<semaphore_mem>>
        tpu.enqueue_indirect_dma source(%dma_start3A_1139 : memref<10240x32xf32, #tpu.memory_space<vmem_shared>>) target(%dma_start3A_1133 : memref<128x32xf32, #tpu.memory_space<vmem>>) offsets(%dma_start3A_1136 : memref<128xi32, #tpu.memory_space<vmem>>) semaphore(%dma_start3A_1141 : memref<!tpu.dma_semaphore, #tpu.memory_space<semaphore_mem>>)
        %add3A_1142 = arith.constant 3 : i32
        %add3A_1143 = arith.addi %add3A_507, %add3A_1142 : i32
        %dma_start3A_1144 = arith.constant 1 : i32
        %dma_start3A_1145 = arith.constant 3 : i32
        %dma_start3A_1146 = arith.constant 1 : i32
        %dma_start3A_1147 = arith.constant 0 : i32
        %dma_start3A_1148 = arith.constant 0 : i32
        %dma_start3A_1149 = tpu.memref_slice %arg11[%dma_start3A_1144, %dma_start3A_1145, %dma_start3A_1147, %dma_start3A_1148] : memref<2x8x128x32xf32, #tpu.memory_space<vmem>> -> memref<1x1x128x32xf32, #tpu.memory_space<vmem>>
        %dma_start3A_1150 = tpu.memref_squeeze %dma_start3A_1149 : memref<1x1x128x32xf32, #tpu.memory_space<vmem>> -> memref<128x32xf32, #tpu.memory_space<vmem>>
        %dma_start3A_1151 = arith.constant 0 : i32
        %dma_start3A_1152 = tpu.memref_slice %arg9[%add3A_1143, %dma_start3A_1151] : memref<80x128xi32, #tpu.memory_space<vmem>> -> memref<1x128xi32, #tpu.memory_space<vmem>>
        %dma_start3A_1153 = tpu.memref_squeeze %dma_start3A_1152 : memref<1x128xi32, #tpu.memory_space<vmem>> -> memref<128xi32, #tpu.memory_space<vmem>>
        %dma_start3A_1154 = arith.constant 0 : i32
        %dma_start3A_1155 = arith.constant 0 : i32
        %dma_start3A_1156 = tpu.memref_slice %arg15[%dma_start3A_1154, %dma_start3A_1155] : memref<10240x32xf32, #tpu.memory_space<vmem_shared>> -> memref<10240x32xf32, #tpu.memory_space<vmem_shared>>
        %dma_start3A_1157 = tpu.memref_slice %arg16[%dma_start3A_1146] : memref<2x!tpu.dma_semaphore, #tpu.memory_space<semaphore_mem>> -> memref<1x!tpu.dma_semaphore, #tpu.memory_space<semaphore_mem>>
        %dma_start3A_1158 = tpu.memref_squeeze %dma_start3A_1157 : memref<1x!tpu.dma_semaphore, #tpu.memory_space<semaphore_mem>> -> memref<!tpu.dma_semaphore, #tpu.memory_space<semaphore_mem>>
        tpu.enqueue_indirect_dma source(%dma_start3A_1156 : memref<10240x32xf32, #tpu.memory_space<vmem_shared>>) target(%dma_start3A_1150 : memref<128x32xf32, #tpu.memory_space<vmem>>) offsets(%dma_start3A_1153 : memref<128xi32, #tpu.memory_space<vmem>>) semaphore(%dma_start3A_1158 : memref<!tpu.dma_semaphore, #tpu.memory_space<semaphore_mem>>)
        %add3A_1159 = arith.constant 4 : i32
        %add3A_1160 = arith.addi %add3A_507, %add3A_1159 : i32
        %dma_start3A_1161 = arith.constant 1 : i32
        %dma_start3A_1162 = arith.constant 4 : i32
        %dma_start3A_1163 = arith.constant 1 : i32
        %dma_start3A_1164 = arith.constant 0 : i32
        %dma_start3A_1165 = arith.constant 0 : i32
        %dma_start3A_1166 = tpu.memref_slice %arg11[%dma_start3A_1161, %dma_start3A_1162, %dma_start3A_1164, %dma_start3A_1165] : memref<2x8x128x32xf32, #tpu.memory_space<vmem>> -> memref<1x1x128x32xf32, #tpu.memory_space<vmem>>
        %dma_start3A_1167 = tpu.memref_squeeze %dma_start3A_1166 : memref<1x1x128x32xf32, #tpu.memory_space<vmem>> -> memref<128x32xf32, #tpu.memory_space<vmem>>
        %dma_start3A_1168 = arith.constant 0 : i32
        %dma_start3A_1169 = tpu.memref_slice %arg9[%add3A_1160, %dma_start3A_1168] : memref<80x128xi32, #tpu.memory_space<vmem>> -> memref<1x128xi32, #tpu.memory_space<vmem>>
        %dma_start3A_1170 = tpu.memref_squeeze %dma_start3A_1169 : memref<1x128xi32, #tpu.memory_space<vmem>> -> memref<128xi32, #tpu.memory_space<vmem>>
        %dma_start3A_1171 = arith.constant 0 : i32
        %dma_start3A_1172 = arith.constant 0 : i32
        %dma_start3A_1173 = tpu.memref_slice %arg15[%dma_start3A_1171, %dma_start3A_1172] : memref<10240x32xf32, #tpu.memory_space<vmem_shared>> -> memref<10240x32xf32, #tpu.memory_space<vmem_shared>>
        %dma_start3A_1174 = tpu.memref_slice %arg16[%dma_start3A_1163] : memref<2x!tpu.dma_semaphore, #tpu.memory_space<semaphore_mem>> -> memref<1x!tpu.dma_semaphore, #tpu.memory_space<semaphore_mem>>
        %dma_start3A_1175 = tpu.memref_squeeze %dma_start3A_1174 : memref<1x!tpu.dma_semaphore, #tpu.memory_space<semaphore_mem>> -> memref<!tpu.dma_semaphore, #tpu.memory_space<semaphore_mem>>
        tpu.enqueue_indirect_dma source(%dma_start3A_1173 : memref<10240x32xf32, #tpu.memory_space<vmem_shared>>) target(%dma_start3A_1167 : memref<128x32xf32, #tpu.memory_space<vmem>>) offsets(%dma_start3A_1170 : memref<128xi32, #tpu.memory_space<vmem>>) semaphore(%dma_start3A_1175 : memref<!tpu.dma_semaphore, #tpu.memory_space<semaphore_mem>>)
        %add3A_1176 = arith.constant 5 : i32
        %add3A_1177 = arith.addi %add3A_507, %add3A_1176 : i32
        %dma_start3A_1178 = arith.constant 1 : i32
        %dma_start3A_1179 = arith.constant 5 : i32
        %dma_start3A_1180 = arith.constant 1 : i32
        %dma_start3A_1181 = arith.constant 0 : i32
        %dma_start3A_1182 = arith.constant 0 : i32
        %dma_start3A_1183 = tpu.memref_slice %arg11[%dma_start3A_1178, %dma_start3A_1179, %dma_start3A_1181, %dma_start3A_1182] : memref<2x8x128x32xf32, #tpu.memory_space<vmem>> -> memref<1x1x128x32xf32, #tpu.memory_space<vmem>>
        %dma_start3A_1184 = tpu.memref_squeeze %dma_start3A_1183 : memref<1x1x128x32xf32, #tpu.memory_space<vmem>> -> memref<128x32xf32, #tpu.memory_space<vmem>>
        %dma_start3A_1185 = arith.constant 0 : i32
        %dma_start3A_1186 = tpu.memref_slice %arg9[%add3A_1177, %dma_start3A_1185] : memref<80x128xi32, #tpu.memory_space<vmem>> -> memref<1x128xi32, #tpu.memory_space<vmem>>
        %dma_start3A_1187 = tpu.memref_squeeze %dma_start3A_1186 : memref<1x128xi32, #tpu.memory_space<vmem>> -> memref<128xi32, #tpu.memory_space<vmem>>
        %dma_start3A_1188 = arith.constant 0 : i32
        %dma_start3A_1189 = arith.constant 0 : i32
        %dma_start3A_1190 = tpu.memref_slice %arg15[%dma_start3A_1188, %dma_start3A_1189] : memref<10240x32xf32, #tpu.memory_space<vmem_shared>> -> memref<10240x32xf32, #tpu.memory_space<vmem_shared>>
        %dma_start3A_1191 = tpu.memref_slice %arg16[%dma_start3A_1180] : memref<2x!tpu.dma_semaphore, #tpu.memory_space<semaphore_mem>> -> memref<1x!tpu.dma_semaphore, #tpu.memory_space<semaphore_mem>>
        %dma_start3A_1192 = tpu.memref_squeeze %dma_start3A_1191 : memref<1x!tpu.dma_semaphore, #tpu.memory_space<semaphore_mem>> -> memref<!tpu.dma_semaphore, #tpu.memory_space<semaphore_mem>>
        tpu.enqueue_indirect_dma source(%dma_start3A_1190 : memref<10240x32xf32, #tpu.memory_space<vmem_shared>>) target(%dma_start3A_1184 : memref<128x32xf32, #tpu.memory_space<vmem>>) offsets(%dma_start3A_1187 : memref<128xi32, #tpu.memory_space<vmem>>) semaphore(%dma_start3A_1192 : memref<!tpu.dma_semaphore, #tpu.memory_space<semaphore_mem>>)
        %add3A_1193 = arith.constant 6 : i32
        %add3A_1194 = arith.addi %add3A_507, %add3A_1193 : i32
        %dma_start3A_1195 = arith.constant 1 : i32
        %dma_start3A_1196 = arith.constant 6 : i32
        %dma_start3A_1197 = arith.constant 1 : i32
        %dma_start3A_1198 = arith.constant 0 : i32
        %dma_start3A_1199 = arith.constant 0 : i32
        %dma_start3A_1200 = tpu.memref_slice %arg11[%dma_start3A_1195, %dma_start3A_1196, %dma_start3A_1198, %dma_start3A_1199] : memref<2x8x128x32xf32, #tpu.memory_space<vmem>> -> memref<1x1x128x32xf32, #tpu.memory_space<vmem>>
        %dma_start3A_1201 = tpu.memref_squeeze %dma_start3A_1200 : memref<1x1x128x32xf32, #tpu.memory_space<vmem>> -> memref<128x32xf32, #tpu.memory_space<vmem>>
        %dma_start3A_1202 = arith.constant 0 : i32
        %dma_start3A_1203 = tpu.memref_slice %arg9[%add3A_1194, %dma_start3A_1202] : memref<80x128xi32, #tpu.memory_space<vmem>> -> memref<1x128xi32, #tpu.memory_space<vmem>>
        %dma_start3A_1204 = tpu.memref_squeeze %dma_start3A_1203 : memref<1x128xi32, #tpu.memory_space<vmem>> -> memref<128xi32, #tpu.memory_space<vmem>>
        %dma_start3A_1205 = arith.constant 0 : i32
        %dma_start3A_1206 = arith.constant 0 : i32
        %dma_start3A_1207 = tpu.memref_slice %arg15[%dma_start3A_1205, %dma_start3A_1206] : memref<10240x32xf32, #tpu.memory_space<vmem_shared>> -> memref<10240x32xf32, #tpu.memory_space<vmem_shared>>
        %dma_start3A_1208 = tpu.memref_slice %arg16[%dma_start3A_1197] : memref<2x!tpu.dma_semaphore, #tpu.memory_space<semaphore_mem>> -> memref<1x!tpu.dma_semaphore, #tpu.memory_space<semaphore_mem>>
        %dma_start3A_1209 = tpu.memref_squeeze %dma_start3A_1208 : memref<1x!tpu.dma_semaphore, #tpu.memory_space<semaphore_mem>> -> memref<!tpu.dma_semaphore, #tpu.memory_space<semaphore_mem>>
        tpu.enqueue_indirect_dma source(%dma_start3A_1207 : memref<10240x32xf32, #tpu.memory_space<vmem_shared>>) target(%dma_start3A_1201 : memref<128x32xf32, #tpu.memory_space<vmem>>) offsets(%dma_start3A_1204 : memref<128xi32, #tpu.memory_space<vmem>>) semaphore(%dma_start3A_1209 : memref<!tpu.dma_semaphore, #tpu.memory_space<semaphore_mem>>)
        %add3A_1210 = arith.constant 7 : i32
        %add3A_1211 = arith.addi %add3A_507, %add3A_1210 : i32
        %dma_start3A_1212 = arith.constant 1 : i32
        %dma_start3A_1213 = arith.constant 7 : i32
        %dma_start3A_1214 = arith.constant 1 : i32
        %dma_start3A_1215 = arith.constant 0 : i32
        %dma_start3A_1216 = arith.constant 0 : i32
        %dma_start3A_1217 = tpu.memref_slice %arg11[%dma_start3A_1212, %dma_start3A_1213, %dma_start3A_1215, %dma_start3A_1216] : memref<2x8x128x32xf32, #tpu.memory_space<vmem>> -> memref<1x1x128x32xf32, #tpu.memory_space<vmem>>
        %dma_start3A_1218 = tpu.memref_squeeze %dma_start3A_1217 : memref<1x1x128x32xf32, #tpu.memory_space<vmem>> -> memref<128x32xf32, #tpu.memory_space<vmem>>
        %dma_start3A_1219 = arith.constant 0 : i32
        %dma_start3A_1220 = tpu.memref_slice %arg9[%add3A_1211, %dma_start3A_1219] : memref<80x128xi32, #tpu.memory_space<vmem>> -> memref<1x128xi32, #tpu.memory_space<vmem>>
        %dma_start3A_1221 = tpu.memref_squeeze %dma_start3A_1220 : memref<1x128xi32, #tpu.memory_space<vmem>> -> memref<128xi32, #tpu.memory_space<vmem>>
        %dma_start3A_1222 = arith.constant 0 : i32
        %dma_start3A_1223 = arith.constant 0 : i32
        %dma_start3A_1224 = tpu.memref_slice %arg15[%dma_start3A_1222, %dma_start3A_1223] : memref<10240x32xf32, #tpu.memory_space<vmem_shared>> -> memref<10240x32xf32, #tpu.memory_space<vmem_shared>>
        %dma_start3A_1225 = tpu.memref_slice %arg16[%dma_start3A_1214] : memref<2x!tpu.dma_semaphore, #tpu.memory_space<semaphore_mem>> -> memref<1x!tpu.dma_semaphore, #tpu.memory_space<semaphore_mem>>
        %dma_start3A_1226 = tpu.memref_squeeze %dma_start3A_1225 : memref<1x!tpu.dma_semaphore, #tpu.memory_space<semaphore_mem>> -> memref<!tpu.dma_semaphore, #tpu.memory_space<semaphore_mem>>
        tpu.enqueue_indirect_dma source(%dma_start3A_1224 : memref<10240x32xf32, #tpu.memory_space<vmem_shared>>) target(%dma_start3A_1218 : memref<128x32xf32, #tpu.memory_space<vmem>>) offsets(%dma_start3A_1221 : memref<128xi32, #tpu.memory_space<vmem>>) semaphore(%dma_start3A_1226 : memref<!tpu.dma_semaphore, #tpu.memory_space<semaphore_mem>>)
      } else {
      }
      %dma_wait3A_510 = arith.constant 0 : i32
      %dma_wait3A_511 = arith.constant 0 : i32
      %dma_wait3A_512 = arith.constant 0 : i32
      %dma_wait3A_513 = arith.constant 0 : i32
      %dma_wait3A_514 = arith.constant 0 : i32
      %dma_wait3A_515 = tpu.memref_slice %arg11[%dma_wait3A_510, %dma_wait3A_511, %dma_wait3A_513, %dma_wait3A_514] : memref<2x8x128x32xf32, #tpu.memory_space<vmem>> -> memref<1x1x128x32xf32, #tpu.memory_space<vmem>>
      %dma_wait3A_516 = tpu.memref_squeeze %dma_wait3A_515 : memref<1x1x128x32xf32, #tpu.memory_space<vmem>> -> memref<128x32xf32, #tpu.memory_space<vmem>>
      %dma_wait3A_517 = arith.constant 0 : i32
      %dma_wait3A_518 = tpu.memref_slice %arg10[%add3A_315, %dma_wait3A_517] : memref<80x128xi32, #tpu.memory_space<vmem>> -> memref<1x128xi32, #tpu.memory_space<vmem>>
      %dma_wait3A_519 = tpu.memref_squeeze %dma_wait3A_518 : memref<1x128xi32, #tpu.memory_space<vmem>> -> memref<128xi32, #tpu.memory_space<vmem>>
      %dma_wait3A_520 = arith.constant 0 : i32
      %dma_wait3A_521 = arith.constant 0 : i32
      %dma_wait3A_522 = tpu.memref_slice %arg13[%dma_wait3A_520, %dma_wait3A_521] : memref<10240x32xf32, #tpu.memory_space<vmem_shared>> -> memref<10240x32xf32, #tpu.memory_space<vmem_shared>>
      %dma_wait3A_523 = tpu.memref_slice %arg17[%dma_wait3A_512] : memref<2x!tpu.dma_semaphore, #tpu.memory_space<semaphore_mem>> -> memref<1x!tpu.dma_semaphore, #tpu.memory_space<semaphore_mem>>
      %dma_wait3A_524 = tpu.memref_squeeze %dma_wait3A_523 : memref<1x!tpu.dma_semaphore, #tpu.memory_space<semaphore_mem>> -> memref<!tpu.dma_semaphore, #tpu.memory_space<semaphore_mem>>
      tpu.wait_indirect_dma semaphore(%dma_wait3A_524 : memref<!tpu.dma_semaphore, #tpu.memory_space<semaphore_mem>>) src(%dma_wait3A_516 : memref<128x32xf32, #tpu.memory_space<vmem>>) dst(%dma_wait3A_522 : memref<10240x32xf32, #tpu.memory_space<vmem_shared>>)
      %dma_wait3A_525 = arith.constant 0 : i32
      %dma_wait3A_526 = arith.constant 1 : i32
      %dma_wait3A_527 = arith.constant 0 : i32
      %dma_wait3A_528 = arith.constant 0 : i32
      %dma_wait3A_529 = arith.constant 0 : i32
      %dma_wait3A_530 = tpu.memref_slice %arg11[%dma_wait3A_525, %dma_wait3A_526, %dma_wait3A_528, %dma_wait3A_529] : memref<2x8x128x32xf32, #tpu.memory_space<vmem>> -> memref<1x1x128x32xf32, #tpu.memory_space<vmem>>
      %dma_wait3A_531 = tpu.memref_squeeze %dma_wait3A_530 : memref<1x1x128x32xf32, #tpu.memory_space<vmem>> -> memref<128x32xf32, #tpu.memory_space<vmem>>
      %dma_wait3A_532 = arith.constant 0 : i32
      %dma_wait3A_533 = tpu.memref_slice %arg10[%add3A_332, %dma_wait3A_532] : memref<80x128xi32, #tpu.memory_space<vmem>> -> memref<1x128xi32, #tpu.memory_space<vmem>>
      %dma_wait3A_534 = tpu.memref_squeeze %dma_wait3A_533 : memref<1x128xi32, #tpu.memory_space<vmem>> -> memref<128xi32, #tpu.memory_space<vmem>>
      %dma_wait3A_535 = arith.constant 0 : i32
      %dma_wait3A_536 = arith.constant 0 : i32
      %dma_wait3A_537 = tpu.memref_slice %arg13[%dma_wait3A_535, %dma_wait3A_536] : memref<10240x32xf32, #tpu.memory_space<vmem_shared>> -> memref<10240x32xf32, #tpu.memory_space<vmem_shared>>
      %dma_wait3A_538 = tpu.memref_slice %arg17[%dma_wait3A_527] : memref<2x!tpu.dma_semaphore, #tpu.memory_space<semaphore_mem>> -> memref<1x!tpu.dma_semaphore, #tpu.memory_space<semaphore_mem>>
      %dma_wait3A_539 = tpu.memref_squeeze %dma_wait3A_538 : memref<1x!tpu.dma_semaphore, #tpu.memory_space<semaphore_mem>> -> memref<!tpu.dma_semaphore, #tpu.memory_space<semaphore_mem>>
      tpu.wait_indirect_dma semaphore(%dma_wait3A_539 : memref<!tpu.dma_semaphore, #tpu.memory_space<semaphore_mem>>) src(%dma_wait3A_531 : memref<128x32xf32, #tpu.memory_space<vmem>>) dst(%dma_wait3A_537 : memref<10240x32xf32, #tpu.memory_space<vmem_shared>>)
      %dma_wait3A_540 = arith.constant 0 : i32
      %dma_wait3A_541 = arith.constant 2 : i32
      %dma_wait3A_542 = arith.constant 0 : i32
      %dma_wait3A_543 = arith.constant 0 : i32
      %dma_wait3A_544 = arith.constant 0 : i32
      %dma_wait3A_545 = tpu.memref_slice %arg11[%dma_wait3A_540, %dma_wait3A_541, %dma_wait3A_543, %dma_wait3A_544] : memref<2x8x128x32xf32, #tpu.memory_space<vmem>> -> memref<1x1x128x32xf32, #tpu.memory_space<vmem>>
      %dma_wait3A_546 = tpu.memref_squeeze %dma_wait3A_545 : memref<1x1x128x32xf32, #tpu.memory_space<vmem>> -> memref<128x32xf32, #tpu.memory_space<vmem>>
      %dma_wait3A_547 = arith.constant 0 : i32
      %dma_wait3A_548 = tpu.memref_slice %arg10[%add3A_349, %dma_wait3A_547] : memref<80x128xi32, #tpu.memory_space<vmem>> -> memref<1x128xi32, #tpu.memory_space<vmem>>
      %dma_wait3A_549 = tpu.memref_squeeze %dma_wait3A_548 : memref<1x128xi32, #tpu.memory_space<vmem>> -> memref<128xi32, #tpu.memory_space<vmem>>
      %dma_wait3A_550 = arith.constant 0 : i32
      %dma_wait3A_551 = arith.constant 0 : i32
      %dma_wait3A_552 = tpu.memref_slice %arg13[%dma_wait3A_550, %dma_wait3A_551] : memref<10240x32xf32, #tpu.memory_space<vmem_shared>> -> memref<10240x32xf32, #tpu.memory_space<vmem_shared>>
      %dma_wait3A_553 = tpu.memref_slice %arg17[%dma_wait3A_542] : memref<2x!tpu.dma_semaphore, #tpu.memory_space<semaphore_mem>> -> memref<1x!tpu.dma_semaphore, #tpu.memory_space<semaphore_mem>>
      %dma_wait3A_554 = tpu.memref_squeeze %dma_wait3A_553 : memref<1x!tpu.dma_semaphore, #tpu.memory_space<semaphore_mem>> -> memref<!tpu.dma_semaphore, #tpu.memory_space<semaphore_mem>>
      tpu.wait_indirect_dma semaphore(%dma_wait3A_554 : memref<!tpu.dma_semaphore, #tpu.memory_space<semaphore_mem>>) src(%dma_wait3A_546 : memref<128x32xf32, #tpu.memory_space<vmem>>) dst(%dma_wait3A_552 : memref<10240x32xf32, #tpu.memory_space<vmem_shared>>)
      %dma_wait3A_555 = arith.constant 0 : i32
      %dma_wait3A_556 = arith.constant 3 : i32
      %dma_wait3A_557 = arith.constant 0 : i32
      %dma_wait3A_558 = arith.constant 0 : i32
      %dma_wait3A_559 = arith.constant 0 : i32
      %dma_wait3A_560 = tpu.memref_slice %arg11[%dma_wait3A_555, %dma_wait3A_556, %dma_wait3A_558, %dma_wait3A_559] : memref<2x8x128x32xf32, #tpu.memory_space<vmem>> -> memref<1x1x128x32xf32, #tpu.memory_space<vmem>>
      %dma_wait3A_561 = tpu.memref_squeeze %dma_wait3A_560 : memref<1x1x128x32xf32, #tpu.memory_space<vmem>> -> memref<128x32xf32, #tpu.memory_space<vmem>>
      %dma_wait3A_562 = arith.constant 0 : i32
      %dma_wait3A_563 = tpu.memref_slice %arg10[%add3A_366, %dma_wait3A_562] : memref<80x128xi32, #tpu.memory_space<vmem>> -> memref<1x128xi32, #tpu.memory_space<vmem>>
      %dma_wait3A_564 = tpu.memref_squeeze %dma_wait3A_563 : memref<1x128xi32, #tpu.memory_space<vmem>> -> memref<128xi32, #tpu.memory_space<vmem>>
      %dma_wait3A_565 = arith.constant 0 : i32
      %dma_wait3A_566 = arith.constant 0 : i32
      %dma_wait3A_567 = tpu.memref_slice %arg13[%dma_wait3A_565, %dma_wait3A_566] : memref<10240x32xf32, #tpu.memory_space<vmem_shared>> -> memref<10240x32xf32, #tpu.memory_space<vmem_shared>>
      %dma_wait3A_568 = tpu.memref_slice %arg17[%dma_wait3A_557] : memref<2x!tpu.dma_semaphore, #tpu.memory_space<semaphore_mem>> -> memref<1x!tpu.dma_semaphore, #tpu.memory_space<semaphore_mem>>
      %dma_wait3A_569 = tpu.memref_squeeze %dma_wait3A_568 : memref<1x!tpu.dma_semaphore, #tpu.memory_space<semaphore_mem>> -> memref<!tpu.dma_semaphore, #tpu.memory_space<semaphore_mem>>
      tpu.wait_indirect_dma semaphore(%dma_wait3A_569 : memref<!tpu.dma_semaphore, #tpu.memory_space<semaphore_mem>>) src(%dma_wait3A_561 : memref<128x32xf32, #tpu.memory_space<vmem>>) dst(%dma_wait3A_567 : memref<10240x32xf32, #tpu.memory_space<vmem_shared>>)
      %dma_wait3A_570 = arith.constant 0 : i32
      %dma_wait3A_571 = arith.constant 4 : i32
      %dma_wait3A_572 = arith.constant 0 : i32
      %dma_wait3A_573 = arith.constant 0 : i32
      %dma_wait3A_574 = arith.constant 0 : i32
      %dma_wait3A_575 = tpu.memref_slice %arg11[%dma_wait3A_570, %dma_wait3A_571, %dma_wait3A_573, %dma_wait3A_574] : memref<2x8x128x32xf32, #tpu.memory_space<vmem>> -> memref<1x1x128x32xf32, #tpu.memory_space<vmem>>
      %dma_wait3A_576 = tpu.memref_squeeze %dma_wait3A_575 : memref<1x1x128x32xf32, #tpu.memory_space<vmem>> -> memref<128x32xf32, #tpu.memory_space<vmem>>
      %dma_wait3A_577 = arith.constant 0 : i32
      %dma_wait3A_578 = tpu.memref_slice %arg10[%add3A_383, %dma_wait3A_577] : memref<80x128xi32, #tpu.memory_space<vmem>> -> memref<1x128xi32, #tpu.memory_space<vmem>>
      %dma_wait3A_579 = tpu.memref_squeeze %dma_wait3A_578 : memref<1x128xi32, #tpu.memory_space<vmem>> -> memref<128xi32, #tpu.memory_space<vmem>>
      %dma_wait3A_580 = arith.constant 0 : i32
      %dma_wait3A_581 = arith.constant 0 : i32
      %dma_wait3A_582 = tpu.memref_slice %arg13[%dma_wait3A_580, %dma_wait3A_581] : memref<10240x32xf32, #tpu.memory_space<vmem_shared>> -> memref<10240x32xf32, #tpu.memory_space<vmem_shared>>
      %dma_wait3A_583 = tpu.memref_slice %arg17[%dma_wait3A_572] : memref<2x!tpu.dma_semaphore, #tpu.memory_space<semaphore_mem>> -> memref<1x!tpu.dma_semaphore, #tpu.memory_space<semaphore_mem>>
      %dma_wait3A_584 = tpu.memref_squeeze %dma_wait3A_583 : memref<1x!tpu.dma_semaphore, #tpu.memory_space<semaphore_mem>> -> memref<!tpu.dma_semaphore, #tpu.memory_space<semaphore_mem>>
      tpu.wait_indirect_dma semaphore(%dma_wait3A_584 : memref<!tpu.dma_semaphore, #tpu.memory_space<semaphore_mem>>) src(%dma_wait3A_576 : memref<128x32xf32, #tpu.memory_space<vmem>>) dst(%dma_wait3A_582 : memref<10240x32xf32, #tpu.memory_space<vmem_shared>>)
      %dma_wait3A_585 = arith.constant 0 : i32
      %dma_wait3A_586 = arith.constant 5 : i32
      %dma_wait3A_587 = arith.constant 0 : i32
      %dma_wait3A_588 = arith.constant 0 : i32
      %dma_wait3A_589 = arith.constant 0 : i32
      %dma_wait3A_590 = tpu.memref_slice %arg11[%dma_wait3A_585, %dma_wait3A_586, %dma_wait3A_588, %dma_wait3A_589] : memref<2x8x128x32xf32, #tpu.memory_space<vmem>> -> memref<1x1x128x32xf32, #tpu.memory_space<vmem>>
      %dma_wait3A_591 = tpu.memref_squeeze %dma_wait3A_590 : memref<1x1x128x32xf32, #tpu.memory_space<vmem>> -> memref<128x32xf32, #tpu.memory_space<vmem>>
      %dma_wait3A_592 = arith.constant 0 : i32
      %dma_wait3A_593 = tpu.memref_slice %arg10[%add3A_400, %dma_wait3A_592] : memref<80x128xi32, #tpu.memory_space<vmem>> -> memref<1x128xi32, #tpu.memory_space<vmem>>
      %dma_wait3A_594 = tpu.memref_squeeze %dma_wait3A_593 : memref<1x128xi32, #tpu.memory_space<vmem>> -> memref<128xi32, #tpu.memory_space<vmem>>
      %dma_wait3A_595 = arith.constant 0 : i32
      %dma_wait3A_596 = arith.constant 0 : i32
      %dma_wait3A_597 = tpu.memref_slice %arg13[%dma_wait3A_595, %dma_wait3A_596] : memref<10240x32xf32, #tpu.memory_space<vmem_shared>> -> memref<10240x32xf32, #tpu.memory_space<vmem_shared>>
      %dma_wait3A_598 = tpu.memref_slice %arg17[%dma_wait3A_587] : memref<2x!tpu.dma_semaphore, #tpu.memory_space<semaphore_mem>> -> memref<1x!tpu.dma_semaphore, #tpu.memory_space<semaphore_mem>>
      %dma_wait3A_599 = tpu.memref_squeeze %dma_wait3A_598 : memref<1x!tpu.dma_semaphore, #tpu.memory_space<semaphore_mem>> -> memref<!tpu.dma_semaphore, #tpu.memory_space<semaphore_mem>>
      tpu.wait_indirect_dma semaphore(%dma_wait3A_599 : memref<!tpu.dma_semaphore, #tpu.memory_space<semaphore_mem>>) src(%dma_wait3A_591 : memref<128x32xf32, #tpu.memory_space<vmem>>) dst(%dma_wait3A_597 : memref<10240x32xf32, #tpu.memory_space<vmem_shared>>)
      %dma_wait3A_600 = arith.constant 0 : i32
      %dma_wait3A_601 = arith.constant 6 : i32
      %dma_wait3A_602 = arith.constant 0 : i32
      %dma_wait3A_603 = arith.constant 0 : i32
      %dma_wait3A_604 = arith.constant 0 : i32
      %dma_wait3A_605 = tpu.memref_slice %arg11[%dma_wait3A_600, %dma_wait3A_601, %dma_wait3A_603, %dma_wait3A_604] : memref<2x8x128x32xf32, #tpu.memory_space<vmem>> -> memref<1x1x128x32xf32, #tpu.memory_space<vmem>>
      %dma_wait3A_606 = tpu.memref_squeeze %dma_wait3A_605 : memref<1x1x128x32xf32, #tpu.memory_space<vmem>> -> memref<128x32xf32, #tpu.memory_space<vmem>>
      %dma_wait3A_607 = arith.constant 0 : i32
      %dma_wait3A_608 = tpu.memref_slice %arg10[%add3A_417, %dma_wait3A_607] : memref<80x128xi32, #tpu.memory_space<vmem>> -> memref<1x128xi32, #tpu.memory_space<vmem>>
      %dma_wait3A_609 = tpu.memref_squeeze %dma_wait3A_608 : memref<1x128xi32, #tpu.memory_space<vmem>> -> memref<128xi32, #tpu.memory_space<vmem>>
      %dma_wait3A_610 = arith.constant 0 : i32
      %dma_wait3A_611 = arith.constant 0 : i32
      %dma_wait3A_612 = tpu.memref_slice %arg13[%dma_wait3A_610, %dma_wait3A_611] : memref<10240x32xf32, #tpu.memory_space<vmem_shared>> -> memref<10240x32xf32, #tpu.memory_space<vmem_shared>>
      %dma_wait3A_613 = tpu.memref_slice %arg17[%dma_wait3A_602] : memref<2x!tpu.dma_semaphore, #tpu.memory_space<semaphore_mem>> -> memref<1x!tpu.dma_semaphore, #tpu.memory_space<semaphore_mem>>
      %dma_wait3A_614 = tpu.memref_squeeze %dma_wait3A_613 : memref<1x!tpu.dma_semaphore, #tpu.memory_space<semaphore_mem>> -> memref<!tpu.dma_semaphore, #tpu.memory_space<semaphore_mem>>
      tpu.wait_indirect_dma semaphore(%dma_wait3A_614 : memref<!tpu.dma_semaphore, #tpu.memory_space<semaphore_mem>>) src(%dma_wait3A_606 : memref<128x32xf32, #tpu.memory_space<vmem>>) dst(%dma_wait3A_612 : memref<10240x32xf32, #tpu.memory_space<vmem_shared>>)
      %dma_wait3A_615 = arith.constant 0 : i32
      %dma_wait3A_616 = arith.constant 7 : i32
      %dma_wait3A_617 = arith.constant 0 : i32
      %dma_wait3A_618 = arith.constant 0 : i32
      %dma_wait3A_619 = arith.constant 0 : i32
      %dma_wait3A_620 = tpu.memref_slice %arg11[%dma_wait3A_615, %dma_wait3A_616, %dma_wait3A_618, %dma_wait3A_619] : memref<2x8x128x32xf32, #tpu.memory_space<vmem>> -> memref<1x1x128x32xf32, #tpu.memory_space<vmem>>
      %dma_wait3A_621 = tpu.memref_squeeze %dma_wait3A_620 : memref<1x1x128x32xf32, #tpu.memory_space<vmem>> -> memref<128x32xf32, #tpu.memory_space<vmem>>
      %dma_wait3A_622 = arith.constant 0 : i32
      %dma_wait3A_623 = tpu.memref_slice %arg10[%add3A_434, %dma_wait3A_622] : memref<80x128xi32, #tpu.memory_space<vmem>> -> memref<1x128xi32, #tpu.memory_space<vmem>>
      %dma_wait3A_624 = tpu.memref_squeeze %dma_wait3A_623 : memref<1x128xi32, #tpu.memory_space<vmem>> -> memref<128xi32, #tpu.memory_space<vmem>>
      %dma_wait3A_625 = arith.constant 0 : i32
      %dma_wait3A_626 = arith.constant 0 : i32
      %dma_wait3A_627 = tpu.memref_slice %arg13[%dma_wait3A_625, %dma_wait3A_626] : memref<10240x32xf32, #tpu.memory_space<vmem_shared>> -> memref<10240x32xf32, #tpu.memory_space<vmem_shared>>
      %dma_wait3A_628 = tpu.memref_slice %arg17[%dma_wait3A_617] : memref<2x!tpu.dma_semaphore, #tpu.memory_space<semaphore_mem>> -> memref<1x!tpu.dma_semaphore, #tpu.memory_space<semaphore_mem>>
      %dma_wait3A_629 = tpu.memref_squeeze %dma_wait3A_628 : memref<1x!tpu.dma_semaphore, #tpu.memory_space<semaphore_mem>> -> memref<!tpu.dma_semaphore, #tpu.memory_space<semaphore_mem>>
      tpu.wait_indirect_dma semaphore(%dma_wait3A_629 : memref<!tpu.dma_semaphore, #tpu.memory_space<semaphore_mem>>) src(%dma_wait3A_621 : memref<128x32xf32, #tpu.memory_space<vmem>>) dst(%dma_wait3A_627 : memref<10240x32xf32, #tpu.memory_space<vmem_shared>>)
      %mul3A_630 = arith.constant 2 : i32
      %mul3A_631 = arith.muli %scan3A_172, %mul3A_630 : i32
      %add3A_632 = arith.constant 1 : i32
      %add3A_633 = arith.addi %mul3A_631, %add3A_632 : i32
      %mul3A_634 = arith.constant 8 : i32
      %mul3A_635 = arith.muli %add3A_633, %mul3A_634 : i32
      %add3A_636 = arith.constant 0 : i32
      %add3A_637 = arith.addi %mul3A_635, %add3A_636 : i32
      %dma_wait3A_638 = arith.constant 1 : i32
      %dma_wait3A_639 = arith.constant 0 : i32
      %dma_wait3A_640 = arith.constant 1 : i32
      %dma_wait3A_641 = arith.constant 0 : i32
      %dma_wait3A_642 = arith.constant 0 : i32
      %dma_wait3A_643 = tpu.memref_slice %arg11[%dma_wait3A_638, %dma_wait3A_639, %dma_wait3A_641, %dma_wait3A_642] : memref<2x8x128x32xf32, #tpu.memory_space<vmem>> -> memref<1x1x128x32xf32, #tpu.memory_space<vmem>>
      %dma_wait3A_644 = tpu.memref_squeeze %dma_wait3A_643 : memref<1x1x128x32xf32, #tpu.memory_space<vmem>> -> memref<128x32xf32, #tpu.memory_space<vmem>>
      %dma_wait3A_645 = arith.constant 0 : i32
      %dma_wait3A_646 = tpu.memref_slice %arg9[%add3A_637, %dma_wait3A_645] : memref<80x128xi32, #tpu.memory_space<vmem>> -> memref<1x128xi32, #tpu.memory_space<vmem>>
      %dma_wait3A_647 = tpu.memref_squeeze %dma_wait3A_646 : memref<1x128xi32, #tpu.memory_space<vmem>> -> memref<128xi32, #tpu.memory_space<vmem>>
      %dma_wait3A_648 = arith.constant 0 : i32
      %dma_wait3A_649 = arith.constant 0 : i32
      %dma_wait3A_650 = tpu.memref_slice %arg15[%dma_wait3A_648, %dma_wait3A_649] : memref<10240x32xf32, #tpu.memory_space<vmem_shared>> -> memref<10240x32xf32, #tpu.memory_space<vmem_shared>>
      %dma_wait3A_651 = tpu.memref_slice %arg16[%dma_wait3A_640] : memref<2x!tpu.dma_semaphore, #tpu.memory_space<semaphore_mem>> -> memref<1x!tpu.dma_semaphore, #tpu.memory_space<semaphore_mem>>
      %dma_wait3A_652 = tpu.memref_squeeze %dma_wait3A_651 : memref<1x!tpu.dma_semaphore, #tpu.memory_space<semaphore_mem>> -> memref<!tpu.dma_semaphore, #tpu.memory_space<semaphore_mem>>
      tpu.wait_indirect_dma semaphore(%dma_wait3A_652 : memref<!tpu.dma_semaphore, #tpu.memory_space<semaphore_mem>>) src(%dma_wait3A_650 : memref<10240x32xf32, #tpu.memory_space<vmem_shared>>) dst(%dma_wait3A_644 : memref<128x32xf32, #tpu.memory_space<vmem>>)
      %add3A_653 = arith.constant 1 : i32
      %add3A_654 = arith.addi %mul3A_635, %add3A_653 : i32
      %dma_wait3A_655 = arith.constant 1 : i32
      %dma_wait3A_656 = arith.constant 1 : i32
      %dma_wait3A_657 = arith.constant 1 : i32
      %dma_wait3A_658 = arith.constant 0 : i32
      %dma_wait3A_659 = arith.constant 0 : i32
      %dma_wait3A_660 = tpu.memref_slice %arg11[%dma_wait3A_655, %dma_wait3A_656, %dma_wait3A_658, %dma_wait3A_659] : memref<2x8x128x32xf32, #tpu.memory_space<vmem>> -> memref<1x1x128x32xf32, #tpu.memory_space<vmem>>
      %dma_wait3A_661 = tpu.memref_squeeze %dma_wait3A_660 : memref<1x1x128x32xf32, #tpu.memory_space<vmem>> -> memref<128x32xf32, #tpu.memory_space<vmem>>
      %dma_wait3A_662 = arith.constant 0 : i32
      %dma_wait3A_663 = tpu.memref_slice %arg9[%add3A_654, %dma_wait3A_662] : memref<80x128xi32, #tpu.memory_space<vmem>> -> memref<1x128xi32, #tpu.memory_space<vmem>>
      %dma_wait3A_664 = tpu.memref_squeeze %dma_wait3A_663 : memref<1x128xi32, #tpu.memory_space<vmem>> -> memref<128xi32, #tpu.memory_space<vmem>>
      %dma_wait3A_665 = arith.constant 0 : i32
      %dma_wait3A_666 = arith.constant 0 : i32
      %dma_wait3A_667 = tpu.memref_slice %arg15[%dma_wait3A_665, %dma_wait3A_666] : memref<10240x32xf32, #tpu.memory_space<vmem_shared>> -> memref<10240x32xf32, #tpu.memory_space<vmem_shared>>
      %dma_wait3A_668 = tpu.memref_slice %arg16[%dma_wait3A_657] : memref<2x!tpu.dma_semaphore, #tpu.memory_space<semaphore_mem>> -> memref<1x!tpu.dma_semaphore, #tpu.memory_space<semaphore_mem>>
      %dma_wait3A_669 = tpu.memref_squeeze %dma_wait3A_668 : memref<1x!tpu.dma_semaphore, #tpu.memory_space<semaphore_mem>> -> memref<!tpu.dma_semaphore, #tpu.memory_space<semaphore_mem>>
      tpu.wait_indirect_dma semaphore(%dma_wait3A_669 : memref<!tpu.dma_semaphore, #tpu.memory_space<semaphore_mem>>) src(%dma_wait3A_667 : memref<10240x32xf32, #tpu.memory_space<vmem_shared>>) dst(%dma_wait3A_661 : memref<128x32xf32, #tpu.memory_space<vmem>>)
      %add3A_670 = arith.constant 2 : i32
      %add3A_671 = arith.addi %mul3A_635, %add3A_670 : i32
      %dma_wait3A_672 = arith.constant 1 : i32
      %dma_wait3A_673 = arith.constant 2 : i32
      %dma_wait3A_674 = arith.constant 1 : i32
      %dma_wait3A_675 = arith.constant 0 : i32
      %dma_wait3A_676 = arith.constant 0 : i32
      %dma_wait3A_677 = tpu.memref_slice %arg11[%dma_wait3A_672, %dma_wait3A_673, %dma_wait3A_675, %dma_wait3A_676] : memref<2x8x128x32xf32, #tpu.memory_space<vmem>> -> memref<1x1x128x32xf32, #tpu.memory_space<vmem>>
      %dma_wait3A_678 = tpu.memref_squeeze %dma_wait3A_677 : memref<1x1x128x32xf32, #tpu.memory_space<vmem>> -> memref<128x32xf32, #tpu.memory_space<vmem>>
      %dma_wait3A_679 = arith.constant 0 : i32
      %dma_wait3A_680 = tpu.memref_slice %arg9[%add3A_671, %dma_wait3A_679] : memref<80x128xi32, #tpu.memory_space<vmem>> -> memref<1x128xi32, #tpu.memory_space<vmem>>
      %dma_wait3A_681 = tpu.memref_squeeze %dma_wait3A_680 : memref<1x128xi32, #tpu.memory_space<vmem>> -> memref<128xi32, #tpu.memory_space<vmem>>
      %dma_wait3A_682 = arith.constant 0 : i32
      %dma_wait3A_683 = arith.constant 0 : i32
      %dma_wait3A_684 = tpu.memref_slice %arg15[%dma_wait3A_682, %dma_wait3A_683] : memref<10240x32xf32, #tpu.memory_space<vmem_shared>> -> memref<10240x32xf32, #tpu.memory_space<vmem_shared>>
      %dma_wait3A_685 = tpu.memref_slice %arg16[%dma_wait3A_674] : memref<2x!tpu.dma_semaphore, #tpu.memory_space<semaphore_mem>> -> memref<1x!tpu.dma_semaphore, #tpu.memory_space<semaphore_mem>>
      %dma_wait3A_686 = tpu.memref_squeeze %dma_wait3A_685 : memref<1x!tpu.dma_semaphore, #tpu.memory_space<semaphore_mem>> -> memref<!tpu.dma_semaphore, #tpu.memory_space<semaphore_mem>>
      tpu.wait_indirect_dma semaphore(%dma_wait3A_686 : memref<!tpu.dma_semaphore, #tpu.memory_space<semaphore_mem>>) src(%dma_wait3A_684 : memref<10240x32xf32, #tpu.memory_space<vmem_shared>>) dst(%dma_wait3A_678 : memref<128x32xf32, #tpu.memory_space<vmem>>)
      %add3A_687 = arith.constant 3 : i32
      %add3A_688 = arith.addi %mul3A_635, %add3A_687 : i32
      %dma_wait3A_689 = arith.constant 1 : i32
      %dma_wait3A_690 = arith.constant 3 : i32
      %dma_wait3A_691 = arith.constant 1 : i32
      %dma_wait3A_692 = arith.constant 0 : i32
      %dma_wait3A_693 = arith.constant 0 : i32
      %dma_wait3A_694 = tpu.memref_slice %arg11[%dma_wait3A_689, %dma_wait3A_690, %dma_wait3A_692, %dma_wait3A_693] : memref<2x8x128x32xf32, #tpu.memory_space<vmem>> -> memref<1x1x128x32xf32, #tpu.memory_space<vmem>>
      %dma_wait3A_695 = tpu.memref_squeeze %dma_wait3A_694 : memref<1x1x128x32xf32, #tpu.memory_space<vmem>> -> memref<128x32xf32, #tpu.memory_space<vmem>>
      %dma_wait3A_696 = arith.constant 0 : i32
      %dma_wait3A_697 = tpu.memref_slice %arg9[%add3A_688, %dma_wait3A_696] : memref<80x128xi32, #tpu.memory_space<vmem>> -> memref<1x128xi32, #tpu.memory_space<vmem>>
      %dma_wait3A_698 = tpu.memref_squeeze %dma_wait3A_697 : memref<1x128xi32, #tpu.memory_space<vmem>> -> memref<128xi32, #tpu.memory_space<vmem>>
      %dma_wait3A_699 = arith.constant 0 : i32
      %dma_wait3A_700 = arith.constant 0 : i32
      %dma_wait3A_701 = tpu.memref_slice %arg15[%dma_wait3A_699, %dma_wait3A_700] : memref<10240x32xf32, #tpu.memory_space<vmem_shared>> -> memref<10240x32xf32, #tpu.memory_space<vmem_shared>>
      %dma_wait3A_702 = tpu.memref_slice %arg16[%dma_wait3A_691] : memref<2x!tpu.dma_semaphore, #tpu.memory_space<semaphore_mem>> -> memref<1x!tpu.dma_semaphore, #tpu.memory_space<semaphore_mem>>
      %dma_wait3A_703 = tpu.memref_squeeze %dma_wait3A_702 : memref<1x!tpu.dma_semaphore, #tpu.memory_space<semaphore_mem>> -> memref<!tpu.dma_semaphore, #tpu.memory_space<semaphore_mem>>
      tpu.wait_indirect_dma semaphore(%dma_wait3A_703 : memref<!tpu.dma_semaphore, #tpu.memory_space<semaphore_mem>>) src(%dma_wait3A_701 : memref<10240x32xf32, #tpu.memory_space<vmem_shared>>) dst(%dma_wait3A_695 : memref<128x32xf32, #tpu.memory_space<vmem>>)
      %add3A_704 = arith.constant 4 : i32
      %add3A_705 = arith.addi %mul3A_635, %add3A_704 : i32
      %dma_wait3A_706 = arith.constant 1 : i32
      %dma_wait3A_707 = arith.constant 4 : i32
      %dma_wait3A_708 = arith.constant 1 : i32
      %dma_wait3A_709 = arith.constant 0 : i32
      %dma_wait3A_710 = arith.constant 0 : i32
      %dma_wait3A_711 = tpu.memref_slice %arg11[%dma_wait3A_706, %dma_wait3A_707, %dma_wait3A_709, %dma_wait3A_710] : memref<2x8x128x32xf32, #tpu.memory_space<vmem>> -> memref<1x1x128x32xf32, #tpu.memory_space<vmem>>
      %dma_wait3A_712 = tpu.memref_squeeze %dma_wait3A_711 : memref<1x1x128x32xf32, #tpu.memory_space<vmem>> -> memref<128x32xf32, #tpu.memory_space<vmem>>
      %dma_wait3A_713 = arith.constant 0 : i32
      %dma_wait3A_714 = tpu.memref_slice %arg9[%add3A_705, %dma_wait3A_713] : memref<80x128xi32, #tpu.memory_space<vmem>> -> memref<1x128xi32, #tpu.memory_space<vmem>>
      %dma_wait3A_715 = tpu.memref_squeeze %dma_wait3A_714 : memref<1x128xi32, #tpu.memory_space<vmem>> -> memref<128xi32, #tpu.memory_space<vmem>>
      %dma_wait3A_716 = arith.constant 0 : i32
      %dma_wait3A_717 = arith.constant 0 : i32
      %dma_wait3A_718 = tpu.memref_slice %arg15[%dma_wait3A_716, %dma_wait3A_717] : memref<10240x32xf32, #tpu.memory_space<vmem_shared>> -> memref<10240x32xf32, #tpu.memory_space<vmem_shared>>
      %dma_wait3A_719 = tpu.memref_slice %arg16[%dma_wait3A_708] : memref<2x!tpu.dma_semaphore, #tpu.memory_space<semaphore_mem>> -> memref<1x!tpu.dma_semaphore, #tpu.memory_space<semaphore_mem>>
      %dma_wait3A_720 = tpu.memref_squeeze %dma_wait3A_719 : memref<1x!tpu.dma_semaphore, #tpu.memory_space<semaphore_mem>> -> memref<!tpu.dma_semaphore, #tpu.memory_space<semaphore_mem>>
      tpu.wait_indirect_dma semaphore(%dma_wait3A_720 : memref<!tpu.dma_semaphore, #tpu.memory_space<semaphore_mem>>) src(%dma_wait3A_718 : memref<10240x32xf32, #tpu.memory_space<vmem_shared>>) dst(%dma_wait3A_712 : memref<128x32xf32, #tpu.memory_space<vmem>>)
      %add3A_721 = arith.constant 5 : i32
      %add3A_722 = arith.addi %mul3A_635, %add3A_721 : i32
      %dma_wait3A_723 = arith.constant 1 : i32
      %dma_wait3A_724 = arith.constant 5 : i32
      %dma_wait3A_725 = arith.constant 1 : i32
      %dma_wait3A_726 = arith.constant 0 : i32
      %dma_wait3A_727 = arith.constant 0 : i32
      %dma_wait3A_728 = tpu.memref_slice %arg11[%dma_wait3A_723, %dma_wait3A_724, %dma_wait3A_726, %dma_wait3A_727] : memref<2x8x128x32xf32, #tpu.memory_space<vmem>> -> memref<1x1x128x32xf32, #tpu.memory_space<vmem>>
      %dma_wait3A_729 = tpu.memref_squeeze %dma_wait3A_728 : memref<1x1x128x32xf32, #tpu.memory_space<vmem>> -> memref<128x32xf32, #tpu.memory_space<vmem>>
      %dma_wait3A_730 = arith.constant 0 : i32
      %dma_wait3A_731 = tpu.memref_slice %arg9[%add3A_722, %dma_wait3A_730] : memref<80x128xi32, #tpu.memory_space<vmem>> -> memref<1x128xi32, #tpu.memory_space<vmem>>
      %dma_wait3A_732 = tpu.memref_squeeze %dma_wait3A_731 : memref<1x128xi32, #tpu.memory_space<vmem>> -> memref<128xi32, #tpu.memory_space<vmem>>
      %dma_wait3A_733 = arith.constant 0 : i32
      %dma_wait3A_734 = arith.constant 0 : i32
      %dma_wait3A_735 = tpu.memref_slice %arg15[%dma_wait3A_733, %dma_wait3A_734] : memref<10240x32xf32, #tpu.memory_space<vmem_shared>> -> memref<10240x32xf32, #tpu.memory_space<vmem_shared>>
      %dma_wait3A_736 = tpu.memref_slice %arg16[%dma_wait3A_725] : memref<2x!tpu.dma_semaphore, #tpu.memory_space<semaphore_mem>> -> memref<1x!tpu.dma_semaphore, #tpu.memory_space<semaphore_mem>>
      %dma_wait3A_737 = tpu.memref_squeeze %dma_wait3A_736 : memref<1x!tpu.dma_semaphore, #tpu.memory_space<semaphore_mem>> -> memref<!tpu.dma_semaphore, #tpu.memory_space<semaphore_mem>>
      tpu.wait_indirect_dma semaphore(%dma_wait3A_737 : memref<!tpu.dma_semaphore, #tpu.memory_space<semaphore_mem>>) src(%dma_wait3A_735 : memref<10240x32xf32, #tpu.memory_space<vmem_shared>>) dst(%dma_wait3A_729 : memref<128x32xf32, #tpu.memory_space<vmem>>)
      %add3A_738 = arith.constant 6 : i32
      %add3A_739 = arith.addi %mul3A_635, %add3A_738 : i32
      %dma_wait3A_740 = arith.constant 1 : i32
      %dma_wait3A_741 = arith.constant 6 : i32
      %dma_wait3A_742 = arith.constant 1 : i32
      %dma_wait3A_743 = arith.constant 0 : i32
      %dma_wait3A_744 = arith.constant 0 : i32
      %dma_wait3A_745 = tpu.memref_slice %arg11[%dma_wait3A_740, %dma_wait3A_741, %dma_wait3A_743, %dma_wait3A_744] : memref<2x8x128x32xf32, #tpu.memory_space<vmem>> -> memref<1x1x128x32xf32, #tpu.memory_space<vmem>>
      %dma_wait3A_746 = tpu.memref_squeeze %dma_wait3A_745 : memref<1x1x128x32xf32, #tpu.memory_space<vmem>> -> memref<128x32xf32, #tpu.memory_space<vmem>>
      %dma_wait3A_747 = arith.constant 0 : i32
      %dma_wait3A_748 = tpu.memref_slice %arg9[%add3A_739, %dma_wait3A_747] : memref<80x128xi32, #tpu.memory_space<vmem>> -> memref<1x128xi32, #tpu.memory_space<vmem>>
      %dma_wait3A_749 = tpu.memref_squeeze %dma_wait3A_748 : memref<1x128xi32, #tpu.memory_space<vmem>> -> memref<128xi32, #tpu.memory_space<vmem>>
      %dma_wait3A_750 = arith.constant 0 : i32
      %dma_wait3A_751 = arith.constant 0 : i32
      %dma_wait3A_752 = tpu.memref_slice %arg15[%dma_wait3A_750, %dma_wait3A_751] : memref<10240x32xf32, #tpu.memory_space<vmem_shared>> -> memref<10240x32xf32, #tpu.memory_space<vmem_shared>>
      %dma_wait3A_753 = tpu.memref_slice %arg16[%dma_wait3A_742] : memref<2x!tpu.dma_semaphore, #tpu.memory_space<semaphore_mem>> -> memref<1x!tpu.dma_semaphore, #tpu.memory_space<semaphore_mem>>
      %dma_wait3A_754 = tpu.memref_squeeze %dma_wait3A_753 : memref<1x!tpu.dma_semaphore, #tpu.memory_space<semaphore_mem>> -> memref<!tpu.dma_semaphore, #tpu.memory_space<semaphore_mem>>
      tpu.wait_indirect_dma semaphore(%dma_wait3A_754 : memref<!tpu.dma_semaphore, #tpu.memory_space<semaphore_mem>>) src(%dma_wait3A_752 : memref<10240x32xf32, #tpu.memory_space<vmem_shared>>) dst(%dma_wait3A_746 : memref<128x32xf32, #tpu.memory_space<vmem>>)
      %add3A_755 = arith.constant 7 : i32
      %add3A_756 = arith.addi %mul3A_635, %add3A_755 : i32
      %dma_wait3A_757 = arith.constant 1 : i32
      %dma_wait3A_758 = arith.constant 7 : i32
      %dma_wait3A_759 = arith.constant 1 : i32
      %dma_wait3A_760 = arith.constant 0 : i32
      %dma_wait3A_761 = arith.constant 0 : i32
      %dma_wait3A_762 = tpu.memref_slice %arg11[%dma_wait3A_757, %dma_wait3A_758, %dma_wait3A_760, %dma_wait3A_761] : memref<2x8x128x32xf32, #tpu.memory_space<vmem>> -> memref<1x1x128x32xf32, #tpu.memory_space<vmem>>
      %dma_wait3A_763 = tpu.memref_squeeze %dma_wait3A_762 : memref<1x1x128x32xf32, #tpu.memory_space<vmem>> -> memref<128x32xf32, #tpu.memory_space<vmem>>
      %dma_wait3A_764 = arith.constant 0 : i32
      %dma_wait3A_765 = tpu.memref_slice %arg9[%add3A_756, %dma_wait3A_764] : memref<80x128xi32, #tpu.memory_space<vmem>> -> memref<1x128xi32, #tpu.memory_space<vmem>>
      %dma_wait3A_766 = tpu.memref_squeeze %dma_wait3A_765 : memref<1x128xi32, #tpu.memory_space<vmem>> -> memref<128xi32, #tpu.memory_space<vmem>>
      %dma_wait3A_767 = arith.constant 0 : i32
      %dma_wait3A_768 = arith.constant 0 : i32
      %dma_wait3A_769 = tpu.memref_slice %arg15[%dma_wait3A_767, %dma_wait3A_768] : memref<10240x32xf32, #tpu.memory_space<vmem_shared>> -> memref<10240x32xf32, #tpu.memory_space<vmem_shared>>
      %dma_wait3A_770 = tpu.memref_slice %arg16[%dma_wait3A_759] : memref<2x!tpu.dma_semaphore, #tpu.memory_space<semaphore_mem>> -> memref<1x!tpu.dma_semaphore, #tpu.memory_space<semaphore_mem>>
      %dma_wait3A_771 = tpu.memref_squeeze %dma_wait3A_770 : memref<1x!tpu.dma_semaphore, #tpu.memory_space<semaphore_mem>> -> memref<!tpu.dma_semaphore, #tpu.memory_space<semaphore_mem>>
      tpu.wait_indirect_dma semaphore(%dma_wait3A_771 : memref<!tpu.dma_semaphore, #tpu.memory_space<semaphore_mem>>) src(%dma_wait3A_769 : memref<10240x32xf32, #tpu.memory_space<vmem_shared>>) dst(%dma_wait3A_763 : memref<128x32xf32, #tpu.memory_space<vmem>>)
      %add3A_772 = arith.constant 0 : i32
      %add3A_773 = arith.addi %mul3A_635, %add3A_772 : i32
      %dma_start3A_774 = arith.constant 1 : i32
      %dma_start3A_775 = arith.constant 0 : i32
      %dma_start3A_776 = arith.constant 1 : i32
      %dma_start3A_777 = arith.constant 0 : i32
      %dma_start3A_778 = arith.constant 0 : i32
      %dma_start3A_779 = tpu.memref_slice %arg11[%dma_start3A_774, %dma_start3A_775, %dma_start3A_777, %dma_start3A_778] : memref<2x8x128x32xf32, #tpu.memory_space<vmem>> -> memref<1x1x128x32xf32, #tpu.memory_space<vmem>>
      %dma_start3A_780 = tpu.memref_squeeze %dma_start3A_779 : memref<1x1x128x32xf32, #tpu.memory_space<vmem>> -> memref<128x32xf32, #tpu.memory_space<vmem>>
      %dma_start3A_781 = arith.constant 0 : i32
      %dma_start3A_782 = tpu.memref_slice %arg10[%add3A_773, %dma_start3A_781] : memref<80x128xi32, #tpu.memory_space<vmem>> -> memref<1x128xi32, #tpu.memory_space<vmem>>
      %dma_start3A_783 = tpu.memref_squeeze %dma_start3A_782 : memref<1x128xi32, #tpu.memory_space<vmem>> -> memref<128xi32, #tpu.memory_space<vmem>>
      %dma_start3A_784 = arith.constant 0 : i32
      %dma_start3A_785 = arith.constant 0 : i32
      %dma_start3A_786 = tpu.memref_slice %arg13[%dma_start3A_784, %dma_start3A_785] : memref<10240x32xf32, #tpu.memory_space<vmem_shared>> -> memref<10240x32xf32, #tpu.memory_space<vmem_shared>>
      %dma_start3A_787 = tpu.memref_slice %arg17[%dma_start3A_776] : memref<2x!tpu.dma_semaphore, #tpu.memory_space<semaphore_mem>> -> memref<1x!tpu.dma_semaphore, #tpu.memory_space<semaphore_mem>>
      %dma_start3A_788 = tpu.memref_squeeze %dma_start3A_787 : memref<1x!tpu.dma_semaphore, #tpu.memory_space<semaphore_mem>> -> memref<!tpu.dma_semaphore, #tpu.memory_space<semaphore_mem>>
      tpu.enqueue_indirect_dma source(%dma_start3A_780 : memref<128x32xf32, #tpu.memory_space<vmem>>) target(%dma_start3A_786 : memref<10240x32xf32, #tpu.memory_space<vmem_shared>>) offsets(%dma_start3A_783 : memref<128xi32, #tpu.memory_space<vmem>>) semaphore(%dma_start3A_788 : memref<!tpu.dma_semaphore, #tpu.memory_space<semaphore_mem>>) {add = true}
      %add3A_789 = arith.constant 1 : i32
      %add3A_790 = arith.addi %mul3A_635, %add3A_789 : i32
      %dma_start3A_791 = arith.constant 1 : i32
      %dma_start3A_792 = arith.constant 1 : i32
      %dma_start3A_793 = arith.constant 1 : i32
      %dma_start3A_794 = arith.constant 0 : i32
      %dma_start3A_795 = arith.constant 0 : i32
      %dma_start3A_796 = tpu.memref_slice %arg11[%dma_start3A_791, %dma_start3A_792, %dma_start3A_794, %dma_start3A_795] : memref<2x8x128x32xf32, #tpu.memory_space<vmem>> -> memref<1x1x128x32xf32, #tpu.memory_space<vmem>>
      %dma_start3A_797 = tpu.memref_squeeze %dma_start3A_796 : memref<1x1x128x32xf32, #tpu.memory_space<vmem>> -> memref<128x32xf32, #tpu.memory_space<vmem>>
      %dma_start3A_798 = arith.constant 0 : i32
      %dma_start3A_799 = tpu.memref_slice %arg10[%add3A_790, %dma_start3A_798] : memref<80x128xi32, #tpu.memory_space<vmem>> -> memref<1x128xi32, #tpu.memory_space<vmem>>
      %dma_start3A_800 = tpu.memref_squeeze %dma_start3A_799 : memref<1x128xi32, #tpu.memory_space<vmem>> -> memref<128xi32, #tpu.memory_space<vmem>>
      %dma_start3A_801 = arith.constant 0 : i32
      %dma_start3A_802 = arith.constant 0 : i32
      %dma_start3A_803 = tpu.memref_slice %arg13[%dma_start3A_801, %dma_start3A_802] : memref<10240x32xf32, #tpu.memory_space<vmem_shared>> -> memref<10240x32xf32, #tpu.memory_space<vmem_shared>>
      %dma_start3A_804 = tpu.memref_slice %arg17[%dma_start3A_793] : memref<2x!tpu.dma_semaphore, #tpu.memory_space<semaphore_mem>> -> memref<1x!tpu.dma_semaphore, #tpu.memory_space<semaphore_mem>>
      %dma_start3A_805 = tpu.memref_squeeze %dma_start3A_804 : memref<1x!tpu.dma_semaphore, #tpu.memory_space<semaphore_mem>> -> memref<!tpu.dma_semaphore, #tpu.memory_space<semaphore_mem>>
      tpu.enqueue_indirect_dma source(%dma_start3A_797 : memref<128x32xf32, #tpu.memory_space<vmem>>) target(%dma_start3A_803 : memref<10240x32xf32, #tpu.memory_space<vmem_shared>>) offsets(%dma_start3A_800 : memref<128xi32, #tpu.memory_space<vmem>>) semaphore(%dma_start3A_805 : memref<!tpu.dma_semaphore, #tpu.memory_space<semaphore_mem>>) {add = true}
      %add3A_806 = arith.constant 2 : i32
      %add3A_807 = arith.addi %mul3A_635, %add3A_806 : i32
      %dma_start3A_808 = arith.constant 1 : i32
      %dma_start3A_809 = arith.constant 2 : i32
      %dma_start3A_810 = arith.constant 1 : i32
      %dma_start3A_811 = arith.constant 0 : i32
      %dma_start3A_812 = arith.constant 0 : i32
      %dma_start3A_813 = tpu.memref_slice %arg11[%dma_start3A_808, %dma_start3A_809, %dma_start3A_811, %dma_start3A_812] : memref<2x8x128x32xf32, #tpu.memory_space<vmem>> -> memref<1x1x128x32xf32, #tpu.memory_space<vmem>>
      %dma_start3A_814 = tpu.memref_squeeze %dma_start3A_813 : memref<1x1x128x32xf32, #tpu.memory_space<vmem>> -> memref<128x32xf32, #tpu.memory_space<vmem>>
      %dma_start3A_815 = arith.constant 0 : i32
      %dma_start3A_816 = tpu.memref_slice %arg10[%add3A_807, %dma_start3A_815] : memref<80x128xi32, #tpu.memory_space<vmem>> -> memref<1x128xi32, #tpu.memory_space<vmem>>
      %dma_start3A_817 = tpu.memref_squeeze %dma_start3A_816 : memref<1x128xi32, #tpu.memory_space<vmem>> -> memref<128xi32, #tpu.memory_space<vmem>>
      %dma_start3A_818 = arith.constant 0 : i32
      %dma_start3A_819 = arith.constant 0 : i32
      %dma_start3A_820 = tpu.memref_slice %arg13[%dma_start3A_818, %dma_start3A_819] : memref<10240x32xf32, #tpu.memory_space<vmem_shared>> -> memref<10240x32xf32, #tpu.memory_space<vmem_shared>>
      %dma_start3A_821 = tpu.memref_slice %arg17[%dma_start3A_810] : memref<2x!tpu.dma_semaphore, #tpu.memory_space<semaphore_mem>> -> memref<1x!tpu.dma_semaphore, #tpu.memory_space<semaphore_mem>>
      %dma_start3A_822 = tpu.memref_squeeze %dma_start3A_821 : memref<1x!tpu.dma_semaphore, #tpu.memory_space<semaphore_mem>> -> memref<!tpu.dma_semaphore, #tpu.memory_space<semaphore_mem>>
      tpu.enqueue_indirect_dma source(%dma_start3A_814 : memref<128x32xf32, #tpu.memory_space<vmem>>) target(%dma_start3A_820 : memref<10240x32xf32, #tpu.memory_space<vmem_shared>>) offsets(%dma_start3A_817 : memref<128xi32, #tpu.memory_space<vmem>>) semaphore(%dma_start3A_822 : memref<!tpu.dma_semaphore, #tpu.memory_space<semaphore_mem>>) {add = true}
      %add3A_823 = arith.constant 3 : i32
      %add3A_824 = arith.addi %mul3A_635, %add3A_823 : i32
      %dma_start3A_825 = arith.constant 1 : i32
      %dma_start3A_826 = arith.constant 3 : i32
      %dma_start3A_827 = arith.constant 1 : i32
      %dma_start3A_828 = arith.constant 0 : i32
      %dma_start3A_829 = arith.constant 0 : i32
      %dma_start3A_830 = tpu.memref_slice %arg11[%dma_start3A_825, %dma_start3A_826, %dma_start3A_828, %dma_start3A_829] : memref<2x8x128x32xf32, #tpu.memory_space<vmem>> -> memref<1x1x128x32xf32, #tpu.memory_space<vmem>>
      %dma_start3A_831 = tpu.memref_squeeze %dma_start3A_830 : memref<1x1x128x32xf32, #tpu.memory_space<vmem>> -> memref<128x32xf32, #tpu.memory_space<vmem>>
      %dma_start3A_832 = arith.constant 0 : i32
      %dma_start3A_833 = tpu.memref_slice %arg10[%add3A_824, %dma_start3A_832] : memref<80x128xi32, #tpu.memory_space<vmem>> -> memref<1x128xi32, #tpu.memory_space<vmem>>
      %dma_start3A_834 = tpu.memref_squeeze %dma_start3A_833 : memref<1x128xi32, #tpu.memory_space<vmem>> -> memref<128xi32, #tpu.memory_space<vmem>>
      %dma_start3A_835 = arith.constant 0 : i32
      %dma_start3A_836 = arith.constant 0 : i32
      %dma_start3A_837 = tpu.memref_slice %arg13[%dma_start3A_835, %dma_start3A_836] : memref<10240x32xf32, #tpu.memory_space<vmem_shared>> -> memref<10240x32xf32, #tpu.memory_space<vmem_shared>>
      %dma_start3A_838 = tpu.memref_slice %arg17[%dma_start3A_827] : memref<2x!tpu.dma_semaphore, #tpu.memory_space<semaphore_mem>> -> memref<1x!tpu.dma_semaphore, #tpu.memory_space<semaphore_mem>>
      %dma_start3A_839 = tpu.memref_squeeze %dma_start3A_838 : memref<1x!tpu.dma_semaphore, #tpu.memory_space<semaphore_mem>> -> memref<!tpu.dma_semaphore, #tpu.memory_space<semaphore_mem>>
      tpu.enqueue_indirect_dma source(%dma_start3A_831 : memref<128x32xf32, #tpu.memory_space<vmem>>) target(%dma_start3A_837 : memref<10240x32xf32, #tpu.memory_space<vmem_shared>>) offsets(%dma_start3A_834 : memref<128xi32, #tpu.memory_space<vmem>>) semaphore(%dma_start3A_839 : memref<!tpu.dma_semaphore, #tpu.memory_space<semaphore_mem>>) {add = true}
      %add3A_840 = arith.constant 4 : i32
      %add3A_841 = arith.addi %mul3A_635, %add3A_840 : i32
      %dma_start3A_842 = arith.constant 1 : i32
      %dma_start3A_843 = arith.constant 4 : i32
      %dma_start3A_844 = arith.constant 1 : i32
      %dma_start3A_845 = arith.constant 0 : i32
      %dma_start3A_846 = arith.constant 0 : i32
      %dma_start3A_847 = tpu.memref_slice %arg11[%dma_start3A_842, %dma_start3A_843, %dma_start3A_845, %dma_start3A_846] : memref<2x8x128x32xf32, #tpu.memory_space<vmem>> -> memref<1x1x128x32xf32, #tpu.memory_space<vmem>>
      %dma_start3A_848 = tpu.memref_squeeze %dma_start3A_847 : memref<1x1x128x32xf32, #tpu.memory_space<vmem>> -> memref<128x32xf32, #tpu.memory_space<vmem>>
      %dma_start3A_849 = arith.constant 0 : i32
      %dma_start3A_850 = tpu.memref_slice %arg10[%add3A_841, %dma_start3A_849] : memref<80x128xi32, #tpu.memory_space<vmem>> -> memref<1x128xi32, #tpu.memory_space<vmem>>
      %dma_start3A_851 = tpu.memref_squeeze %dma_start3A_850 : memref<1x128xi32, #tpu.memory_space<vmem>> -> memref<128xi32, #tpu.memory_space<vmem>>
      %dma_start3A_852 = arith.constant 0 : i32
      %dma_start3A_853 = arith.constant 0 : i32
      %dma_start3A_854 = tpu.memref_slice %arg13[%dma_start3A_852, %dma_start3A_853] : memref<10240x32xf32, #tpu.memory_space<vmem_shared>> -> memref<10240x32xf32, #tpu.memory_space<vmem_shared>>
      %dma_start3A_855 = tpu.memref_slice %arg17[%dma_start3A_844] : memref<2x!tpu.dma_semaphore, #tpu.memory_space<semaphore_mem>> -> memref<1x!tpu.dma_semaphore, #tpu.memory_space<semaphore_mem>>
      %dma_start3A_856 = tpu.memref_squeeze %dma_start3A_855 : memref<1x!tpu.dma_semaphore, #tpu.memory_space<semaphore_mem>> -> memref<!tpu.dma_semaphore, #tpu.memory_space<semaphore_mem>>
      tpu.enqueue_indirect_dma source(%dma_start3A_848 : memref<128x32xf32, #tpu.memory_space<vmem>>) target(%dma_start3A_854 : memref<10240x32xf32, #tpu.memory_space<vmem_shared>>) offsets(%dma_start3A_851 : memref<128xi32, #tpu.memory_space<vmem>>) semaphore(%dma_start3A_856 : memref<!tpu.dma_semaphore, #tpu.memory_space<semaphore_mem>>) {add = true}
      %add3A_857 = arith.constant 5 : i32
      %add3A_858 = arith.addi %mul3A_635, %add3A_857 : i32
      %dma_start3A_859 = arith.constant 1 : i32
      %dma_start3A_860 = arith.constant 5 : i32
      %dma_start3A_861 = arith.constant 1 : i32
      %dma_start3A_862 = arith.constant 0 : i32
      %dma_start3A_863 = arith.constant 0 : i32
      %dma_start3A_864 = tpu.memref_slice %arg11[%dma_start3A_859, %dma_start3A_860, %dma_start3A_862, %dma_start3A_863] : memref<2x8x128x32xf32, #tpu.memory_space<vmem>> -> memref<1x1x128x32xf32, #tpu.memory_space<vmem>>
      %dma_start3A_865 = tpu.memref_squeeze %dma_start3A_864 : memref<1x1x128x32xf32, #tpu.memory_space<vmem>> -> memref<128x32xf32, #tpu.memory_space<vmem>>
      %dma_start3A_866 = arith.constant 0 : i32
      %dma_start3A_867 = tpu.memref_slice %arg10[%add3A_858, %dma_start3A_866] : memref<80x128xi32, #tpu.memory_space<vmem>> -> memref<1x128xi32, #tpu.memory_space<vmem>>
      %dma_start3A_868 = tpu.memref_squeeze %dma_start3A_867 : memref<1x128xi32, #tpu.memory_space<vmem>> -> memref<128xi32, #tpu.memory_space<vmem>>
      %dma_start3A_869 = arith.constant 0 : i32
      %dma_start3A_870 = arith.constant 0 : i32
      %dma_start3A_871 = tpu.memref_slice %arg13[%dma_start3A_869, %dma_start3A_870] : memref<10240x32xf32, #tpu.memory_space<vmem_shared>> -> memref<10240x32xf32, #tpu.memory_space<vmem_shared>>
      %dma_start3A_872 = tpu.memref_slice %arg17[%dma_start3A_861] : memref<2x!tpu.dma_semaphore, #tpu.memory_space<semaphore_mem>> -> memref<1x!tpu.dma_semaphore, #tpu.memory_space<semaphore_mem>>
      %dma_start3A_873 = tpu.memref_squeeze %dma_start3A_872 : memref<1x!tpu.dma_semaphore, #tpu.memory_space<semaphore_mem>> -> memref<!tpu.dma_semaphore, #tpu.memory_space<semaphore_mem>>
      tpu.enqueue_indirect_dma source(%dma_start3A_865 : memref<128x32xf32, #tpu.memory_space<vmem>>) target(%dma_start3A_871 : memref<10240x32xf32, #tpu.memory_space<vmem_shared>>) offsets(%dma_start3A_868 : memref<128xi32, #tpu.memory_space<vmem>>) semaphore(%dma_start3A_873 : memref<!tpu.dma_semaphore, #tpu.memory_space<semaphore_mem>>) {add = true}
      %add3A_874 = arith.constant 6 : i32
      %add3A_875 = arith.addi %mul3A_635, %add3A_874 : i32
      %dma_start3A_876 = arith.constant 1 : i32
      %dma_start3A_877 = arith.constant 6 : i32
      %dma_start3A_878 = arith.constant 1 : i32
      %dma_start3A_879 = arith.constant 0 : i32
      %dma_start3A_880 = arith.constant 0 : i32
      %dma_start3A_881 = tpu.memref_slice %arg11[%dma_start3A_876, %dma_start3A_877, %dma_start3A_879, %dma_start3A_880] : memref<2x8x128x32xf32, #tpu.memory_space<vmem>> -> memref<1x1x128x32xf32, #tpu.memory_space<vmem>>
      %dma_start3A_882 = tpu.memref_squeeze %dma_start3A_881 : memref<1x1x128x32xf32, #tpu.memory_space<vmem>> -> memref<128x32xf32, #tpu.memory_space<vmem>>
      %dma_start3A_883 = arith.constant 0 : i32
      %dma_start3A_884 = tpu.memref_slice %arg10[%add3A_875, %dma_start3A_883] : memref<80x128xi32, #tpu.memory_space<vmem>> -> memref<1x128xi32, #tpu.memory_space<vmem>>
      %dma_start3A_885 = tpu.memref_squeeze %dma_start3A_884 : memref<1x128xi32, #tpu.memory_space<vmem>> -> memref<128xi32, #tpu.memory_space<vmem>>
      %dma_start3A_886 = arith.constant 0 : i32
      %dma_start3A_887 = arith.constant 0 : i32
      %dma_start3A_888 = tpu.memref_slice %arg13[%dma_start3A_886, %dma_start3A_887] : memref<10240x32xf32, #tpu.memory_space<vmem_shared>> -> memref<10240x32xf32, #tpu.memory_space<vmem_shared>>
      %dma_start3A_889 = tpu.memref_slice %arg17[%dma_start3A_878] : memref<2x!tpu.dma_semaphore, #tpu.memory_space<semaphore_mem>> -> memref<1x!tpu.dma_semaphore, #tpu.memory_space<semaphore_mem>>
      %dma_start3A_890 = tpu.memref_squeeze %dma_start3A_889 : memref<1x!tpu.dma_semaphore, #tpu.memory_space<semaphore_mem>> -> memref<!tpu.dma_semaphore, #tpu.memory_space<semaphore_mem>>
      tpu.enqueue_indirect_dma source(%dma_start3A_882 : memref<128x32xf32, #tpu.memory_space<vmem>>) target(%dma_start3A_888 : memref<10240x32xf32, #tpu.memory_space<vmem_shared>>) offsets(%dma_start3A_885 : memref<128xi32, #tpu.memory_space<vmem>>) semaphore(%dma_start3A_890 : memref<!tpu.dma_semaphore, #tpu.memory_space<semaphore_mem>>) {add = true}
      %add3A_891 = arith.constant 7 : i32
      %add3A_892 = arith.addi %mul3A_635, %add3A_891 : i32
      %dma_start3A_893 = arith.constant 1 : i32
      %dma_start3A_894 = arith.constant 7 : i32
      %dma_start3A_895 = arith.constant 1 : i32
      %dma_start3A_896 = arith.constant 0 : i32
      %dma_start3A_897 = arith.constant 0 : i32
      %dma_start3A_898 = tpu.memref_slice %arg11[%dma_start3A_893, %dma_start3A_894, %dma_start3A_896, %dma_start3A_897] : memref<2x8x128x32xf32, #tpu.memory_space<vmem>> -> memref<1x1x128x32xf32, #tpu.memory_space<vmem>>
      %dma_start3A_899 = tpu.memref_squeeze %dma_start3A_898 : memref<1x1x128x32xf32, #tpu.memory_space<vmem>> -> memref<128x32xf32, #tpu.memory_space<vmem>>
      %dma_start3A_900 = arith.constant 0 : i32
      %dma_start3A_901 = tpu.memref_slice %arg10[%add3A_892, %dma_start3A_900] : memref<80x128xi32, #tpu.memory_space<vmem>> -> memref<1x128xi32, #tpu.memory_space<vmem>>
      %dma_start3A_902 = tpu.memref_squeeze %dma_start3A_901 : memref<1x128xi32, #tpu.memory_space<vmem>> -> memref<128xi32, #tpu.memory_space<vmem>>
      %dma_start3A_903 = arith.constant 0 : i32
      %dma_start3A_904 = arith.constant 0 : i32
      %dma_start3A_905 = tpu.memref_slice %arg13[%dma_start3A_903, %dma_start3A_904] : memref<10240x32xf32, #tpu.memory_space<vmem_shared>> -> memref<10240x32xf32, #tpu.memory_space<vmem_shared>>
      %dma_start3A_906 = tpu.memref_slice %arg17[%dma_start3A_895] : memref<2x!tpu.dma_semaphore, #tpu.memory_space<semaphore_mem>> -> memref<1x!tpu.dma_semaphore, #tpu.memory_space<semaphore_mem>>
      %dma_start3A_907 = tpu.memref_squeeze %dma_start3A_906 : memref<1x!tpu.dma_semaphore, #tpu.memory_space<semaphore_mem>> -> memref<!tpu.dma_semaphore, #tpu.memory_space<semaphore_mem>>
      tpu.enqueue_indirect_dma source(%dma_start3A_899 : memref<128x32xf32, #tpu.memory_space<vmem>>) target(%dma_start3A_905 : memref<10240x32xf32, #tpu.memory_space<vmem_shared>>) offsets(%dma_start3A_902 : memref<128xi32, #tpu.memory_space<vmem>>) semaphore(%dma_start3A_907 : memref<!tpu.dma_semaphore, #tpu.memory_space<semaphore_mem>>) {add = true}
      %add3A_908 = arith.constant 0 : i32
      %add3A_909 = arith.addi %mul3A_635, %add3A_908 : i32
      %dma_start3A_910 = arith.constant 0 : i32
      %dma_start3A_911 = tpu.memref_slice %arg10[%add3A_909, %dma_start3A_910] : memref<80x128xi32, #tpu.memory_space<vmem>> -> memref<1x128xi32, #tpu.memory_space<vmem>>
      %dma_start3A_912 = tpu.memref_squeeze %dma_start3A_911 : memref<1x128xi32, #tpu.memory_space<vmem>> -> memref<128xi32, #tpu.memory_space<vmem>>
      %dma_start3A_913 = arith.constant 0 : i32
      %dma_start3A_914 = tpu.memref_slice %arg14[%dma_start3A_913] : memref<10240xf32, #tpu.memory_space<vmem_shared>> -> memref<10240xf32, #tpu.memory_space<vmem_shared>>
      tpu.enqueue_indirect_dma source(%arg12 : memref<128xf32, #tpu.memory_space<vmem>>) target(%dma_start3A_914 : memref<10240xf32, #tpu.memory_space<vmem_shared>>) offsets(%dma_start3A_912 : memref<128xi32, #tpu.memory_space<vmem>>) semaphore(%arg18 : memref<!tpu.dma_semaphore, #tpu.memory_space<semaphore_mem>>) {add = true}
      %add3A_915 = arith.constant 1 : i32
      %add3A_916 = arith.addi %mul3A_635, %add3A_915 : i32
      %dma_start3A_917 = arith.constant 0 : i32
      %dma_start3A_918 = tpu.memref_slice %arg10[%add3A_916, %dma_start3A_917] : memref<80x128xi32, #tpu.memory_space<vmem>> -> memref<1x128xi32, #tpu.memory_space<vmem>>
      %dma_start3A_919 = tpu.memref_squeeze %dma_start3A_918 : memref<1x128xi32, #tpu.memory_space<vmem>> -> memref<128xi32, #tpu.memory_space<vmem>>
      %dma_start3A_920 = arith.constant 0 : i32
      %dma_start3A_921 = tpu.memref_slice %arg14[%dma_start3A_920] : memref<10240xf32, #tpu.memory_space<vmem_shared>> -> memref<10240xf32, #tpu.memory_space<vmem_shared>>
      tpu.enqueue_indirect_dma source(%arg12 : memref<128xf32, #tpu.memory_space<vmem>>) target(%dma_start3A_921 : memref<10240xf32, #tpu.memory_space<vmem_shared>>) offsets(%dma_start3A_919 : memref<128xi32, #tpu.memory_space<vmem>>) semaphore(%arg18 : memref<!tpu.dma_semaphore, #tpu.memory_space<semaphore_mem>>) {add = true}
      %add3A_922 = arith.constant 2 : i32
      %add3A_923 = arith.addi %mul3A_635, %add3A_922 : i32
      %dma_start3A_924 = arith.constant 0 : i32
      %dma_start3A_925 = tpu.memref_slice %arg10[%add3A_923, %dma_start3A_924] : memref<80x128xi32, #tpu.memory_space<vmem>> -> memref<1x128xi32, #tpu.memory_space<vmem>>
      %dma_start3A_926 = tpu.memref_squeeze %dma_start3A_925 : memref<1x128xi32, #tpu.memory_space<vmem>> -> memref<128xi32, #tpu.memory_space<vmem>>
      %dma_start3A_927 = arith.constant 0 : i32
      %dma_start3A_928 = tpu.memref_slice %arg14[%dma_start3A_927] : memref<10240xf32, #tpu.memory_space<vmem_shared>> -> memref<10240xf32, #tpu.memory_space<vmem_shared>>
      tpu.enqueue_indirect_dma source(%arg12 : memref<128xf32, #tpu.memory_space<vmem>>) target(%dma_start3A_928 : memref<10240xf32, #tpu.memory_space<vmem_shared>>) offsets(%dma_start3A_926 : memref<128xi32, #tpu.memory_space<vmem>>) semaphore(%arg18 : memref<!tpu.dma_semaphore, #tpu.memory_space<semaphore_mem>>) {add = true}
      %add3A_929 = arith.constant 3 : i32
      %add3A_930 = arith.addi %mul3A_635, %add3A_929 : i32
      %dma_start3A_931 = arith.constant 0 : i32
      %dma_start3A_932 = tpu.memref_slice %arg10[%add3A_930, %dma_start3A_931] : memref<80x128xi32, #tpu.memory_space<vmem>> -> memref<1x128xi32, #tpu.memory_space<vmem>>
      %dma_start3A_933 = tpu.memref_squeeze %dma_start3A_932 : memref<1x128xi32, #tpu.memory_space<vmem>> -> memref<128xi32, #tpu.memory_space<vmem>>
      %dma_start3A_934 = arith.constant 0 : i32
      %dma_start3A_935 = tpu.memref_slice %arg14[%dma_start3A_934] : memref<10240xf32, #tpu.memory_space<vmem_shared>> -> memref<10240xf32, #tpu.memory_space<vmem_shared>>
      tpu.enqueue_indirect_dma source(%arg12 : memref<128xf32, #tpu.memory_space<vmem>>) target(%dma_start3A_935 : memref<10240xf32, #tpu.memory_space<vmem_shared>>) offsets(%dma_start3A_933 : memref<128xi32, #tpu.memory_space<vmem>>) semaphore(%arg18 : memref<!tpu.dma_semaphore, #tpu.memory_space<semaphore_mem>>) {add = true}
      %add3A_936 = arith.constant 4 : i32
      %add3A_937 = arith.addi %mul3A_635, %add3A_936 : i32
      %dma_start3A_938 = arith.constant 0 : i32
      %dma_start3A_939 = tpu.memref_slice %arg10[%add3A_937, %dma_start3A_938] : memref<80x128xi32, #tpu.memory_space<vmem>> -> memref<1x128xi32, #tpu.memory_space<vmem>>
      %dma_start3A_940 = tpu.memref_squeeze %dma_start3A_939 : memref<1x128xi32, #tpu.memory_space<vmem>> -> memref<128xi32, #tpu.memory_space<vmem>>
      %dma_start3A_941 = arith.constant 0 : i32
      %dma_start3A_942 = tpu.memref_slice %arg14[%dma_start3A_941] : memref<10240xf32, #tpu.memory_space<vmem_shared>> -> memref<10240xf32, #tpu.memory_space<vmem_shared>>
      tpu.enqueue_indirect_dma source(%arg12 : memref<128xf32, #tpu.memory_space<vmem>>) target(%dma_start3A_942 : memref<10240xf32, #tpu.memory_space<vmem_shared>>) offsets(%dma_start3A_940 : memref<128xi32, #tpu.memory_space<vmem>>) semaphore(%arg18 : memref<!tpu.dma_semaphore, #tpu.memory_space<semaphore_mem>>) {add = true}
      %add3A_943 = arith.constant 5 : i32
      %add3A_944 = arith.addi %mul3A_635, %add3A_943 : i32
      %dma_start3A_945 = arith.constant 0 : i32
      %dma_start3A_946 = tpu.memref_slice %arg10[%add3A_944, %dma_start3A_945] : memref<80x128xi32, #tpu.memory_space<vmem>> -> memref<1x128xi32, #tpu.memory_space<vmem>>
      %dma_start3A_947 = tpu.memref_squeeze %dma_start3A_946 : memref<1x128xi32, #tpu.memory_space<vmem>> -> memref<128xi32, #tpu.memory_space<vmem>>
      %dma_start3A_948 = arith.constant 0 : i32
      %dma_start3A_949 = tpu.memref_slice %arg14[%dma_start3A_948] : memref<10240xf32, #tpu.memory_space<vmem_shared>> -> memref<10240xf32, #tpu.memory_space<vmem_shared>>
      tpu.enqueue_indirect_dma source(%arg12 : memref<128xf32, #tpu.memory_space<vmem>>) target(%dma_start3A_949 : memref<10240xf32, #tpu.memory_space<vmem_shared>>) offsets(%dma_start3A_947 : memref<128xi32, #tpu.memory_space<vmem>>) semaphore(%arg18 : memref<!tpu.dma_semaphore, #tpu.memory_space<semaphore_mem>>) {add = true}
      %add3A_950 = arith.constant 6 : i32
      %add3A_951 = arith.addi %mul3A_635, %add3A_950 : i32
      %dma_start3A_952 = arith.constant 0 : i32
      %dma_start3A_953 = tpu.memref_slice %arg10[%add3A_951, %dma_start3A_952] : memref<80x128xi32, #tpu.memory_space<vmem>> -> memref<1x128xi32, #tpu.memory_space<vmem>>
      %dma_start3A_954 = tpu.memref_squeeze %dma_start3A_953 : memref<1x128xi32, #tpu.memory_space<vmem>> -> memref<128xi32, #tpu.memory_space<vmem>>
      %dma_start3A_955 = arith.constant 0 : i32
      %dma_start3A_956 = tpu.memref_slice %arg14[%dma_start3A_955] : memref<10240xf32, #tpu.memory_space<vmem_shared>> -> memref<10240xf32, #tpu.memory_space<vmem_shared>>
      tpu.enqueue_indirect_dma source(%arg12 : memref<128xf32, #tpu.memory_space<vmem>>) target(%dma_start3A_956 : memref<10240xf32, #tpu.memory_space<vmem_shared>>) offsets(%dma_start3A_954 : memref<128xi32, #tpu.memory_space<vmem>>) semaphore(%arg18 : memref<!tpu.dma_semaphore, #tpu.memory_space<semaphore_mem>>) {add = true}
      %add3A_957 = arith.constant 7 : i32
      %add3A_958 = arith.addi %mul3A_635, %add3A_957 : i32
      %dma_start3A_959 = arith.constant 0 : i32
      %dma_start3A_960 = tpu.memref_slice %arg10[%add3A_958, %dma_start3A_959] : memref<80x128xi32, #tpu.memory_space<vmem>> -> memref<1x128xi32, #tpu.memory_space<vmem>>
      %dma_start3A_961 = tpu.memref_squeeze %dma_start3A_960 : memref<1x128xi32, #tpu.memory_space<vmem>> -> memref<128xi32, #tpu.memory_space<vmem>>
      %dma_start3A_962 = arith.constant 0 : i32
      %dma_start3A_963 = tpu.memref_slice %arg14[%dma_start3A_962] : memref<10240xf32, #tpu.memory_space<vmem_shared>> -> memref<10240xf32, #tpu.memory_space<vmem_shared>>
      tpu.enqueue_indirect_dma source(%arg12 : memref<128xf32, #tpu.memory_space<vmem>>) target(%dma_start3A_963 : memref<10240xf32, #tpu.memory_space<vmem_shared>>) offsets(%dma_start3A_961 : memref<128xi32, #tpu.memory_space<vmem>>) semaphore(%arg18 : memref<!tpu.dma_semaphore, #tpu.memory_space<semaphore_mem>>) {add = true}
      %add3A_964 = arith.constant 8 : i32
      %add3A_965 = arith.addi %mul3A_635, %add3A_964 : i32
      %lt3A_966 = arith.constant 80 : i32
      %lt3A_967 = arith.cmpi slt, %add3A_965, %lt3A_966 : i32
      %convert_element_type3A_968 = arith.extui %lt3A_967 : i1 to i32
      %cond3A_969 = arith.constant 0 : i32
      %cond3A_970 = arith.cmpi ne, %convert_element_type3A_968, %cond3A_969 : i32
      scf.if %cond3A_970 {
        %add3A_1091 = arith.constant 0 : i32
        %add3A_1092 = arith.addi %add3A_965, %add3A_1091 : i32
        %dma_start3A_1093 = arith.constant 0 : i32
        %dma_start3A_1094 = arith.constant 0 : i32
        %dma_start3A_1095 = arith.constant 0 : i32
        %dma_start3A_1096 = arith.constant 0 : i32
        %dma_start3A_1097 = arith.constant 0 : i32
        %dma_start3A_1098 = tpu.memref_slice %arg11[%dma_start3A_1093, %dma_start3A_1094, %dma_start3A_1096, %dma_start3A_1097] : memref<2x8x128x32xf32, #tpu.memory_space<vmem>> -> memref<1x1x128x32xf32, #tpu.memory_space<vmem>>
        %dma_start3A_1099 = tpu.memref_squeeze %dma_start3A_1098 : memref<1x1x128x32xf32, #tpu.memory_space<vmem>> -> memref<128x32xf32, #tpu.memory_space<vmem>>
        %dma_start3A_1100 = arith.constant 0 : i32
        %dma_start3A_1101 = tpu.memref_slice %arg9[%add3A_1092, %dma_start3A_1100] : memref<80x128xi32, #tpu.memory_space<vmem>> -> memref<1x128xi32, #tpu.memory_space<vmem>>
        %dma_start3A_1102 = tpu.memref_squeeze %dma_start3A_1101 : memref<1x128xi32, #tpu.memory_space<vmem>> -> memref<128xi32, #tpu.memory_space<vmem>>
        %dma_start3A_1103 = arith.constant 0 : i32
        %dma_start3A_1104 = arith.constant 0 : i32
        %dma_start3A_1105 = tpu.memref_slice %arg15[%dma_start3A_1103, %dma_start3A_1104] : memref<10240x32xf32, #tpu.memory_space<vmem_shared>> -> memref<10240x32xf32, #tpu.memory_space<vmem_shared>>
        %dma_start3A_1106 = tpu.memref_slice %arg16[%dma_start3A_1095] : memref<2x!tpu.dma_semaphore, #tpu.memory_space<semaphore_mem>> -> memref<1x!tpu.dma_semaphore, #tpu.memory_space<semaphore_mem>>
        %dma_start3A_1107 = tpu.memref_squeeze %dma_start3A_1106 : memref<1x!tpu.dma_semaphore, #tpu.memory_space<semaphore_mem>> -> memref<!tpu.dma_semaphore, #tpu.memory_space<semaphore_mem>>
        tpu.enqueue_indirect_dma source(%dma_start3A_1105 : memref<10240x32xf32, #tpu.memory_space<vmem_shared>>) target(%dma_start3A_1099 : memref<128x32xf32, #tpu.memory_space<vmem>>) offsets(%dma_start3A_1102 : memref<128xi32, #tpu.memory_space<vmem>>) semaphore(%dma_start3A_1107 : memref<!tpu.dma_semaphore, #tpu.memory_space<semaphore_mem>>)
        %add3A_1108 = arith.constant 1 : i32
        %add3A_1109 = arith.addi %add3A_965, %add3A_1108 : i32
        %dma_start3A_1110 = arith.constant 0 : i32
        %dma_start3A_1111 = arith.constant 1 : i32
        %dma_start3A_1112 = arith.constant 0 : i32
        %dma_start3A_1113 = arith.constant 0 : i32
        %dma_start3A_1114 = arith.constant 0 : i32
        %dma_start3A_1115 = tpu.memref_slice %arg11[%dma_start3A_1110, %dma_start3A_1111, %dma_start3A_1113, %dma_start3A_1114] : memref<2x8x128x32xf32, #tpu.memory_space<vmem>> -> memref<1x1x128x32xf32, #tpu.memory_space<vmem>>
        %dma_start3A_1116 = tpu.memref_squeeze %dma_start3A_1115 : memref<1x1x128x32xf32, #tpu.memory_space<vmem>> -> memref<128x32xf32, #tpu.memory_space<vmem>>
        %dma_start3A_1117 = arith.constant 0 : i32
        %dma_start3A_1118 = tpu.memref_slice %arg9[%add3A_1109, %dma_start3A_1117] : memref<80x128xi32, #tpu.memory_space<vmem>> -> memref<1x128xi32, #tpu.memory_space<vmem>>
        %dma_start3A_1119 = tpu.memref_squeeze %dma_start3A_1118 : memref<1x128xi32, #tpu.memory_space<vmem>> -> memref<128xi32, #tpu.memory_space<vmem>>
        %dma_start3A_1120 = arith.constant 0 : i32
        %dma_start3A_1121 = arith.constant 0 : i32
        %dma_start3A_1122 = tpu.memref_slice %arg15[%dma_start3A_1120, %dma_start3A_1121] : memref<10240x32xf32, #tpu.memory_space<vmem_shared>> -> memref<10240x32xf32, #tpu.memory_space<vmem_shared>>
        %dma_start3A_1123 = tpu.memref_slice %arg16[%dma_start3A_1112] : memref<2x!tpu.dma_semaphore, #tpu.memory_space<semaphore_mem>> -> memref<1x!tpu.dma_semaphore, #tpu.memory_space<semaphore_mem>>
        %dma_start3A_1124 = tpu.memref_squeeze %dma_start3A_1123 : memref<1x!tpu.dma_semaphore, #tpu.memory_space<semaphore_mem>> -> memref<!tpu.dma_semaphore, #tpu.memory_space<semaphore_mem>>
        tpu.enqueue_indirect_dma source(%dma_start3A_1122 : memref<10240x32xf32, #tpu.memory_space<vmem_shared>>) target(%dma_start3A_1116 : memref<128x32xf32, #tpu.memory_space<vmem>>) offsets(%dma_start3A_1119 : memref<128xi32, #tpu.memory_space<vmem>>) semaphore(%dma_start3A_1124 : memref<!tpu.dma_semaphore, #tpu.memory_space<semaphore_mem>>)
        %add3A_1125 = arith.constant 2 : i32
        %add3A_1126 = arith.addi %add3A_965, %add3A_1125 : i32
        %dma_start3A_1127 = arith.constant 0 : i32
        %dma_start3A_1128 = arith.constant 2 : i32
        %dma_start3A_1129 = arith.constant 0 : i32
        %dma_start3A_1130 = arith.constant 0 : i32
        %dma_start3A_1131 = arith.constant 0 : i32
        %dma_start3A_1132 = tpu.memref_slice %arg11[%dma_start3A_1127, %dma_start3A_1128, %dma_start3A_1130, %dma_start3A_1131] : memref<2x8x128x32xf32, #tpu.memory_space<vmem>> -> memref<1x1x128x32xf32, #tpu.memory_space<vmem>>
        %dma_start3A_1133 = tpu.memref_squeeze %dma_start3A_1132 : memref<1x1x128x32xf32, #tpu.memory_space<vmem>> -> memref<128x32xf32, #tpu.memory_space<vmem>>
        %dma_start3A_1134 = arith.constant 0 : i32
        %dma_start3A_1135 = tpu.memref_slice %arg9[%add3A_1126, %dma_start3A_1134] : memref<80x128xi32, #tpu.memory_space<vmem>> -> memref<1x128xi32, #tpu.memory_space<vmem>>
        %dma_start3A_1136 = tpu.memref_squeeze %dma_start3A_1135 : memref<1x128xi32, #tpu.memory_space<vmem>> -> memref<128xi32, #tpu.memory_space<vmem>>
        %dma_start3A_1137 = arith.constant 0 : i32
        %dma_start3A_1138 = arith.constant 0 : i32
        %dma_start3A_1139 = tpu.memref_slice %arg15[%dma_start3A_1137, %dma_start3A_1138] : memref<10240x32xf32, #tpu.memory_space<vmem_shared>> -> memref<10240x32xf32, #tpu.memory_space<vmem_shared>>
        %dma_start3A_1140 = tpu.memref_slice %arg16[%dma_start3A_1129] : memref<2x!tpu.dma_semaphore, #tpu.memory_space<semaphore_mem>> -> memref<1x!tpu.dma_semaphore, #tpu.memory_space<semaphore_mem>>
        %dma_start3A_1141 = tpu.memref_squeeze %dma_start3A_1140 : memref<1x!tpu.dma_semaphore, #tpu.memory_space<semaphore_mem>> -> memref<!tpu.dma_semaphore, #tpu.memory_space<semaphore_mem>>
        tpu.enqueue_indirect_dma source(%dma_start3A_1139 : memref<10240x32xf32, #tpu.memory_space<vmem_shared>>) target(%dma_start3A_1133 : memref<128x32xf32, #tpu.memory_space<vmem>>) offsets(%dma_start3A_1136 : memref<128xi32, #tpu.memory_space<vmem>>) semaphore(%dma_start3A_1141 : memref<!tpu.dma_semaphore, #tpu.memory_space<semaphore_mem>>)
        %add3A_1142 = arith.constant 3 : i32
        %add3A_1143 = arith.addi %add3A_965, %add3A_1142 : i32
        %dma_start3A_1144 = arith.constant 0 : i32
        %dma_start3A_1145 = arith.constant 3 : i32
        %dma_start3A_1146 = arith.constant 0 : i32
        %dma_start3A_1147 = arith.constant 0 : i32
        %dma_start3A_1148 = arith.constant 0 : i32
        %dma_start3A_1149 = tpu.memref_slice %arg11[%dma_start3A_1144, %dma_start3A_1145, %dma_start3A_1147, %dma_start3A_1148] : memref<2x8x128x32xf32, #tpu.memory_space<vmem>> -> memref<1x1x128x32xf32, #tpu.memory_space<vmem>>
        %dma_start3A_1150 = tpu.memref_squeeze %dma_start3A_1149 : memref<1x1x128x32xf32, #tpu.memory_space<vmem>> -> memref<128x32xf32, #tpu.memory_space<vmem>>
        %dma_start3A_1151 = arith.constant 0 : i32
        %dma_start3A_1152 = tpu.memref_slice %arg9[%add3A_1143, %dma_start3A_1151] : memref<80x128xi32, #tpu.memory_space<vmem>> -> memref<1x128xi32, #tpu.memory_space<vmem>>
        %dma_start3A_1153 = tpu.memref_squeeze %dma_start3A_1152 : memref<1x128xi32, #tpu.memory_space<vmem>> -> memref<128xi32, #tpu.memory_space<vmem>>
        %dma_start3A_1154 = arith.constant 0 : i32
        %dma_start3A_1155 = arith.constant 0 : i32
        %dma_start3A_1156 = tpu.memref_slice %arg15[%dma_start3A_1154, %dma_start3A_1155] : memref<10240x32xf32, #tpu.memory_space<vmem_shared>> -> memref<10240x32xf32, #tpu.memory_space<vmem_shared>>
        %dma_start3A_1157 = tpu.memref_slice %arg16[%dma_start3A_1146] : memref<2x!tpu.dma_semaphore, #tpu.memory_space<semaphore_mem>> -> memref<1x!tpu.dma_semaphore, #tpu.memory_space<semaphore_mem>>
        %dma_start3A_1158 = tpu.memref_squeeze %dma_start3A_1157 : memref<1x!tpu.dma_semaphore, #tpu.memory_space<semaphore_mem>> -> memref<!tpu.dma_semaphore, #tpu.memory_space<semaphore_mem>>
        tpu.enqueue_indirect_dma source(%dma_start3A_1156 : memref<10240x32xf32, #tpu.memory_space<vmem_shared>>) target(%dma_start3A_1150 : memref<128x32xf32, #tpu.memory_space<vmem>>) offsets(%dma_start3A_1153 : memref<128xi32, #tpu.memory_space<vmem>>) semaphore(%dma_start3A_1158 : memref<!tpu.dma_semaphore, #tpu.memory_space<semaphore_mem>>)
        %add3A_1159 = arith.constant 4 : i32
        %add3A_1160 = arith.addi %add3A_965, %add3A_1159 : i32
        %dma_start3A_1161 = arith.constant 0 : i32
        %dma_start3A_1162 = arith.constant 4 : i32
        %dma_start3A_1163 = arith.constant 0 : i32
        %dma_start3A_1164 = arith.constant 0 : i32
        %dma_start3A_1165 = arith.constant 0 : i32
        %dma_start3A_1166 = tpu.memref_slice %arg11[%dma_start3A_1161, %dma_start3A_1162, %dma_start3A_1164, %dma_start3A_1165] : memref<2x8x128x32xf32, #tpu.memory_space<vmem>> -> memref<1x1x128x32xf32, #tpu.memory_space<vmem>>
        %dma_start3A_1167 = tpu.memref_squeeze %dma_start3A_1166 : memref<1x1x128x32xf32, #tpu.memory_space<vmem>> -> memref<128x32xf32, #tpu.memory_space<vmem>>
        %dma_start3A_1168 = arith.constant 0 : i32
        %dma_start3A_1169 = tpu.memref_slice %arg9[%add3A_1160, %dma_start3A_1168] : memref<80x128xi32, #tpu.memory_space<vmem>> -> memref<1x128xi32, #tpu.memory_space<vmem>>
        %dma_start3A_1170 = tpu.memref_squeeze %dma_start3A_1169 : memref<1x128xi32, #tpu.memory_space<vmem>> -> memref<128xi32, #tpu.memory_space<vmem>>
        %dma_start3A_1171 = arith.constant 0 : i32
        %dma_start3A_1172 = arith.constant 0 : i32
        %dma_start3A_1173 = tpu.memref_slice %arg15[%dma_start3A_1171, %dma_start3A_1172] : memref<10240x32xf32, #tpu.memory_space<vmem_shared>> -> memref<10240x32xf32, #tpu.memory_space<vmem_shared>>
        %dma_start3A_1174 = tpu.memref_slice %arg16[%dma_start3A_1163] : memref<2x!tpu.dma_semaphore, #tpu.memory_space<semaphore_mem>> -> memref<1x!tpu.dma_semaphore, #tpu.memory_space<semaphore_mem>>
        %dma_start3A_1175 = tpu.memref_squeeze %dma_start3A_1174 : memref<1x!tpu.dma_semaphore, #tpu.memory_space<semaphore_mem>> -> memref<!tpu.dma_semaphore, #tpu.memory_space<semaphore_mem>>
        tpu.enqueue_indirect_dma source(%dma_start3A_1173 : memref<10240x32xf32, #tpu.memory_space<vmem_shared>>) target(%dma_start3A_1167 : memref<128x32xf32, #tpu.memory_space<vmem>>) offsets(%dma_start3A_1170 : memref<128xi32, #tpu.memory_space<vmem>>) semaphore(%dma_start3A_1175 : memref<!tpu.dma_semaphore, #tpu.memory_space<semaphore_mem>>)
        %add3A_1176 = arith.constant 5 : i32
        %add3A_1177 = arith.addi %add3A_965, %add3A_1176 : i32
        %dma_start3A_1178 = arith.constant 0 : i32
        %dma_start3A_1179 = arith.constant 5 : i32
        %dma_start3A_1180 = arith.constant 0 : i32
        %dma_start3A_1181 = arith.constant 0 : i32
        %dma_start3A_1182 = arith.constant 0 : i32
        %dma_start3A_1183 = tpu.memref_slice %arg11[%dma_start3A_1178, %dma_start3A_1179, %dma_start3A_1181, %dma_start3A_1182] : memref<2x8x128x32xf32, #tpu.memory_space<vmem>> -> memref<1x1x128x32xf32, #tpu.memory_space<vmem>>
        %dma_start3A_1184 = tpu.memref_squeeze %dma_start3A_1183 : memref<1x1x128x32xf32, #tpu.memory_space<vmem>> -> memref<128x32xf32, #tpu.memory_space<vmem>>
        %dma_start3A_1185 = arith.constant 0 : i32
        %dma_start3A_1186 = tpu.memref_slice %arg9[%add3A_1177, %dma_start3A_1185] : memref<80x128xi32, #tpu.memory_space<vmem>> -> memref<1x128xi32, #tpu.memory_space<vmem>>
        %dma_start3A_1187 = tpu.memref_squeeze %dma_start3A_1186 : memref<1x128xi32, #tpu.memory_space<vmem>> -> memref<128xi32, #tpu.memory_space<vmem>>
        %dma_start3A_1188 = arith.constant 0 : i32
        %dma_start3A_1189 = arith.constant 0 : i32
        %dma_start3A_1190 = tpu.memref_slice %arg15[%dma_start3A_1188, %dma_start3A_1189] : memref<10240x32xf32, #tpu.memory_space<vmem_shared>> -> memref<10240x32xf32, #tpu.memory_space<vmem_shared>>
        %dma_start3A_1191 = tpu.memref_slice %arg16[%dma_start3A_1180] : memref<2x!tpu.dma_semaphore, #tpu.memory_space<semaphore_mem>> -> memref<1x!tpu.dma_semaphore, #tpu.memory_space<semaphore_mem>>
        %dma_start3A_1192 = tpu.memref_squeeze %dma_start3A_1191 : memref<1x!tpu.dma_semaphore, #tpu.memory_space<semaphore_mem>> -> memref<!tpu.dma_semaphore, #tpu.memory_space<semaphore_mem>>
        tpu.enqueue_indirect_dma source(%dma_start3A_1190 : memref<10240x32xf32, #tpu.memory_space<vmem_shared>>) target(%dma_start3A_1184 : memref<128x32xf32, #tpu.memory_space<vmem>>) offsets(%dma_start3A_1187 : memref<128xi32, #tpu.memory_space<vmem>>) semaphore(%dma_start3A_1192 : memref<!tpu.dma_semaphore, #tpu.memory_space<semaphore_mem>>)
        %add3A_1193 = arith.constant 6 : i32
        %add3A_1194 = arith.addi %add3A_965, %add3A_1193 : i32
        %dma_start3A_1195 = arith.constant 0 : i32
        %dma_start3A_1196 = arith.constant 6 : i32
        %dma_start3A_1197 = arith.constant 0 : i32
        %dma_start3A_1198 = arith.constant 0 : i32
        %dma_start3A_1199 = arith.constant 0 : i32
        %dma_start3A_1200 = tpu.memref_slice %arg11[%dma_start3A_1195, %dma_start3A_1196, %dma_start3A_1198, %dma_start3A_1199] : memref<2x8x128x32xf32, #tpu.memory_space<vmem>> -> memref<1x1x128x32xf32, #tpu.memory_space<vmem>>
        %dma_start3A_1201 = tpu.memref_squeeze %dma_start3A_1200 : memref<1x1x128x32xf32, #tpu.memory_space<vmem>> -> memref<128x32xf32, #tpu.memory_space<vmem>>
        %dma_start3A_1202 = arith.constant 0 : i32
        %dma_start3A_1203 = tpu.memref_slice %arg9[%add3A_1194, %dma_start3A_1202] : memref<80x128xi32, #tpu.memory_space<vmem>> -> memref<1x128xi32, #tpu.memory_space<vmem>>
        %dma_start3A_1204 = tpu.memref_squeeze %dma_start3A_1203 : memref<1x128xi32, #tpu.memory_space<vmem>> -> memref<128xi32, #tpu.memory_space<vmem>>
        %dma_start3A_1205 = arith.constant 0 : i32
        %dma_start3A_1206 = arith.constant 0 : i32
        %dma_start3A_1207 = tpu.memref_slice %arg15[%dma_start3A_1205, %dma_start3A_1206] : memref<10240x32xf32, #tpu.memory_space<vmem_shared>> -> memref<10240x32xf32, #tpu.memory_space<vmem_shared>>
        %dma_start3A_1208 = tpu.memref_slice %arg16[%dma_start3A_1197] : memref<2x!tpu.dma_semaphore, #tpu.memory_space<semaphore_mem>> -> memref<1x!tpu.dma_semaphore, #tpu.memory_space<semaphore_mem>>
        %dma_start3A_1209 = tpu.memref_squeeze %dma_start3A_1208 : memref<1x!tpu.dma_semaphore, #tpu.memory_space<semaphore_mem>> -> memref<!tpu.dma_semaphore, #tpu.memory_space<semaphore_mem>>
        tpu.enqueue_indirect_dma source(%dma_start3A_1207 : memref<10240x32xf32, #tpu.memory_space<vmem_shared>>) target(%dma_start3A_1201 : memref<128x32xf32, #tpu.memory_space<vmem>>) offsets(%dma_start3A_1204 : memref<128xi32, #tpu.memory_space<vmem>>) semaphore(%dma_start3A_1209 : memref<!tpu.dma_semaphore, #tpu.memory_space<semaphore_mem>>)
        %add3A_1210 = arith.constant 7 : i32
        %add3A_1211 = arith.addi %add3A_965, %add3A_1210 : i32
        %dma_start3A_1212 = arith.constant 0 : i32
        %dma_start3A_1213 = arith.constant 7 : i32
        %dma_start3A_1214 = arith.constant 0 : i32
        %dma_start3A_1215 = arith.constant 0 : i32
        %dma_start3A_1216 = arith.constant 0 : i32
        %dma_start3A_1217 = tpu.memref_slice %arg11[%dma_start3A_1212, %dma_start3A_1213, %dma_start3A_1215, %dma_start3A_1216] : memref<2x8x128x32xf32, #tpu.memory_space<vmem>> -> memref<1x1x128x32xf32, #tpu.memory_space<vmem>>
        %dma_start3A_1218 = tpu.memref_squeeze %dma_start3A_1217 : memref<1x1x128x32xf32, #tpu.memory_space<vmem>> -> memref<128x32xf32, #tpu.memory_space<vmem>>
        %dma_start3A_1219 = arith.constant 0 : i32
        %dma_start3A_1220 = tpu.memref_slice %arg9[%add3A_1211, %dma_start3A_1219] : memref<80x128xi32, #tpu.memory_space<vmem>> -> memref<1x128xi32, #tpu.memory_space<vmem>>
        %dma_start3A_1221 = tpu.memref_squeeze %dma_start3A_1220 : memref<1x128xi32, #tpu.memory_space<vmem>> -> memref<128xi32, #tpu.memory_space<vmem>>
        %dma_start3A_1222 = arith.constant 0 : i32
        %dma_start3A_1223 = arith.constant 0 : i32
        %dma_start3A_1224 = tpu.memref_slice %arg15[%dma_start3A_1222, %dma_start3A_1223] : memref<10240x32xf32, #tpu.memory_space<vmem_shared>> -> memref<10240x32xf32, #tpu.memory_space<vmem_shared>>
        %dma_start3A_1225 = tpu.memref_slice %arg16[%dma_start3A_1214] : memref<2x!tpu.dma_semaphore, #tpu.memory_space<semaphore_mem>> -> memref<1x!tpu.dma_semaphore, #tpu.memory_space<semaphore_mem>>
        %dma_start3A_1226 = tpu.memref_squeeze %dma_start3A_1225 : memref<1x!tpu.dma_semaphore, #tpu.memory_space<semaphore_mem>> -> memref<!tpu.dma_semaphore, #tpu.memory_space<semaphore_mem>>
        tpu.enqueue_indirect_dma source(%dma_start3A_1224 : memref<10240x32xf32, #tpu.memory_space<vmem_shared>>) target(%dma_start3A_1218 : memref<128x32xf32, #tpu.memory_space<vmem>>) offsets(%dma_start3A_1221 : memref<128xi32, #tpu.memory_space<vmem>>) semaphore(%dma_start3A_1226 : memref<!tpu.dma_semaphore, #tpu.memory_space<semaphore_mem>>)
      } else {
      }
      %dma_wait3A_971 = arith.constant 1 : i32
      %dma_wait3A_972 = arith.constant 0 : i32
      %dma_wait3A_973 = arith.constant 1 : i32
      %dma_wait3A_974 = arith.constant 0 : i32
      %dma_wait3A_975 = arith.constant 0 : i32
      %dma_wait3A_976 = tpu.memref_slice %arg11[%dma_wait3A_971, %dma_wait3A_972, %dma_wait3A_974, %dma_wait3A_975] : memref<2x8x128x32xf32, #tpu.memory_space<vmem>> -> memref<1x1x128x32xf32, #tpu.memory_space<vmem>>
      %dma_wait3A_977 = tpu.memref_squeeze %dma_wait3A_976 : memref<1x1x128x32xf32, #tpu.memory_space<vmem>> -> memref<128x32xf32, #tpu.memory_space<vmem>>
      %dma_wait3A_978 = arith.constant 0 : i32
      %dma_wait3A_979 = tpu.memref_slice %arg10[%add3A_773, %dma_wait3A_978] : memref<80x128xi32, #tpu.memory_space<vmem>> -> memref<1x128xi32, #tpu.memory_space<vmem>>
      %dma_wait3A_980 = tpu.memref_squeeze %dma_wait3A_979 : memref<1x128xi32, #tpu.memory_space<vmem>> -> memref<128xi32, #tpu.memory_space<vmem>>
      %dma_wait3A_981 = arith.constant 0 : i32
      %dma_wait3A_982 = arith.constant 0 : i32
      %dma_wait3A_983 = tpu.memref_slice %arg13[%dma_wait3A_981, %dma_wait3A_982] : memref<10240x32xf32, #tpu.memory_space<vmem_shared>> -> memref<10240x32xf32, #tpu.memory_space<vmem_shared>>
      %dma_wait3A_984 = tpu.memref_slice %arg17[%dma_wait3A_973] : memref<2x!tpu.dma_semaphore, #tpu.memory_space<semaphore_mem>> -> memref<1x!tpu.dma_semaphore, #tpu.memory_space<semaphore_mem>>
      %dma_wait3A_985 = tpu.memref_squeeze %dma_wait3A_984 : memref<1x!tpu.dma_semaphore, #tpu.memory_space<semaphore_mem>> -> memref<!tpu.dma_semaphore, #tpu.memory_space<semaphore_mem>>
      tpu.wait_indirect_dma semaphore(%dma_wait3A_985 : memref<!tpu.dma_semaphore, #tpu.memory_space<semaphore_mem>>) src(%dma_wait3A_977 : memref<128x32xf32, #tpu.memory_space<vmem>>) dst(%dma_wait3A_983 : memref<10240x32xf32, #tpu.memory_space<vmem_shared>>)
      %dma_wait3A_986 = arith.constant 1 : i32
      %dma_wait3A_987 = arith.constant 1 : i32
      %dma_wait3A_988 = arith.constant 1 : i32
      %dma_wait3A_989 = arith.constant 0 : i32
      %dma_wait3A_990 = arith.constant 0 : i32
      %dma_wait3A_991 = tpu.memref_slice %arg11[%dma_wait3A_986, %dma_wait3A_987, %dma_wait3A_989, %dma_wait3A_990] : memref<2x8x128x32xf32, #tpu.memory_space<vmem>> -> memref<1x1x128x32xf32, #tpu.memory_space<vmem>>
      %dma_wait3A_992 = tpu.memref_squeeze %dma_wait3A_991 : memref<1x1x128x32xf32, #tpu.memory_space<vmem>> -> memref<128x32xf32, #tpu.memory_space<vmem>>
      %dma_wait3A_993 = arith.constant 0 : i32
      %dma_wait3A_994 = tpu.memref_slice %arg10[%add3A_790, %dma_wait3A_993] : memref<80x128xi32, #tpu.memory_space<vmem>> -> memref<1x128xi32, #tpu.memory_space<vmem>>
      %dma_wait3A_995 = tpu.memref_squeeze %dma_wait3A_994 : memref<1x128xi32, #tpu.memory_space<vmem>> -> memref<128xi32, #tpu.memory_space<vmem>>
      %dma_wait3A_996 = arith.constant 0 : i32
      %dma_wait3A_997 = arith.constant 0 : i32
      %dma_wait3A_998 = tpu.memref_slice %arg13[%dma_wait3A_996, %dma_wait3A_997] : memref<10240x32xf32, #tpu.memory_space<vmem_shared>> -> memref<10240x32xf32, #tpu.memory_space<vmem_shared>>
      %dma_wait3A_999 = tpu.memref_slice %arg17[%dma_wait3A_988] : memref<2x!tpu.dma_semaphore, #tpu.memory_space<semaphore_mem>> -> memref<1x!tpu.dma_semaphore, #tpu.memory_space<semaphore_mem>>
      %dma_wait3A_1000 = tpu.memref_squeeze %dma_wait3A_999 : memref<1x!tpu.dma_semaphore, #tpu.memory_space<semaphore_mem>> -> memref<!tpu.dma_semaphore, #tpu.memory_space<semaphore_mem>>
      tpu.wait_indirect_dma semaphore(%dma_wait3A_1000 : memref<!tpu.dma_semaphore, #tpu.memory_space<semaphore_mem>>) src(%dma_wait3A_992 : memref<128x32xf32, #tpu.memory_space<vmem>>) dst(%dma_wait3A_998 : memref<10240x32xf32, #tpu.memory_space<vmem_shared>>)
      %dma_wait3A_1001 = arith.constant 1 : i32
      %dma_wait3A_1002 = arith.constant 2 : i32
      %dma_wait3A_1003 = arith.constant 1 : i32
      %dma_wait3A_1004 = arith.constant 0 : i32
      %dma_wait3A_1005 = arith.constant 0 : i32
      %dma_wait3A_1006 = tpu.memref_slice %arg11[%dma_wait3A_1001, %dma_wait3A_1002, %dma_wait3A_1004, %dma_wait3A_1005] : memref<2x8x128x32xf32, #tpu.memory_space<vmem>> -> memref<1x1x128x32xf32, #tpu.memory_space<vmem>>
      %dma_wait3A_1007 = tpu.memref_squeeze %dma_wait3A_1006 : memref<1x1x128x32xf32, #tpu.memory_space<vmem>> -> memref<128x32xf32, #tpu.memory_space<vmem>>
      %dma_wait3A_1008 = arith.constant 0 : i32
      %dma_wait3A_1009 = tpu.memref_slice %arg10[%add3A_807, %dma_wait3A_1008] : memref<80x128xi32, #tpu.memory_space<vmem>> -> memref<1x128xi32, #tpu.memory_space<vmem>>
      %dma_wait3A_1010 = tpu.memref_squeeze %dma_wait3A_1009 : memref<1x128xi32, #tpu.memory_space<vmem>> -> memref<128xi32, #tpu.memory_space<vmem>>
      %dma_wait3A_1011 = arith.constant 0 : i32
      %dma_wait3A_1012 = arith.constant 0 : i32
      %dma_wait3A_1013 = tpu.memref_slice %arg13[%dma_wait3A_1011, %dma_wait3A_1012] : memref<10240x32xf32, #tpu.memory_space<vmem_shared>> -> memref<10240x32xf32, #tpu.memory_space<vmem_shared>>
      %dma_wait3A_1014 = tpu.memref_slice %arg17[%dma_wait3A_1003] : memref<2x!tpu.dma_semaphore, #tpu.memory_space<semaphore_mem>> -> memref<1x!tpu.dma_semaphore, #tpu.memory_space<semaphore_mem>>
      %dma_wait3A_1015 = tpu.memref_squeeze %dma_wait3A_1014 : memref<1x!tpu.dma_semaphore, #tpu.memory_space<semaphore_mem>> -> memref<!tpu.dma_semaphore, #tpu.memory_space<semaphore_mem>>
      tpu.wait_indirect_dma semaphore(%dma_wait3A_1015 : memref<!tpu.dma_semaphore, #tpu.memory_space<semaphore_mem>>) src(%dma_wait3A_1007 : memref<128x32xf32, #tpu.memory_space<vmem>>) dst(%dma_wait3A_1013 : memref<10240x32xf32, #tpu.memory_space<vmem_shared>>)
      %dma_wait3A_1016 = arith.constant 1 : i32
      %dma_wait3A_1017 = arith.constant 3 : i32
      %dma_wait3A_1018 = arith.constant 1 : i32
      %dma_wait3A_1019 = arith.constant 0 : i32
      %dma_wait3A_1020 = arith.constant 0 : i32
      %dma_wait3A_1021 = tpu.memref_slice %arg11[%dma_wait3A_1016, %dma_wait3A_1017, %dma_wait3A_1019, %dma_wait3A_1020] : memref<2x8x128x32xf32, #tpu.memory_space<vmem>> -> memref<1x1x128x32xf32, #tpu.memory_space<vmem>>
      %dma_wait3A_1022 = tpu.memref_squeeze %dma_wait3A_1021 : memref<1x1x128x32xf32, #tpu.memory_space<vmem>> -> memref<128x32xf32, #tpu.memory_space<vmem>>
      %dma_wait3A_1023 = arith.constant 0 : i32
      %dma_wait3A_1024 = tpu.memref_slice %arg10[%add3A_824, %dma_wait3A_1023] : memref<80x128xi32, #tpu.memory_space<vmem>> -> memref<1x128xi32, #tpu.memory_space<vmem>>
      %dma_wait3A_1025 = tpu.memref_squeeze %dma_wait3A_1024 : memref<1x128xi32, #tpu.memory_space<vmem>> -> memref<128xi32, #tpu.memory_space<vmem>>
      %dma_wait3A_1026 = arith.constant 0 : i32
      %dma_wait3A_1027 = arith.constant 0 : i32
      %dma_wait3A_1028 = tpu.memref_slice %arg13[%dma_wait3A_1026, %dma_wait3A_1027] : memref<10240x32xf32, #tpu.memory_space<vmem_shared>> -> memref<10240x32xf32, #tpu.memory_space<vmem_shared>>
      %dma_wait3A_1029 = tpu.memref_slice %arg17[%dma_wait3A_1018] : memref<2x!tpu.dma_semaphore, #tpu.memory_space<semaphore_mem>> -> memref<1x!tpu.dma_semaphore, #tpu.memory_space<semaphore_mem>>
      %dma_wait3A_1030 = tpu.memref_squeeze %dma_wait3A_1029 : memref<1x!tpu.dma_semaphore, #tpu.memory_space<semaphore_mem>> -> memref<!tpu.dma_semaphore, #tpu.memory_space<semaphore_mem>>
      tpu.wait_indirect_dma semaphore(%dma_wait3A_1030 : memref<!tpu.dma_semaphore, #tpu.memory_space<semaphore_mem>>) src(%dma_wait3A_1022 : memref<128x32xf32, #tpu.memory_space<vmem>>) dst(%dma_wait3A_1028 : memref<10240x32xf32, #tpu.memory_space<vmem_shared>>)
      %dma_wait3A_1031 = arith.constant 1 : i32
      %dma_wait3A_1032 = arith.constant 4 : i32
      %dma_wait3A_1033 = arith.constant 1 : i32
      %dma_wait3A_1034 = arith.constant 0 : i32
      %dma_wait3A_1035 = arith.constant 0 : i32
      %dma_wait3A_1036 = tpu.memref_slice %arg11[%dma_wait3A_1031, %dma_wait3A_1032, %dma_wait3A_1034, %dma_wait3A_1035] : memref<2x8x128x32xf32, #tpu.memory_space<vmem>> -> memref<1x1x128x32xf32, #tpu.memory_space<vmem>>
      %dma_wait3A_1037 = tpu.memref_squeeze %dma_wait3A_1036 : memref<1x1x128x32xf32, #tpu.memory_space<vmem>> -> memref<128x32xf32, #tpu.memory_space<vmem>>
      %dma_wait3A_1038 = arith.constant 0 : i32
      %dma_wait3A_1039 = tpu.memref_slice %arg10[%add3A_841, %dma_wait3A_1038] : memref<80x128xi32, #tpu.memory_space<vmem>> -> memref<1x128xi32, #tpu.memory_space<vmem>>
      %dma_wait3A_1040 = tpu.memref_squeeze %dma_wait3A_1039 : memref<1x128xi32, #tpu.memory_space<vmem>> -> memref<128xi32, #tpu.memory_space<vmem>>
      %dma_wait3A_1041 = arith.constant 0 : i32
      %dma_wait3A_1042 = arith.constant 0 : i32
      %dma_wait3A_1043 = tpu.memref_slice %arg13[%dma_wait3A_1041, %dma_wait3A_1042] : memref<10240x32xf32, #tpu.memory_space<vmem_shared>> -> memref<10240x32xf32, #tpu.memory_space<vmem_shared>>
      %dma_wait3A_1044 = tpu.memref_slice %arg17[%dma_wait3A_1033] : memref<2x!tpu.dma_semaphore, #tpu.memory_space<semaphore_mem>> -> memref<1x!tpu.dma_semaphore, #tpu.memory_space<semaphore_mem>>
      %dma_wait3A_1045 = tpu.memref_squeeze %dma_wait3A_1044 : memref<1x!tpu.dma_semaphore, #tpu.memory_space<semaphore_mem>> -> memref<!tpu.dma_semaphore, #tpu.memory_space<semaphore_mem>>
      tpu.wait_indirect_dma semaphore(%dma_wait3A_1045 : memref<!tpu.dma_semaphore, #tpu.memory_space<semaphore_mem>>) src(%dma_wait3A_1037 : memref<128x32xf32, #tpu.memory_space<vmem>>) dst(%dma_wait3A_1043 : memref<10240x32xf32, #tpu.memory_space<vmem_shared>>)
      %dma_wait3A_1046 = arith.constant 1 : i32
      %dma_wait3A_1047 = arith.constant 5 : i32
      %dma_wait3A_1048 = arith.constant 1 : i32
      %dma_wait3A_1049 = arith.constant 0 : i32
      %dma_wait3A_1050 = arith.constant 0 : i32
      %dma_wait3A_1051 = tpu.memref_slice %arg11[%dma_wait3A_1046, %dma_wait3A_1047, %dma_wait3A_1049, %dma_wait3A_1050] : memref<2x8x128x32xf32, #tpu.memory_space<vmem>> -> memref<1x1x128x32xf32, #tpu.memory_space<vmem>>
      %dma_wait3A_1052 = tpu.memref_squeeze %dma_wait3A_1051 : memref<1x1x128x32xf32, #tpu.memory_space<vmem>> -> memref<128x32xf32, #tpu.memory_space<vmem>>
      %dma_wait3A_1053 = arith.constant 0 : i32
      %dma_wait3A_1054 = tpu.memref_slice %arg10[%add3A_858, %dma_wait3A_1053] : memref<80x128xi32, #tpu.memory_space<vmem>> -> memref<1x128xi32, #tpu.memory_space<vmem>>
      %dma_wait3A_1055 = tpu.memref_squeeze %dma_wait3A_1054 : memref<1x128xi32, #tpu.memory_space<vmem>> -> memref<128xi32, #tpu.memory_space<vmem>>
      %dma_wait3A_1056 = arith.constant 0 : i32
      %dma_wait3A_1057 = arith.constant 0 : i32
      %dma_wait3A_1058 = tpu.memref_slice %arg13[%dma_wait3A_1056, %dma_wait3A_1057] : memref<10240x32xf32, #tpu.memory_space<vmem_shared>> -> memref<10240x32xf32, #tpu.memory_space<vmem_shared>>
      %dma_wait3A_1059 = tpu.memref_slice %arg17[%dma_wait3A_1048] : memref<2x!tpu.dma_semaphore, #tpu.memory_space<semaphore_mem>> -> memref<1x!tpu.dma_semaphore, #tpu.memory_space<semaphore_mem>>
      %dma_wait3A_1060 = tpu.memref_squeeze %dma_wait3A_1059 : memref<1x!tpu.dma_semaphore, #tpu.memory_space<semaphore_mem>> -> memref<!tpu.dma_semaphore, #tpu.memory_space<semaphore_mem>>
      tpu.wait_indirect_dma semaphore(%dma_wait3A_1060 : memref<!tpu.dma_semaphore, #tpu.memory_space<semaphore_mem>>) src(%dma_wait3A_1052 : memref<128x32xf32, #tpu.memory_space<vmem>>) dst(%dma_wait3A_1058 : memref<10240x32xf32, #tpu.memory_space<vmem_shared>>)
      %dma_wait3A_1061 = arith.constant 1 : i32
      %dma_wait3A_1062 = arith.constant 6 : i32
      %dma_wait3A_1063 = arith.constant 1 : i32
      %dma_wait3A_1064 = arith.constant 0 : i32
      %dma_wait3A_1065 = arith.constant 0 : i32
      %dma_wait3A_1066 = tpu.memref_slice %arg11[%dma_wait3A_1061, %dma_wait3A_1062, %dma_wait3A_1064, %dma_wait3A_1065] : memref<2x8x128x32xf32, #tpu.memory_space<vmem>> -> memref<1x1x128x32xf32, #tpu.memory_space<vmem>>
      %dma_wait3A_1067 = tpu.memref_squeeze %dma_wait3A_1066 : memref<1x1x128x32xf32, #tpu.memory_space<vmem>> -> memref<128x32xf32, #tpu.memory_space<vmem>>
      %dma_wait3A_1068 = arith.constant 0 : i32
      %dma_wait3A_1069 = tpu.memref_slice %arg10[%add3A_875, %dma_wait3A_1068] : memref<80x128xi32, #tpu.memory_space<vmem>> -> memref<1x128xi32, #tpu.memory_space<vmem>>
      %dma_wait3A_1070 = tpu.memref_squeeze %dma_wait3A_1069 : memref<1x128xi32, #tpu.memory_space<vmem>> -> memref<128xi32, #tpu.memory_space<vmem>>
      %dma_wait3A_1071 = arith.constant 0 : i32
      %dma_wait3A_1072 = arith.constant 0 : i32
      %dma_wait3A_1073 = tpu.memref_slice %arg13[%dma_wait3A_1071, %dma_wait3A_1072] : memref<10240x32xf32, #tpu.memory_space<vmem_shared>> -> memref<10240x32xf32, #tpu.memory_space<vmem_shared>>
      %dma_wait3A_1074 = tpu.memref_slice %arg17[%dma_wait3A_1063] : memref<2x!tpu.dma_semaphore, #tpu.memory_space<semaphore_mem>> -> memref<1x!tpu.dma_semaphore, #tpu.memory_space<semaphore_mem>>
      %dma_wait3A_1075 = tpu.memref_squeeze %dma_wait3A_1074 : memref<1x!tpu.dma_semaphore, #tpu.memory_space<semaphore_mem>> -> memref<!tpu.dma_semaphore, #tpu.memory_space<semaphore_mem>>
      tpu.wait_indirect_dma semaphore(%dma_wait3A_1075 : memref<!tpu.dma_semaphore, #tpu.memory_space<semaphore_mem>>) src(%dma_wait3A_1067 : memref<128x32xf32, #tpu.memory_space<vmem>>) dst(%dma_wait3A_1073 : memref<10240x32xf32, #tpu.memory_space<vmem_shared>>)
      %dma_wait3A_1076 = arith.constant 1 : i32
      %dma_wait3A_1077 = arith.constant 7 : i32
      %dma_wait3A_1078 = arith.constant 1 : i32
      %dma_wait3A_1079 = arith.constant 0 : i32
      %dma_wait3A_1080 = arith.constant 0 : i32
      %dma_wait3A_1081 = tpu.memref_slice %arg11[%dma_wait3A_1076, %dma_wait3A_1077, %dma_wait3A_1079, %dma_wait3A_1080] : memref<2x8x128x32xf32, #tpu.memory_space<vmem>> -> memref<1x1x128x32xf32, #tpu.memory_space<vmem>>
      %dma_wait3A_1082 = tpu.memref_squeeze %dma_wait3A_1081 : memref<1x1x128x32xf32, #tpu.memory_space<vmem>> -> memref<128x32xf32, #tpu.memory_space<vmem>>
      %dma_wait3A_1083 = arith.constant 0 : i32
      %dma_wait3A_1084 = tpu.memref_slice %arg10[%add3A_892, %dma_wait3A_1083] : memref<80x128xi32, #tpu.memory_space<vmem>> -> memref<1x128xi32, #tpu.memory_space<vmem>>
      %dma_wait3A_1085 = tpu.memref_squeeze %dma_wait3A_1084 : memref<1x128xi32, #tpu.memory_space<vmem>> -> memref<128xi32, #tpu.memory_space<vmem>>
      %dma_wait3A_1086 = arith.constant 0 : i32
      %dma_wait3A_1087 = arith.constant 0 : i32
      %dma_wait3A_1088 = tpu.memref_slice %arg13[%dma_wait3A_1086, %dma_wait3A_1087] : memref<10240x32xf32, #tpu.memory_space<vmem_shared>> -> memref<10240x32xf32, #tpu.memory_space<vmem_shared>>
      %dma_wait3A_1089 = tpu.memref_slice %arg17[%dma_wait3A_1078] : memref<2x!tpu.dma_semaphore, #tpu.memory_space<semaphore_mem>> -> memref<1x!tpu.dma_semaphore, #tpu.memory_space<semaphore_mem>>
      %dma_wait3A_1090 = tpu.memref_squeeze %dma_wait3A_1089 : memref<1x!tpu.dma_semaphore, #tpu.memory_space<semaphore_mem>> -> memref<!tpu.dma_semaphore, #tpu.memory_space<semaphore_mem>>
      tpu.wait_indirect_dma semaphore(%dma_wait3A_1090 : memref<!tpu.dma_semaphore, #tpu.memory_space<semaphore_mem>>) src(%dma_wait3A_1082 : memref<128x32xf32, #tpu.memory_space<vmem>>) dst(%dma_wait3A_1088 : memref<10240x32xf32, #tpu.memory_space<vmem_shared>>)
    }
    %scan3A_164 = arith.constant 5 : i32
    %scan3A_165 = arith.constant 0 : i32
    %scan3A_166 = arith.constant 0 : i32
    %scan3A_167 = arith.constant 80 : i32
    %scan3A_168 = arith.addi %scan3A_166, %scan3A_167 : i32
    %scan3A_169 = arith.constant 1 : i32
    scf.for %scan3A_172 = %scan3A_166 to %scan3A_168 step %scan3A_169  : i32 {
      %dma_wait3A = arith.constant 0 : i32
      %dma_wait3A_173 = tpu.memref_slice %arg10[%scan3A_172, %dma_wait3A] : memref<80x128xi32, #tpu.memory_space<vmem>> -> memref<1x128xi32, #tpu.memory_space<vmem>>
      %dma_wait3A_174 = tpu.memref_squeeze %dma_wait3A_173 : memref<1x128xi32, #tpu.memory_space<vmem>> -> memref<128xi32, #tpu.memory_space<vmem>>
      %dma_wait3A_175 = arith.constant 0 : i32
      %dma_wait3A_176 = tpu.memref_slice %arg14[%dma_wait3A_175] : memref<10240xf32, #tpu.memory_space<vmem_shared>> -> memref<10240xf32, #tpu.memory_space<vmem_shared>>
      tpu.wait_indirect_dma semaphore(%arg18 : memref<!tpu.dma_semaphore, #tpu.memory_space<semaphore_mem>>) src(%arg12 : memref<128xf32, #tpu.memory_space<vmem>>) dst(%dma_wait3A_176 : memref<10240xf32, #tpu.memory_space<vmem_shared>>)
    }
    %scan3A_170 = arith.constant 80 : i32
    %barrier3A_171 = arith.constant 0 : index
    tpu.barrier barrier_id(%barrier3A_171)
    "tpu.region"() ({
      %run_scoped3A = tpu.sem_alloc : memref<!tpu.dma_semaphore, #tpu.memory_space<semaphore_mem>>
      %dma_start3A_172 = arith.constant 0 : i32
      %dma_start3A_173 = tpu.memref_slice %arg7[%arg0, %mul3A_2, %dma_start3A_172] : memref<2x10240x32xf32, #tpu.memory_space<hbm>> -> memref<1x640x32xf32, #tpu.memory_space<hbm>>
      %dma_start3A_174 = tpu.memref_squeeze %dma_start3A_173 : memref<1x640x32xf32, #tpu.memory_space<hbm>> -> memref<640x32xf32, #tpu.memory_space<hbm>>
      %dma_start3A_175 = arith.constant 0 : i32
      %dma_start3A_176 = tpu.memref_slice %arg13[%mul3A_2, %dma_start3A_175] : memref<10240x32xf32, #tpu.memory_space<vmem_shared>> -> memref<640x32xf32, #tpu.memory_space<vmem_shared>>
      tpu.enqueue_dma source(%dma_start3A_176 : memref<640x32xf32, #tpu.memory_space<vmem_shared>>) target(%dma_start3A_174 : memref<640x32xf32, #tpu.memory_space<hbm>>) target_semaphore(%run_scoped3A : memref<!tpu.dma_semaphore, #tpu.memory_space<semaphore_mem>>)
      %dma_wait3A = arith.constant 0 : i32
      %dma_wait3A_177 = tpu.memref_slice %arg7[%arg0, %mul3A_2, %dma_wait3A] : memref<2x10240x32xf32, #tpu.memory_space<hbm>> -> memref<1x640x32xf32, #tpu.memory_space<hbm>>
      %dma_wait3A_178 = tpu.memref_squeeze %dma_wait3A_177 : memref<1x640x32xf32, #tpu.memory_space<hbm>> -> memref<640x32xf32, #tpu.memory_space<hbm>>
      %dma_wait3A_179 = arith.constant 0 : i32
      %dma_wait3A_180 = tpu.memref_slice %arg13[%mul3A_2, %dma_wait3A_179] : memref<10240x32xf32, #tpu.memory_space<vmem_shared>> -> memref<640x32xf32, #tpu.memory_space<vmem_shared>>
      tpu.wait_dma2 semaphore(%run_scoped3A : memref<!tpu.dma_semaphore, #tpu.memory_space<semaphore_mem>>) src(%dma_wait3A_180 : memref<640x32xf32, #tpu.memory_space<vmem_shared>>) dst(%dma_wait3A_178 : memref<640x32xf32, #tpu.memory_space<hbm>>)
      tpu.yield
    }) : () -> ()
    "tpu.region"() ({
      %run_scoped3A = tpu.sem_alloc : memref<!tpu.dma_semaphore, #tpu.memory_space<semaphore_mem>>
      %dma_start3A_172 = tpu.memref_slice %arg8[%arg0, %mul3A_2] : memref<2x10240xf32, #tpu.memory_space<hbm>> -> memref<1x640xf32, #tpu.memory_space<hbm>>
      %dma_start3A_173 = tpu.memref_squeeze %dma_start3A_172 : memref<1x640xf32, #tpu.memory_space<hbm>> -> memref<640xf32, #tpu.memory_space<hbm>>
      %dma_start3A_174 = tpu.memref_slice %arg14[%mul3A_2] : memref<10240xf32, #tpu.memory_space<vmem_shared>> -> memref<640xf32, #tpu.memory_space<vmem_shared>>
      tpu.enqueue_dma source(%dma_start3A_174 : memref<640xf32, #tpu.memory_space<vmem_shared>>) target(%dma_start3A_173 : memref<640xf32, #tpu.memory_space<hbm>>) target_semaphore(%run_scoped3A : memref<!tpu.dma_semaphore, #tpu.memory_space<semaphore_mem>>)
      %dma_wait3A = tpu.memref_slice %arg8[%arg0, %mul3A_2] : memref<2x10240xf32, #tpu.memory_space<hbm>> -> memref<1x640xf32, #tpu.memory_space<hbm>>
      %dma_wait3A_175 = tpu.memref_squeeze %dma_wait3A : memref<1x640xf32, #tpu.memory_space<hbm>> -> memref<640xf32, #tpu.memory_space<hbm>>
      %dma_wait3A_176 = tpu.memref_slice %arg14[%mul3A_2] : memref<10240xf32, #tpu.memory_space<vmem_shared>> -> memref<640xf32, #tpu.memory_space<vmem_shared>>
      tpu.wait_dma2 semaphore(%run_scoped3A : memref<!tpu.dma_semaphore, #tpu.memory_space<semaphore_mem>>) src(%dma_wait3A_176 : memref<640xf32, #tpu.memory_space<vmem_shared>>) dst(%dma_wait3A_175 : memref<640xf32, #tpu.memory_space<hbm>>)
      tpu.yield
    }) : () -> ()
    return
  }
}

#map = affine_map<(d0, d1) -> (0)>
#map1 = affine_map<(d0, d1) -> (0, 0, 0)>
#map2 = affine_map<(d0, d1) -> (0, 0)>
module attributes {stable_mosaic.version = 14 : i64} {
  func.func @sc2(%arg0: i32, %arg1: i32, %arg2: memref<10240xf32, #tpu.memory_space<hbm>>, %arg3: memref<32x80x128xi32, #tpu.memory_space<hbm>>, %arg4: memref<32x80x128xi32, #tpu.memory_space<hbm>>, %arg5: memref<10240xf32, #tpu.memory_space<hbm>>, %arg6: memref<2x10240xf32, #tpu.memory_space<hbm>>, %arg7: memref<80x128xi32, #tpu.memory_space<vmem>>, %arg8: memref<80x128xi32, #tpu.memory_space<vmem>>, %arg9: memref<10240xf32, #tpu.memory_space<vmem>>, %arg10: memref<80x128xf32, #tpu.memory_space<vmem>>, %arg11: memref<10240xf32, #tpu.memory_space<vmem_shared>>, %arg12: memref<!tpu.dma_semaphore, #tpu.memory_space<semaphore_mem>>) attributes {dimension_semantics = [#tpu.dimension_semantics<core_parallel>, #tpu.dimension_semantics<subcore_parallel>], iteration_bounds = array<i64: 2, 16>, scalar_prefetch = 0 : i64, scratch_operands = 6 : i64, tpu.core_type = #tpu.core_type<sc_vector_subcore>, window_params = [{transform_indices = #map}, {transform_indices = #map1}, {transform_indices = #map1}, {transform_indices = #map}, {transform_indices = #map2}]} {
    %mul3A = arith.constant 16 : i32
    %mul3A_0 = arith.muli %arg0, %mul3A : i32
    %add3A = arith.addi %mul3A_0, %arg1 : i32
    %mul3A_1 = arith.constant 640 : i32
    %mul3A_2 = arith.muli %arg1, %mul3A_1 : i32
    "tpu.region"() ({
      %run_scoped3A = tpu.sem_alloc : memref<!tpu.dma_semaphore, #tpu.memory_space<semaphore_mem>>
      %dma_start3A = arith.constant 0 : i32
      %dma_start3A_15 = arith.constant 0 : i32
      %dma_start3A_16 = tpu.memref_slice %arg3[%add3A, %dma_start3A, %dma_start3A_15] : memref<32x80x128xi32, #tpu.memory_space<hbm>> -> memref<1x80x128xi32, #tpu.memory_space<hbm>>
      %dma_start3A_17 = tpu.memref_squeeze %dma_start3A_16 : memref<1x80x128xi32, #tpu.memory_space<hbm>> -> memref<80x128xi32, #tpu.memory_space<hbm>>
      %dma_start3A_18 = arith.constant 0 : i32
      %dma_start3A_19 = arith.constant 0 : i32
      %dma_start3A_20 = tpu.memref_slice %arg3[%add3A, %dma_start3A_18, %dma_start3A_19] : memref<32x80x128xi32, #tpu.memory_space<hbm>> -> memref<1x80x128xi32, #tpu.memory_space<hbm>>
      %dma_start3A_21 = tpu.memref_squeeze %dma_start3A_20 : memref<1x80x128xi32, #tpu.memory_space<hbm>> -> memref<80x128xi32, #tpu.memory_space<hbm>>
      tpu.enqueue_dma source(%dma_start3A_21 : memref<80x128xi32, #tpu.memory_space<hbm>>) target(%arg7 : memref<80x128xi32, #tpu.memory_space<vmem>>) target_semaphore(%run_scoped3A : memref<!tpu.dma_semaphore, #tpu.memory_space<semaphore_mem>>)
      %dma_wait3A = arith.constant 0 : i32
      %dma_wait3A_22 = arith.constant 0 : i32
      %dma_wait3A_23 = tpu.memref_slice %arg3[%add3A, %dma_wait3A, %dma_wait3A_22] : memref<32x80x128xi32, #tpu.memory_space<hbm>> -> memref<1x80x128xi32, #tpu.memory_space<hbm>>
      %dma_wait3A_24 = tpu.memref_squeeze %dma_wait3A_23 : memref<1x80x128xi32, #tpu.memory_space<hbm>> -> memref<80x128xi32, #tpu.memory_space<hbm>>
      %dma_wait3A_25 = arith.constant 0 : i32
      %dma_wait3A_26 = arith.constant 0 : i32
      %dma_wait3A_27 = tpu.memref_slice %arg3[%add3A, %dma_wait3A_25, %dma_wait3A_26] : memref<32x80x128xi32, #tpu.memory_space<hbm>> -> memref<1x80x128xi32, #tpu.memory_space<hbm>>
      %dma_wait3A_28 = tpu.memref_squeeze %dma_wait3A_27 : memref<1x80x128xi32, #tpu.memory_space<hbm>> -> memref<80x128xi32, #tpu.memory_space<hbm>>
      tpu.wait_dma2 semaphore(%run_scoped3A : memref<!tpu.dma_semaphore, #tpu.memory_space<semaphore_mem>>) src(%dma_wait3A_28 : memref<80x128xi32, #tpu.memory_space<hbm>>) dst(%arg7 : memref<80x128xi32, #tpu.memory_space<vmem>>)
      tpu.yield
    }) : () -> ()
    "tpu.region"() ({
      %run_scoped3A = tpu.sem_alloc : memref<!tpu.dma_semaphore, #tpu.memory_space<semaphore_mem>>
      %dma_start3A = arith.constant 0 : i32
      %dma_start3A_15 = arith.constant 0 : i32
      %dma_start3A_16 = tpu.memref_slice %arg4[%add3A, %dma_start3A, %dma_start3A_15] : memref<32x80x128xi32, #tpu.memory_space<hbm>> -> memref<1x80x128xi32, #tpu.memory_space<hbm>>
      %dma_start3A_17 = tpu.memref_squeeze %dma_start3A_16 : memref<1x80x128xi32, #tpu.memory_space<hbm>> -> memref<80x128xi32, #tpu.memory_space<hbm>>
      %dma_start3A_18 = arith.constant 0 : i32
      %dma_start3A_19 = arith.constant 0 : i32
      %dma_start3A_20 = tpu.memref_slice %arg4[%add3A, %dma_start3A_18, %dma_start3A_19] : memref<32x80x128xi32, #tpu.memory_space<hbm>> -> memref<1x80x128xi32, #tpu.memory_space<hbm>>
      %dma_start3A_21 = tpu.memref_squeeze %dma_start3A_20 : memref<1x80x128xi32, #tpu.memory_space<hbm>> -> memref<80x128xi32, #tpu.memory_space<hbm>>
      tpu.enqueue_dma source(%dma_start3A_21 : memref<80x128xi32, #tpu.memory_space<hbm>>) target(%arg8 : memref<80x128xi32, #tpu.memory_space<vmem>>) target_semaphore(%run_scoped3A : memref<!tpu.dma_semaphore, #tpu.memory_space<semaphore_mem>>)
      %dma_wait3A = arith.constant 0 : i32
      %dma_wait3A_22 = arith.constant 0 : i32
      %dma_wait3A_23 = tpu.memref_slice %arg4[%add3A, %dma_wait3A, %dma_wait3A_22] : memref<32x80x128xi32, #tpu.memory_space<hbm>> -> memref<1x80x128xi32, #tpu.memory_space<hbm>>
      %dma_wait3A_24 = tpu.memref_squeeze %dma_wait3A_23 : memref<1x80x128xi32, #tpu.memory_space<hbm>> -> memref<80x128xi32, #tpu.memory_space<hbm>>
      %dma_wait3A_25 = arith.constant 0 : i32
      %dma_wait3A_26 = arith.constant 0 : i32
      %dma_wait3A_27 = tpu.memref_slice %arg4[%add3A, %dma_wait3A_25, %dma_wait3A_26] : memref<32x80x128xi32, #tpu.memory_space<hbm>> -> memref<1x80x128xi32, #tpu.memory_space<hbm>>
      %dma_wait3A_28 = tpu.memref_squeeze %dma_wait3A_27 : memref<1x80x128xi32, #tpu.memory_space<hbm>> -> memref<80x128xi32, #tpu.memory_space<hbm>>
      tpu.wait_dma2 semaphore(%run_scoped3A : memref<!tpu.dma_semaphore, #tpu.memory_space<semaphore_mem>>) src(%dma_wait3A_28 : memref<80x128xi32, #tpu.memory_space<hbm>>) dst(%arg8 : memref<80x128xi32, #tpu.memory_space<vmem>>)
      tpu.yield
    }) : () -> ()
    "tpu.region"() ({
      %run_scoped3A = tpu.sem_alloc : memref<!tpu.dma_semaphore, #tpu.memory_space<semaphore_mem>>
      tpu.enqueue_dma source(%arg2 : memref<10240xf32, #tpu.memory_space<hbm>>) target(%arg9 : memref<10240xf32, #tpu.memory_space<vmem>>) target_semaphore(%run_scoped3A : memref<!tpu.dma_semaphore, #tpu.memory_space<semaphore_mem>>)
      tpu.wait_dma2 semaphore(%run_scoped3A : memref<!tpu.dma_semaphore, #tpu.memory_space<semaphore_mem>>) src(%arg2 : memref<10240xf32, #tpu.memory_space<hbm>>) dst(%arg9 : memref<10240xf32, #tpu.memory_space<vmem>>)
      tpu.yield
    }) : () -> ()
    "tpu.region"() ({
      %run_scoped3A = tpu.sem_alloc : memref<!tpu.dma_semaphore, #tpu.memory_space<semaphore_mem>>
      %dma_start3A = tpu.memref_slice %arg11[%mul3A_2] : memref<10240xf32, #tpu.memory_space<vmem_shared>> -> memref<640xf32, #tpu.memory_space<vmem_shared>>
      %dma_start3A_15 = tpu.memref_slice %arg5[%mul3A_2] : memref<10240xf32, #tpu.memory_space<hbm>> -> memref<640xf32, #tpu.memory_space<hbm>>
      tpu.enqueue_dma source(%dma_start3A_15 : memref<640xf32, #tpu.memory_space<hbm>>) target(%dma_start3A : memref<640xf32, #tpu.memory_space<vmem_shared>>) target_semaphore(%run_scoped3A : memref<!tpu.dma_semaphore, #tpu.memory_space<semaphore_mem>>)
      %dma_wait3A = tpu.memref_slice %arg11[%mul3A_2] : memref<10240xf32, #tpu.memory_space<vmem_shared>> -> memref<640xf32, #tpu.memory_space<vmem_shared>>
      %dma_wait3A_16 = tpu.memref_slice %arg5[%mul3A_2] : memref<10240xf32, #tpu.memory_space<hbm>> -> memref<640xf32, #tpu.memory_space<hbm>>
      tpu.wait_dma2 semaphore(%run_scoped3A : memref<!tpu.dma_semaphore, #tpu.memory_space<semaphore_mem>>) src(%dma_wait3A_16 : memref<640xf32, #tpu.memory_space<hbm>>) dst(%dma_wait3A : memref<640xf32, #tpu.memory_space<vmem_shared>>)
      tpu.yield
    }) : () -> ()
    %scan3A = arith.constant 0 : i32
    %scan3A_3 = arith.constant 0 : i32
    %scan3A_4 = arith.constant 80 : i32
    %scan3A_5 = arith.addi %scan3A_3, %scan3A_4 : i32
    %scan3A_6 = arith.constant 1 : i32
    scf.for %scan3A_15 = %scan3A_3 to %scan3A_5 step %scan3A_6  : i32 {
      %get3A = arith.index_cast %scan3A_15 : i32 to index
      %get3A_16 = arith.constant 0 : index
      %get3A_17 = tpu.vector_load %arg7[%get3A, %get3A_16] {strides = array<i32>} : memref<80x128xi32, #tpu.memory_space<vmem>>, vector<16xi32>,
      %gather3A = tpu.vector_load_idx %arg9[%get3A_17] : memref<10240xf32, #tpu.memory_space<vmem>>[vector<16xi32>], vector<16xf32>,
      %swap3A = arith.index_cast %scan3A_15 : i32 to index
      %swap3A_18 = arith.constant 0 : index
      %swap3A_19 = tpu.vector_load %arg10[%swap3A, %swap3A_18] {strides = array<i32>} : memref<80x128xf32, #tpu.memory_space<vmem>>, vector<16xf32>,
      tpu.vector_store %arg10[%swap3A, %swap3A_18], %gather3A {strides = array<i32>} : memref<80x128xf32, #tpu.memory_space<vmem>>, vector<16xf32>,
      %get3A_20 = arith.index_cast %scan3A_15 : i32 to index
      %get3A_21 = arith.constant 16 : index
      %get3A_22 = tpu.vector_load %arg7[%get3A_20, %get3A_21] {strides = array<i32>} : memref<80x128xi32, #tpu.memory_space<vmem>>, vector<16xi32>,
      %gather3A_23 = tpu.vector_load_idx %arg9[%get3A_22] : memref<10240xf32, #tpu.memory_space<vmem>>[vector<16xi32>], vector<16xf32>,
      %swap3A_24 = arith.index_cast %scan3A_15 : i32 to index
      %swap3A_25 = arith.constant 16 : index
      %swap3A_26 = tpu.vector_load %arg10[%swap3A_24, %swap3A_25] {strides = array<i32>} : memref<80x128xf32, #tpu.memory_space<vmem>>, vector<16xf32>,
      tpu.vector_store %arg10[%swap3A_24, %swap3A_25], %gather3A_23 {strides = array<i32>} : memref<80x128xf32, #tpu.memory_space<vmem>>, vector<16xf32>,
      %get3A_27 = arith.index_cast %scan3A_15 : i32 to index
      %get3A_28 = arith.constant 32 : index
      %get3A_29 = tpu.vector_load %arg7[%get3A_27, %get3A_28] {strides = array<i32>} : memref<80x128xi32, #tpu.memory_space<vmem>>, vector<16xi32>,
      %gather3A_30 = tpu.vector_load_idx %arg9[%get3A_29] : memref<10240xf32, #tpu.memory_space<vmem>>[vector<16xi32>], vector<16xf32>,
      %swap3A_31 = arith.index_cast %scan3A_15 : i32 to index
      %swap3A_32 = arith.constant 32 : index
      %swap3A_33 = tpu.vector_load %arg10[%swap3A_31, %swap3A_32] {strides = array<i32>} : memref<80x128xf32, #tpu.memory_space<vmem>>, vector<16xf32>,
      tpu.vector_store %arg10[%swap3A_31, %swap3A_32], %gather3A_30 {strides = array<i32>} : memref<80x128xf32, #tpu.memory_space<vmem>>, vector<16xf32>,
      %get3A_34 = arith.index_cast %scan3A_15 : i32 to index
      %get3A_35 = arith.constant 48 : index
      %get3A_36 = tpu.vector_load %arg7[%get3A_34, %get3A_35] {strides = array<i32>} : memref<80x128xi32, #tpu.memory_space<vmem>>, vector<16xi32>,
      %gather3A_37 = tpu.vector_load_idx %arg9[%get3A_36] : memref<10240xf32, #tpu.memory_space<vmem>>[vector<16xi32>], vector<16xf32>,
      %swap3A_38 = arith.index_cast %scan3A_15 : i32 to index
      %swap3A_39 = arith.constant 48 : index
      %swap3A_40 = tpu.vector_load %arg10[%swap3A_38, %swap3A_39] {strides = array<i32>} : memref<80x128xf32, #tpu.memory_space<vmem>>, vector<16xf32>,
      tpu.vector_store %arg10[%swap3A_38, %swap3A_39], %gather3A_37 {strides = array<i32>} : memref<80x128xf32, #tpu.memory_space<vmem>>, vector<16xf32>,
      %get3A_41 = arith.index_cast %scan3A_15 : i32 to index
      %get3A_42 = arith.constant 64 : index
      %get3A_43 = tpu.vector_load %arg7[%get3A_41, %get3A_42] {strides = array<i32>} : memref<80x128xi32, #tpu.memory_space<vmem>>, vector<16xi32>,
      %gather3A_44 = tpu.vector_load_idx %arg9[%get3A_43] : memref<10240xf32, #tpu.memory_space<vmem>>[vector<16xi32>], vector<16xf32>,
      %swap3A_45 = arith.index_cast %scan3A_15 : i32 to index
      %swap3A_46 = arith.constant 64 : index
      %swap3A_47 = tpu.vector_load %arg10[%swap3A_45, %swap3A_46] {strides = array<i32>} : memref<80x128xf32, #tpu.memory_space<vmem>>, vector<16xf32>,
      tpu.vector_store %arg10[%swap3A_45, %swap3A_46], %gather3A_44 {strides = array<i32>} : memref<80x128xf32, #tpu.memory_space<vmem>>, vector<16xf32>,
      %get3A_48 = arith.index_cast %scan3A_15 : i32 to index
      %get3A_49 = arith.constant 80 : index
      %get3A_50 = tpu.vector_load %arg7[%get3A_48, %get3A_49] {strides = array<i32>} : memref<80x128xi32, #tpu.memory_space<vmem>>, vector<16xi32>,
      %gather3A_51 = tpu.vector_load_idx %arg9[%get3A_50] : memref<10240xf32, #tpu.memory_space<vmem>>[vector<16xi32>], vector<16xf32>,
      %swap3A_52 = arith.index_cast %scan3A_15 : i32 to index
      %swap3A_53 = arith.constant 80 : index
      %swap3A_54 = tpu.vector_load %arg10[%swap3A_52, %swap3A_53] {strides = array<i32>} : memref<80x128xf32, #tpu.memory_space<vmem>>, vector<16xf32>,
      tpu.vector_store %arg10[%swap3A_52, %swap3A_53], %gather3A_51 {strides = array<i32>} : memref<80x128xf32, #tpu.memory_space<vmem>>, vector<16xf32>,
      %get3A_55 = arith.index_cast %scan3A_15 : i32 to index
      %get3A_56 = arith.constant 96 : index
      %get3A_57 = tpu.vector_load %arg7[%get3A_55, %get3A_56] {strides = array<i32>} : memref<80x128xi32, #tpu.memory_space<vmem>>, vector<16xi32>,
      %gather3A_58 = tpu.vector_load_idx %arg9[%get3A_57] : memref<10240xf32, #tpu.memory_space<vmem>>[vector<16xi32>], vector<16xf32>,
      %swap3A_59 = arith.index_cast %scan3A_15 : i32 to index
      %swap3A_60 = arith.constant 96 : index
      %swap3A_61 = tpu.vector_load %arg10[%swap3A_59, %swap3A_60] {strides = array<i32>} : memref<80x128xf32, #tpu.memory_space<vmem>>, vector<16xf32>,
      tpu.vector_store %arg10[%swap3A_59, %swap3A_60], %gather3A_58 {strides = array<i32>} : memref<80x128xf32, #tpu.memory_space<vmem>>, vector<16xf32>,
      %get3A_62 = arith.index_cast %scan3A_15 : i32 to index
      %get3A_63 = arith.constant 112 : index
      %get3A_64 = tpu.vector_load %arg7[%get3A_62, %get3A_63] {strides = array<i32>} : memref<80x128xi32, #tpu.memory_space<vmem>>, vector<16xi32>,
      %gather3A_65 = tpu.vector_load_idx %arg9[%get3A_64] : memref<10240xf32, #tpu.memory_space<vmem>>[vector<16xi32>], vector<16xf32>,
      %swap3A_66 = arith.index_cast %scan3A_15 : i32 to index
      %swap3A_67 = arith.constant 112 : index
      %swap3A_68 = tpu.vector_load %arg10[%swap3A_66, %swap3A_67] {strides = array<i32>} : memref<80x128xf32, #tpu.memory_space<vmem>>, vector<16xf32>,
      tpu.vector_store %arg10[%swap3A_66, %swap3A_67], %gather3A_65 {strides = array<i32>} : memref<80x128xf32, #tpu.memory_space<vmem>>, vector<16xf32>,
    }
    %scan3A_7 = arith.constant 80 : i32
    %barrier3A = arith.constant 0 : index
    tpu.barrier barrier_id(%barrier3A)
    %scan3A_8 = arith.constant 0 : i32
    %scan3A_9 = arith.constant 0 : i32
    %scan3A_10 = arith.constant 10 : i32
    %scan3A_11 = arith.addi %scan3A_9, %scan3A_10 : i32
    %scan3A_12 = arith.constant 1 : i32
    scf.for %scan3A_15 = %scan3A_9 to %scan3A_11 step %scan3A_12  : i32 {
      %mul3A_16 = arith.constant 8 : i32
      %mul3A_17 = arith.muli %scan3A_15, %mul3A_16 : i32
      %add3A_18 = arith.constant 0 : i32
      %add3A_19 = arith.addi %mul3A_17, %add3A_18 : i32
      %mul3A_20 = arith.constant 8 : i32
      %mul3A_21 = arith.muli %scan3A_15, %mul3A_20 : i32
      %add3A_22 = arith.constant 0 : i32
      %add3A_23 = arith.addi %mul3A_21, %add3A_22 : i32
      %dma_start3A = arith.constant 0 : i32
      %dma_start3A_24 = tpu.memref_slice %arg10[%add3A_19, %dma_start3A] : memref<80x128xf32, #tpu.memory_space<vmem>> -> memref<1x128xf32, #tpu.memory_space<vmem>>
      %dma_start3A_25 = tpu.memref_squeeze %dma_start3A_24 : memref<1x128xf32, #tpu.memory_space<vmem>> -> memref<128xf32, #tpu.memory_space<vmem>>
      %dma_start3A_26 = arith.constant 0 : i32
      %dma_start3A_27 = tpu.memref_slice %arg8[%add3A_23, %dma_start3A_26] : memref<80x128xi32, #tpu.memory_space<vmem>> -> memref<1x128xi32, #tpu.memory_space<vmem>>
      %dma_start3A_28 = tpu.memref_squeeze %dma_start3A_27 : memref<1x128xi32, #tpu.memory_space<vmem>> -> memref<128xi32, #tpu.memory_space<vmem>>
      %dma_start3A_29 = arith.constant 0 : i32
      %dma_start3A_30 = tpu.memref_slice %arg11[%dma_start3A_29] : memref<10240xf32, #tpu.memory_space<vmem_shared>> -> memref<10240xf32, #tpu.memory_space<vmem_shared>>
      tpu.enqueue_indirect_dma source(%dma_start3A_25 : memref<128xf32, #tpu.memory_space<vmem>>) target(%dma_start3A_30 : memref<10240xf32, #tpu.memory_space<vmem_shared>>) offsets(%dma_start3A_28 : memref<128xi32, #tpu.memory_space<vmem>>) semaphore(%arg12 : memref<!tpu.dma_semaphore, #tpu.memory_space<semaphore_mem>>) {add = true}
      %mul3A_31 = arith.constant 8 : i32
      %mul3A_32 = arith.muli %scan3A_15, %mul3A_31 : i32
      %add3A_33 = arith.constant 1 : i32
      %add3A_34 = arith.addi %mul3A_32, %add3A_33 : i32
      %mul3A_35 = arith.constant 8 : i32
      %mul3A_36 = arith.muli %scan3A_15, %mul3A_35 : i32
      %add3A_37 = arith.constant 1 : i32
      %add3A_38 = arith.addi %mul3A_36, %add3A_37 : i32
      %dma_start3A_39 = arith.constant 0 : i32
      %dma_start3A_40 = tpu.memref_slice %arg10[%add3A_34, %dma_start3A_39] : memref<80x128xf32, #tpu.memory_space<vmem>> -> memref<1x128xf32, #tpu.memory_space<vmem>>
      %dma_start3A_41 = tpu.memref_squeeze %dma_start3A_40 : memref<1x128xf32, #tpu.memory_space<vmem>> -> memref<128xf32, #tpu.memory_space<vmem>>
      %dma_start3A_42 = arith.constant 0 : i32
      %dma_start3A_43 = tpu.memref_slice %arg8[%add3A_38, %dma_start3A_42] : memref<80x128xi32, #tpu.memory_space<vmem>> -> memref<1x128xi32, #tpu.memory_space<vmem>>
      %dma_start3A_44 = tpu.memref_squeeze %dma_start3A_43 : memref<1x128xi32, #tpu.memory_space<vmem>> -> memref<128xi32, #tpu.memory_space<vmem>>
      %dma_start3A_45 = arith.constant 0 : i32
      %dma_start3A_46 = tpu.memref_slice %arg11[%dma_start3A_45] : memref<10240xf32, #tpu.memory_space<vmem_shared>> -> memref<10240xf32, #tpu.memory_space<vmem_shared>>
      tpu.enqueue_indirect_dma source(%dma_start3A_41 : memref<128xf32, #tpu.memory_space<vmem>>) target(%dma_start3A_46 : memref<10240xf32, #tpu.memory_space<vmem_shared>>) offsets(%dma_start3A_44 : memref<128xi32, #tpu.memory_space<vmem>>) semaphore(%arg12 : memref<!tpu.dma_semaphore, #tpu.memory_space<semaphore_mem>>) {add = true}
      %mul3A_47 = arith.constant 8 : i32
      %mul3A_48 = arith.muli %scan3A_15, %mul3A_47 : i32
      %add3A_49 = arith.constant 2 : i32
      %add3A_50 = arith.addi %mul3A_48, %add3A_49 : i32
      %mul3A_51 = arith.constant 8 : i32
      %mul3A_52 = arith.muli %scan3A_15, %mul3A_51 : i32
      %add3A_53 = arith.constant 2 : i32
      %add3A_54 = arith.addi %mul3A_52, %add3A_53 : i32
      %dma_start3A_55 = arith.constant 0 : i32
      %dma_start3A_56 = tpu.memref_slice %arg10[%add3A_50, %dma_start3A_55] : memref<80x128xf32, #tpu.memory_space<vmem>> -> memref<1x128xf32, #tpu.memory_space<vmem>>
      %dma_start3A_57 = tpu.memref_squeeze %dma_start3A_56 : memref<1x128xf32, #tpu.memory_space<vmem>> -> memref<128xf32, #tpu.memory_space<vmem>>
      %dma_start3A_58 = arith.constant 0 : i32
      %dma_start3A_59 = tpu.memref_slice %arg8[%add3A_54, %dma_start3A_58] : memref<80x128xi32, #tpu.memory_space<vmem>> -> memref<1x128xi32, #tpu.memory_space<vmem>>
      %dma_start3A_60 = tpu.memref_squeeze %dma_start3A_59 : memref<1x128xi32, #tpu.memory_space<vmem>> -> memref<128xi32, #tpu.memory_space<vmem>>
      %dma_start3A_61 = arith.constant 0 : i32
      %dma_start3A_62 = tpu.memref_slice %arg11[%dma_start3A_61] : memref<10240xf32, #tpu.memory_space<vmem_shared>> -> memref<10240xf32, #tpu.memory_space<vmem_shared>>
      tpu.enqueue_indirect_dma source(%dma_start3A_57 : memref<128xf32, #tpu.memory_space<vmem>>) target(%dma_start3A_62 : memref<10240xf32, #tpu.memory_space<vmem_shared>>) offsets(%dma_start3A_60 : memref<128xi32, #tpu.memory_space<vmem>>) semaphore(%arg12 : memref<!tpu.dma_semaphore, #tpu.memory_space<semaphore_mem>>) {add = true}
      %mul3A_63 = arith.constant 8 : i32
      %mul3A_64 = arith.muli %scan3A_15, %mul3A_63 : i32
      %add3A_65 = arith.constant 3 : i32
      %add3A_66 = arith.addi %mul3A_64, %add3A_65 : i32
      %mul3A_67 = arith.constant 8 : i32
      %mul3A_68 = arith.muli %scan3A_15, %mul3A_67 : i32
      %add3A_69 = arith.constant 3 : i32
      %add3A_70 = arith.addi %mul3A_68, %add3A_69 : i32
      %dma_start3A_71 = arith.constant 0 : i32
      %dma_start3A_72 = tpu.memref_slice %arg10[%add3A_66, %dma_start3A_71] : memref<80x128xf32, #tpu.memory_space<vmem>> -> memref<1x128xf32, #tpu.memory_space<vmem>>
      %dma_start3A_73 = tpu.memref_squeeze %dma_start3A_72 : memref<1x128xf32, #tpu.memory_space<vmem>> -> memref<128xf32, #tpu.memory_space<vmem>>
      %dma_start3A_74 = arith.constant 0 : i32
      %dma_start3A_75 = tpu.memref_slice %arg8[%add3A_70, %dma_start3A_74] : memref<80x128xi32, #tpu.memory_space<vmem>> -> memref<1x128xi32, #tpu.memory_space<vmem>>
      %dma_start3A_76 = tpu.memref_squeeze %dma_start3A_75 : memref<1x128xi32, #tpu.memory_space<vmem>> -> memref<128xi32, #tpu.memory_space<vmem>>
      %dma_start3A_77 = arith.constant 0 : i32
      %dma_start3A_78 = tpu.memref_slice %arg11[%dma_start3A_77] : memref<10240xf32, #tpu.memory_space<vmem_shared>> -> memref<10240xf32, #tpu.memory_space<vmem_shared>>
      tpu.enqueue_indirect_dma source(%dma_start3A_73 : memref<128xf32, #tpu.memory_space<vmem>>) target(%dma_start3A_78 : memref<10240xf32, #tpu.memory_space<vmem_shared>>) offsets(%dma_start3A_76 : memref<128xi32, #tpu.memory_space<vmem>>) semaphore(%arg12 : memref<!tpu.dma_semaphore, #tpu.memory_space<semaphore_mem>>) {add = true}
      %mul3A_79 = arith.constant 8 : i32
      %mul3A_80 = arith.muli %scan3A_15, %mul3A_79 : i32
      %add3A_81 = arith.constant 4 : i32
      %add3A_82 = arith.addi %mul3A_80, %add3A_81 : i32
      %mul3A_83 = arith.constant 8 : i32
      %mul3A_84 = arith.muli %scan3A_15, %mul3A_83 : i32
      %add3A_85 = arith.constant 4 : i32
      %add3A_86 = arith.addi %mul3A_84, %add3A_85 : i32
      %dma_start3A_87 = arith.constant 0 : i32
      %dma_start3A_88 = tpu.memref_slice %arg10[%add3A_82, %dma_start3A_87] : memref<80x128xf32, #tpu.memory_space<vmem>> -> memref<1x128xf32, #tpu.memory_space<vmem>>
      %dma_start3A_89 = tpu.memref_squeeze %dma_start3A_88 : memref<1x128xf32, #tpu.memory_space<vmem>> -> memref<128xf32, #tpu.memory_space<vmem>>
      %dma_start3A_90 = arith.constant 0 : i32
      %dma_start3A_91 = tpu.memref_slice %arg8[%add3A_86, %dma_start3A_90] : memref<80x128xi32, #tpu.memory_space<vmem>> -> memref<1x128xi32, #tpu.memory_space<vmem>>
      %dma_start3A_92 = tpu.memref_squeeze %dma_start3A_91 : memref<1x128xi32, #tpu.memory_space<vmem>> -> memref<128xi32, #tpu.memory_space<vmem>>
      %dma_start3A_93 = arith.constant 0 : i32
      %dma_start3A_94 = tpu.memref_slice %arg11[%dma_start3A_93] : memref<10240xf32, #tpu.memory_space<vmem_shared>> -> memref<10240xf32, #tpu.memory_space<vmem_shared>>
      tpu.enqueue_indirect_dma source(%dma_start3A_89 : memref<128xf32, #tpu.memory_space<vmem>>) target(%dma_start3A_94 : memref<10240xf32, #tpu.memory_space<vmem_shared>>) offsets(%dma_start3A_92 : memref<128xi32, #tpu.memory_space<vmem>>) semaphore(%arg12 : memref<!tpu.dma_semaphore, #tpu.memory_space<semaphore_mem>>) {add = true}
      %mul3A_95 = arith.constant 8 : i32
      %mul3A_96 = arith.muli %scan3A_15, %mul3A_95 : i32
      %add3A_97 = arith.constant 5 : i32
      %add3A_98 = arith.addi %mul3A_96, %add3A_97 : i32
      %mul3A_99 = arith.constant 8 : i32
      %mul3A_100 = arith.muli %scan3A_15, %mul3A_99 : i32
      %add3A_101 = arith.constant 5 : i32
      %add3A_102 = arith.addi %mul3A_100, %add3A_101 : i32
      %dma_start3A_103 = arith.constant 0 : i32
      %dma_start3A_104 = tpu.memref_slice %arg10[%add3A_98, %dma_start3A_103] : memref<80x128xf32, #tpu.memory_space<vmem>> -> memref<1x128xf32, #tpu.memory_space<vmem>>
      %dma_start3A_105 = tpu.memref_squeeze %dma_start3A_104 : memref<1x128xf32, #tpu.memory_space<vmem>> -> memref<128xf32, #tpu.memory_space<vmem>>
      %dma_start3A_106 = arith.constant 0 : i32
      %dma_start3A_107 = tpu.memref_slice %arg8[%add3A_102, %dma_start3A_106] : memref<80x128xi32, #tpu.memory_space<vmem>> -> memref<1x128xi32, #tpu.memory_space<vmem>>
      %dma_start3A_108 = tpu.memref_squeeze %dma_start3A_107 : memref<1x128xi32, #tpu.memory_space<vmem>> -> memref<128xi32, #tpu.memory_space<vmem>>
      %dma_start3A_109 = arith.constant 0 : i32
      %dma_start3A_110 = tpu.memref_slice %arg11[%dma_start3A_109] : memref<10240xf32, #tpu.memory_space<vmem_shared>> -> memref<10240xf32, #tpu.memory_space<vmem_shared>>
      tpu.enqueue_indirect_dma source(%dma_start3A_105 : memref<128xf32, #tpu.memory_space<vmem>>) target(%dma_start3A_110 : memref<10240xf32, #tpu.memory_space<vmem_shared>>) offsets(%dma_start3A_108 : memref<128xi32, #tpu.memory_space<vmem>>) semaphore(%arg12 : memref<!tpu.dma_semaphore, #tpu.memory_space<semaphore_mem>>) {add = true}
      %mul3A_111 = arith.constant 8 : i32
      %mul3A_112 = arith.muli %scan3A_15, %mul3A_111 : i32
      %add3A_113 = arith.constant 6 : i32
      %add3A_114 = arith.addi %mul3A_112, %add3A_113 : i32
      %mul3A_115 = arith.constant 8 : i32
      %mul3A_116 = arith.muli %scan3A_15, %mul3A_115 : i32
      %add3A_117 = arith.constant 6 : i32
      %add3A_118 = arith.addi %mul3A_116, %add3A_117 : i32
      %dma_start3A_119 = arith.constant 0 : i32
      %dma_start3A_120 = tpu.memref_slice %arg10[%add3A_114, %dma_start3A_119] : memref<80x128xf32, #tpu.memory_space<vmem>> -> memref<1x128xf32, #tpu.memory_space<vmem>>
      %dma_start3A_121 = tpu.memref_squeeze %dma_start3A_120 : memref<1x128xf32, #tpu.memory_space<vmem>> -> memref<128xf32, #tpu.memory_space<vmem>>
      %dma_start3A_122 = arith.constant 0 : i32
      %dma_start3A_123 = tpu.memref_slice %arg8[%add3A_118, %dma_start3A_122] : memref<80x128xi32, #tpu.memory_space<vmem>> -> memref<1x128xi32, #tpu.memory_space<vmem>>
      %dma_start3A_124 = tpu.memref_squeeze %dma_start3A_123 : memref<1x128xi32, #tpu.memory_space<vmem>> -> memref<128xi32, #tpu.memory_space<vmem>>
      %dma_start3A_125 = arith.constant 0 : i32
      %dma_start3A_126 = tpu.memref_slice %arg11[%dma_start3A_125] : memref<10240xf32, #tpu.memory_space<vmem_shared>> -> memref<10240xf32, #tpu.memory_space<vmem_shared>>
      tpu.enqueue_indirect_dma source(%dma_start3A_121 : memref<128xf32, #tpu.memory_space<vmem>>) target(%dma_start3A_126 : memref<10240xf32, #tpu.memory_space<vmem_shared>>) offsets(%dma_start3A_124 : memref<128xi32, #tpu.memory_space<vmem>>) semaphore(%arg12 : memref<!tpu.dma_semaphore, #tpu.memory_space<semaphore_mem>>) {add = true}
      %mul3A_127 = arith.constant 8 : i32
      %mul3A_128 = arith.muli %scan3A_15, %mul3A_127 : i32
      %add3A_129 = arith.constant 7 : i32
      %add3A_130 = arith.addi %mul3A_128, %add3A_129 : i32
      %mul3A_131 = arith.constant 8 : i32
      %mul3A_132 = arith.muli %scan3A_15, %mul3A_131 : i32
      %add3A_133 = arith.constant 7 : i32
      %add3A_134 = arith.addi %mul3A_132, %add3A_133 : i32
      %dma_start3A_135 = arith.constant 0 : i32
      %dma_start3A_136 = tpu.memref_slice %arg10[%add3A_130, %dma_start3A_135] : memref<80x128xf32, #tpu.memory_space<vmem>> -> memref<1x128xf32, #tpu.memory_space<vmem>>
      %dma_start3A_137 = tpu.memref_squeeze %dma_start3A_136 : memref<1x128xf32, #tpu.memory_space<vmem>> -> memref<128xf32, #tpu.memory_space<vmem>>
      %dma_start3A_138 = arith.constant 0 : i32
      %dma_start3A_139 = tpu.memref_slice %arg8[%add3A_134, %dma_start3A_138] : memref<80x128xi32, #tpu.memory_space<vmem>> -> memref<1x128xi32, #tpu.memory_space<vmem>>
      %dma_start3A_140 = tpu.memref_squeeze %dma_start3A_139 : memref<1x128xi32, #tpu.memory_space<vmem>> -> memref<128xi32, #tpu.memory_space<vmem>>
      %dma_start3A_141 = arith.constant 0 : i32
      %dma_start3A_142 = tpu.memref_slice %arg11[%dma_start3A_141] : memref<10240xf32, #tpu.memory_space<vmem_shared>> -> memref<10240xf32, #tpu.memory_space<vmem_shared>>
      tpu.enqueue_indirect_dma source(%dma_start3A_137 : memref<128xf32, #tpu.memory_space<vmem>>) target(%dma_start3A_142 : memref<10240xf32, #tpu.memory_space<vmem_shared>>) offsets(%dma_start3A_140 : memref<128xi32, #tpu.memory_space<vmem>>) semaphore(%arg12 : memref<!tpu.dma_semaphore, #tpu.memory_space<semaphore_mem>>) {add = true}
      %dma_wait3A = arith.constant 0 : i32
      %dma_wait3A_143 = tpu.memref_slice %arg10[%add3A_19, %dma_wait3A] : memref<80x128xf32, #tpu.memory_space<vmem>> -> memref<1x128xf32, #tpu.memory_space<vmem>>
      %dma_wait3A_144 = tpu.memref_squeeze %dma_wait3A_143 : memref<1x128xf32, #tpu.memory_space<vmem>> -> memref<128xf32, #tpu.memory_space<vmem>>
      %dma_wait3A_145 = arith.constant 0 : i32
      %dma_wait3A_146 = tpu.memref_slice %arg8[%add3A_23, %dma_wait3A_145] : memref<80x128xi32, #tpu.memory_space<vmem>> -> memref<1x128xi32, #tpu.memory_space<vmem>>
      %dma_wait3A_147 = tpu.memref_squeeze %dma_wait3A_146 : memref<1x128xi32, #tpu.memory_space<vmem>> -> memref<128xi32, #tpu.memory_space<vmem>>
      %dma_wait3A_148 = arith.constant 0 : i32
      %dma_wait3A_149 = tpu.memref_slice %arg11[%dma_wait3A_148] : memref<10240xf32, #tpu.memory_space<vmem_shared>> -> memref<10240xf32, #tpu.memory_space<vmem_shared>>
      tpu.wait_indirect_dma semaphore(%arg12 : memref<!tpu.dma_semaphore, #tpu.memory_space<semaphore_mem>>) src(%dma_wait3A_144 : memref<128xf32, #tpu.memory_space<vmem>>) dst(%dma_wait3A_149 : memref<10240xf32, #tpu.memory_space<vmem_shared>>)
      %dma_wait3A_150 = arith.constant 0 : i32
      %dma_wait3A_151 = tpu.memref_slice %arg10[%add3A_34, %dma_wait3A_150] : memref<80x128xf32, #tpu.memory_space<vmem>> -> memref<1x128xf32, #tpu.memory_space<vmem>>
      %dma_wait3A_152 = tpu.memref_squeeze %dma_wait3A_151 : memref<1x128xf32, #tpu.memory_space<vmem>> -> memref<128xf32, #tpu.memory_space<vmem>>
      %dma_wait3A_153 = arith.constant 0 : i32
      %dma_wait3A_154 = tpu.memref_slice %arg8[%add3A_38, %dma_wait3A_153] : memref<80x128xi32, #tpu.memory_space<vmem>> -> memref<1x128xi32, #tpu.memory_space<vmem>>
      %dma_wait3A_155 = tpu.memref_squeeze %dma_wait3A_154 : memref<1x128xi32, #tpu.memory_space<vmem>> -> memref<128xi32, #tpu.memory_space<vmem>>
      %dma_wait3A_156 = arith.constant 0 : i32
      %dma_wait3A_157 = tpu.memref_slice %arg11[%dma_wait3A_156] : memref<10240xf32, #tpu.memory_space<vmem_shared>> -> memref<10240xf32, #tpu.memory_space<vmem_shared>>
      tpu.wait_indirect_dma semaphore(%arg12 : memref<!tpu.dma_semaphore, #tpu.memory_space<semaphore_mem>>) src(%dma_wait3A_152 : memref<128xf32, #tpu.memory_space<vmem>>) dst(%dma_wait3A_157 : memref<10240xf32, #tpu.memory_space<vmem_shared>>)
      %dma_wait3A_158 = arith.constant 0 : i32
      %dma_wait3A_159 = tpu.memref_slice %arg10[%add3A_50, %dma_wait3A_158] : memref<80x128xf32, #tpu.memory_space<vmem>> -> memref<1x128xf32, #tpu.memory_space<vmem>>
      %dma_wait3A_160 = tpu.memref_squeeze %dma_wait3A_159 : memref<1x128xf32, #tpu.memory_space<vmem>> -> memref<128xf32, #tpu.memory_space<vmem>>
      %dma_wait3A_161 = arith.constant 0 : i32
      %dma_wait3A_162 = tpu.memref_slice %arg8[%add3A_54, %dma_wait3A_161] : memref<80x128xi32, #tpu.memory_space<vmem>> -> memref<1x128xi32, #tpu.memory_space<vmem>>
      %dma_wait3A_163 = tpu.memref_squeeze %dma_wait3A_162 : memref<1x128xi32, #tpu.memory_space<vmem>> -> memref<128xi32, #tpu.memory_space<vmem>>
      %dma_wait3A_164 = arith.constant 0 : i32
      %dma_wait3A_165 = tpu.memref_slice %arg11[%dma_wait3A_164] : memref<10240xf32, #tpu.memory_space<vmem_shared>> -> memref<10240xf32, #tpu.memory_space<vmem_shared>>
      tpu.wait_indirect_dma semaphore(%arg12 : memref<!tpu.dma_semaphore, #tpu.memory_space<semaphore_mem>>) src(%dma_wait3A_160 : memref<128xf32, #tpu.memory_space<vmem>>) dst(%dma_wait3A_165 : memref<10240xf32, #tpu.memory_space<vmem_shared>>)
      %dma_wait3A_166 = arith.constant 0 : i32
      %dma_wait3A_167 = tpu.memref_slice %arg10[%add3A_66, %dma_wait3A_166] : memref<80x128xf32, #tpu.memory_space<vmem>> -> memref<1x128xf32, #tpu.memory_space<vmem>>
      %dma_wait3A_168 = tpu.memref_squeeze %dma_wait3A_167 : memref<1x128xf32, #tpu.memory_space<vmem>> -> memref<128xf32, #tpu.memory_space<vmem>>
      %dma_wait3A_169 = arith.constant 0 : i32
      %dma_wait3A_170 = tpu.memref_slice %arg8[%add3A_70, %dma_wait3A_169] : memref<80x128xi32, #tpu.memory_space<vmem>> -> memref<1x128xi32, #tpu.memory_space<vmem>>
      %dma_wait3A_171 = tpu.memref_squeeze %dma_wait3A_170 : memref<1x128xi32, #tpu.memory_space<vmem>> -> memref<128xi32, #tpu.memory_space<vmem>>
      %dma_wait3A_172 = arith.constant 0 : i32
      %dma_wait3A_173 = tpu.memref_slice %arg11[%dma_wait3A_172] : memref<10240xf32, #tpu.memory_space<vmem_shared>> -> memref<10240xf32, #tpu.memory_space<vmem_shared>>
      tpu.wait_indirect_dma semaphore(%arg12 : memref<!tpu.dma_semaphore, #tpu.memory_space<semaphore_mem>>) src(%dma_wait3A_168 : memref<128xf32, #tpu.memory_space<vmem>>) dst(%dma_wait3A_173 : memref<10240xf32, #tpu.memory_space<vmem_shared>>)
      %dma_wait3A_174 = arith.constant 0 : i32
      %dma_wait3A_175 = tpu.memref_slice %arg10[%add3A_82, %dma_wait3A_174] : memref<80x128xf32, #tpu.memory_space<vmem>> -> memref<1x128xf32, #tpu.memory_space<vmem>>
      %dma_wait3A_176 = tpu.memref_squeeze %dma_wait3A_175 : memref<1x128xf32, #tpu.memory_space<vmem>> -> memref<128xf32, #tpu.memory_space<vmem>>
      %dma_wait3A_177 = arith.constant 0 : i32
      %dma_wait3A_178 = tpu.memref_slice %arg8[%add3A_86, %dma_wait3A_177] : memref<80x128xi32, #tpu.memory_space<vmem>> -> memref<1x128xi32, #tpu.memory_space<vmem>>
      %dma_wait3A_179 = tpu.memref_squeeze %dma_wait3A_178 : memref<1x128xi32, #tpu.memory_space<vmem>> -> memref<128xi32, #tpu.memory_space<vmem>>
      %dma_wait3A_180 = arith.constant 0 : i32
      %dma_wait3A_181 = tpu.memref_slice %arg11[%dma_wait3A_180] : memref<10240xf32, #tpu.memory_space<vmem_shared>> -> memref<10240xf32, #tpu.memory_space<vmem_shared>>
      tpu.wait_indirect_dma semaphore(%arg12 : memref<!tpu.dma_semaphore, #tpu.memory_space<semaphore_mem>>) src(%dma_wait3A_176 : memref<128xf32, #tpu.memory_space<vmem>>) dst(%dma_wait3A_181 : memref<10240xf32, #tpu.memory_space<vmem_shared>>)
      %dma_wait3A_182 = arith.constant 0 : i32
      %dma_wait3A_183 = tpu.memref_slice %arg10[%add3A_98, %dma_wait3A_182] : memref<80x128xf32, #tpu.memory_space<vmem>> -> memref<1x128xf32, #tpu.memory_space<vmem>>
      %dma_wait3A_184 = tpu.memref_squeeze %dma_wait3A_183 : memref<1x128xf32, #tpu.memory_space<vmem>> -> memref<128xf32, #tpu.memory_space<vmem>>
      %dma_wait3A_185 = arith.constant 0 : i32
      %dma_wait3A_186 = tpu.memref_slice %arg8[%add3A_102, %dma_wait3A_185] : memref<80x128xi32, #tpu.memory_space<vmem>> -> memref<1x128xi32, #tpu.memory_space<vmem>>
      %dma_wait3A_187 = tpu.memref_squeeze %dma_wait3A_186 : memref<1x128xi32, #tpu.memory_space<vmem>> -> memref<128xi32, #tpu.memory_space<vmem>>
      %dma_wait3A_188 = arith.constant 0 : i32
      %dma_wait3A_189 = tpu.memref_slice %arg11[%dma_wait3A_188] : memref<10240xf32, #tpu.memory_space<vmem_shared>> -> memref<10240xf32, #tpu.memory_space<vmem_shared>>
      tpu.wait_indirect_dma semaphore(%arg12 : memref<!tpu.dma_semaphore, #tpu.memory_space<semaphore_mem>>) src(%dma_wait3A_184 : memref<128xf32, #tpu.memory_space<vmem>>) dst(%dma_wait3A_189 : memref<10240xf32, #tpu.memory_space<vmem_shared>>)
      %dma_wait3A_190 = arith.constant 0 : i32
      %dma_wait3A_191 = tpu.memref_slice %arg10[%add3A_114, %dma_wait3A_190] : memref<80x128xf32, #tpu.memory_space<vmem>> -> memref<1x128xf32, #tpu.memory_space<vmem>>
      %dma_wait3A_192 = tpu.memref_squeeze %dma_wait3A_191 : memref<1x128xf32, #tpu.memory_space<vmem>> -> memref<128xf32, #tpu.memory_space<vmem>>
      %dma_wait3A_193 = arith.constant 0 : i32
      %dma_wait3A_194 = tpu.memref_slice %arg8[%add3A_118, %dma_wait3A_193] : memref<80x128xi32, #tpu.memory_space<vmem>> -> memref<1x128xi32, #tpu.memory_space<vmem>>
      %dma_wait3A_195 = tpu.memref_squeeze %dma_wait3A_194 : memref<1x128xi32, #tpu.memory_space<vmem>> -> memref<128xi32, #tpu.memory_space<vmem>>
      %dma_wait3A_196 = arith.constant 0 : i32
      %dma_wait3A_197 = tpu.memref_slice %arg11[%dma_wait3A_196] : memref<10240xf32, #tpu.memory_space<vmem_shared>> -> memref<10240xf32, #tpu.memory_space<vmem_shared>>
      tpu.wait_indirect_dma semaphore(%arg12 : memref<!tpu.dma_semaphore, #tpu.memory_space<semaphore_mem>>) src(%dma_wait3A_192 : memref<128xf32, #tpu.memory_space<vmem>>) dst(%dma_wait3A_197 : memref<10240xf32, #tpu.memory_space<vmem_shared>>)
      %dma_wait3A_198 = arith.constant 0 : i32
      %dma_wait3A_199 = tpu.memref_slice %arg10[%add3A_130, %dma_wait3A_198] : memref<80x128xf32, #tpu.memory_space<vmem>> -> memref<1x128xf32, #tpu.memory_space<vmem>>
      %dma_wait3A_200 = tpu.memref_squeeze %dma_wait3A_199 : memref<1x128xf32, #tpu.memory_space<vmem>> -> memref<128xf32, #tpu.memory_space<vmem>>
      %dma_wait3A_201 = arith.constant 0 : i32
      %dma_wait3A_202 = tpu.memref_slice %arg8[%add3A_134, %dma_wait3A_201] : memref<80x128xi32, #tpu.memory_space<vmem>> -> memref<1x128xi32, #tpu.memory_space<vmem>>
      %dma_wait3A_203 = tpu.memref_squeeze %dma_wait3A_202 : memref<1x128xi32, #tpu.memory_space<vmem>> -> memref<128xi32, #tpu.memory_space<vmem>>
      %dma_wait3A_204 = arith.constant 0 : i32
      %dma_wait3A_205 = tpu.memref_slice %arg11[%dma_wait3A_204] : memref<10240xf32, #tpu.memory_space<vmem_shared>> -> memref<10240xf32, #tpu.memory_space<vmem_shared>>
      tpu.wait_indirect_dma semaphore(%arg12 : memref<!tpu.dma_semaphore, #tpu.memory_space<semaphore_mem>>) src(%dma_wait3A_200 : memref<128xf32, #tpu.memory_space<vmem>>) dst(%dma_wait3A_205 : memref<10240xf32, #tpu.memory_space<vmem_shared>>)
    }
    %scan3A_13 = arith.constant 10 : i32
    %barrier3A_14 = arith.constant 0 : index
    tpu.barrier barrier_id(%barrier3A_14)
    "tpu.region"() ({
      %run_scoped3A = tpu.sem_alloc : memref<!tpu.dma_semaphore, #tpu.memory_space<semaphore_mem>>
      %dma_start3A = tpu.memref_slice %arg6[%arg0, %mul3A_2] : memref<2x10240xf32, #tpu.memory_space<hbm>> -> memref<1x640xf32, #tpu.memory_space<hbm>>
      %dma_start3A_15 = tpu.memref_squeeze %dma_start3A : memref<1x640xf32, #tpu.memory_space<hbm>> -> memref<640xf32, #tpu.memory_space<hbm>>
      %dma_start3A_16 = tpu.memref_slice %arg11[%mul3A_2] : memref<10240xf32, #tpu.memory_space<vmem_shared>> -> memref<640xf32, #tpu.memory_space<vmem_shared>>
      tpu.enqueue_dma source(%dma_start3A_16 : memref<640xf32, #tpu.memory_space<vmem_shared>>) target(%dma_start3A_15 : memref<640xf32, #tpu.memory_space<hbm>>) target_semaphore(%run_scoped3A : memref<!tpu.dma_semaphore, #tpu.memory_space<semaphore_mem>>)
      %dma_wait3A = tpu.memref_slice %arg6[%arg0, %mul3A_2] : memref<2x10240xf32, #tpu.memory_space<hbm>> -> memref<1x640xf32, #tpu.memory_space<hbm>>
      %dma_wait3A_17 = tpu.memref_squeeze %dma_wait3A : memref<1x640xf32, #tpu.memory_space<hbm>> -> memref<640xf32, #tpu.memory_space<hbm>>
      %dma_wait3A_18 = tpu.memref_slice %arg11[%mul3A_2] : memref<10240xf32, #tpu.memory_space<vmem_shared>> -> memref<640xf32, #tpu.memory_space<vmem_shared>>
      tpu.wait_dma2 semaphore(%run_scoped3A : memref<!tpu.dma_semaphore, #tpu.memory_space<semaphore_mem>>) src(%dma_wait3A_18 : memref<640xf32, #tpu.memory_space<vmem_shared>>) dst(%dma_wait3A_17 : memref<640xf32, #tpu.memory_space<hbm>>)
      tpu.yield
    }) : () -> ()
    return
  }
}

module attributes {stable_mosaic.version = 14 : i64} {
  func.func @_tc1_body(%arg0: memref<10000x128xf32, #tpu.memory_space<vmem>>, %arg1: memref<32x128xf32, #tpu.memory_space<vmem>>, %arg2: memref<32x128xf32, #tpu.memory_space<vmem>>, %arg3: memref<10240x32xf32, #tpu.memory_space<vmem>>, %arg4: memref<32x10240xf32, #tpu.memory_space<vmem>>) attributes {dimension_semantics = [], scalar_prefetch = 0 : i64, scratch_operands = 0 : i64, tpu.core_type = #tpu.core_type<tc>} {
    %get3A = arith.constant 0 : index
    %get3A_0 = arith.constant 0 : index
    %get3A_1 = vector.load %arg0[%get3A, %get3A_0] : memref<10000x128xf32, #tpu.memory_space<vmem>>, vector<10000x128xf32>
    %get3A_2 = arith.constant 0 : index
    %get3A_3 = arith.constant 0 : index
    %get3A_4 = vector.load %arg1[%get3A_2, %get3A_3] : memref<32x128xf32, #tpu.memory_space<vmem>>, vector<32x128xf32>
    %dot_general3A = arith.constant dense<0.000000e+00> : vector<10000x32xf32>
    %dot_general3A_5 = tpu.matmul %get3A_1, %get3A_4, %dot_general3A {dimension_numbers = #tpu.dot_dimension_numbers<[1], [1], [0], [0], [0, 0, 1, 0], [], []>, transpose_lhs_hint = false} : vector<10000x128xf32>, vector<32x128xf32>, vector<10000x32xf32> -> vector<10000x32xf32>
    %swap3A = arith.constant 0 : index
    %swap3A_6 = arith.constant 0 : index
    %swap3A_7 = vector.load %arg3[%swap3A, %swap3A_6] : memref<10240x32xf32, #tpu.memory_space<vmem>>, vector<10000x32xf32>
    tpu.vector_store %arg3[%swap3A, %swap3A_6], %dot_general3A_5 {strides = array<i32>} : memref<10240x32xf32, #tpu.memory_space<vmem>>, vector<10000x32xf32>,
    %get3A_8 = arith.constant 0 : index
    %get3A_9 = arith.constant 0 : index
    %get3A_10 = vector.load %arg2[%get3A_8, %get3A_9] : memref<32x128xf32, #tpu.memory_space<vmem>>, vector<32x128xf32>
    %dot_general3A_11 = arith.constant dense<0.000000e+00> : vector<32x10000xf32>
    %dot_general3A_12 = tpu.matmul %get3A_10, %get3A_1, %dot_general3A_11 {dimension_numbers = #tpu.dot_dimension_numbers<[1], [1], [0], [0], [0, 0, 1, 0], [], []>, transpose_lhs_hint = false} : vector<32x128xf32>, vector<10000x128xf32>, vector<32x10000xf32> -> vector<32x10000xf32>
    %swap3A_13 = arith.constant 0 : index
    %swap3A_14 = arith.constant 0 : index
    %swap3A_15 = vector.load %arg4[%swap3A_13, %swap3A_14] : memref<32x10240xf32, #tpu.memory_space<vmem>>, vector<32x10000xf32>
    tpu.vector_store %arg4[%swap3A_13, %swap3A_14], %dot_general3A_12 {strides = array<i32>} : memref<32x10240xf32, #tpu.memory_space<vmem>>, vector<32x10000xf32>,
    return
  }
}

module attributes {stable_mosaic.version = 14 : i64} {
  func.func @_tc2_body(%arg0: memref<2x10240x32xf32, #tpu.memory_space<vmem>>, %arg1: memref<2x80x128xf32, #tpu.memory_space<vmem>>, %arg2: memref<32x80x128xf32, #tpu.memory_space<vmem>>, %arg3: memref<32x1x128xf32, #tpu.memory_space<vmem>>, %arg4: memref<32x1x128xf32, #tpu.memory_space<vmem>>, %arg5: memref<32x1x128xf32, #tpu.memory_space<vmem>>, %arg6: memref<1x1xf32, #tpu.memory_space<vmem>>, %arg7: memref<80x128xf32, #tpu.memory_space<vmem>>, %arg8: memref<80x128xf32, #tpu.memory_space<vmem>>, %arg9: memref<80x128xf32, #tpu.memory_space<vmem>>) attributes {dimension_semantics = [], scalar_prefetch = 0 : i64, scratch_operands = 0 : i64, tpu.core_type = #tpu.core_type<tc>} {
    %get3A = arith.constant 0 : index
    %get3A_0 = arith.constant 0 : index
    %get3A_1 = arith.constant 0 : index
    %get3A_2 = vector.load %arg1[%get3A, %get3A_0, %get3A_1] : memref<2x80x128xf32, #tpu.memory_space<vmem>>, vector<1x80x128xf32>
    %get3A_3 = vector.shape_cast %get3A_2 : vector<1x80x128xf32> to vector<80x128xf32>
    %get3A_4 = arith.constant 1 : index
    %get3A_5 = arith.constant 0 : index
    %get3A_6 = arith.constant 0 : index
    %get3A_7 = vector.load %arg1[%get3A_4, %get3A_5, %get3A_6] : memref<2x80x128xf32, #tpu.memory_space<vmem>>, vector<1x80x128xf32>
    %get3A_8 = vector.shape_cast %get3A_7 : vector<1x80x128xf32> to vector<80x128xf32>
    %add3A = arith.addf %get3A_3, %get3A_8 : vector<80x128xf32>
    %max3A = arith.constant 1.000000e+00 : f32
    %max3A_9 = vector.broadcast %max3A : f32 to vector<80x128xf32>
    %max3A_10 = arith.maximumf %add3A, %max3A_9 : vector<80x128xf32>
    %div3A = arith.constant 1.000000e+00 : f32
    %div3A_11 = vector.broadcast %div3A : f32 to vector<80x128xf32>
    %div3A_12 = arith.divf %div3A_11, %max3A_10 : vector<80x128xf32>
    %get3A_13 = arith.constant 0 : index
    %get3A_14 = arith.constant 0 : index
    %get3A_15 = arith.constant 0 : index
    %get3A_16 = vector.load %arg0[%get3A_13, %get3A_14, %get3A_15] : memref<2x10240x32xf32, #tpu.memory_space<vmem>>, vector<1x10240x32xf32>
    %get3A_17 = vector.shape_cast %get3A_16 : vector<1x10240x32xf32> to vector<10240x32xf32>
    %get3A_18 = arith.constant 1 : index
    %get3A_19 = arith.constant 0 : index
    %get3A_20 = arith.constant 0 : index
    %get3A_21 = vector.load %arg0[%get3A_18, %get3A_19, %get3A_20] : memref<2x10240x32xf32, #tpu.memory_space<vmem>>, vector<1x10240x32xf32>
    %get3A_22 = vector.shape_cast %get3A_21 : vector<1x10240x32xf32> to vector<10240x32xf32>
    %add3A_23 = arith.addf %get3A_17, %get3A_22 : vector<10240x32xf32>
    %iota3A = tpu.iota {dimensions = array<i32: 0>} : vector<32x32xi32>
    %iota3A_24 = tpu.iota {dimensions = array<i32: 1>} : vector<32x32xi32>
    %add3A_25 = arith.constant 0 : i32
    %add3A_26 = vector.broadcast %add3A_25 : i32 to vector<32x32xi32>
    %add3A_27 = arith.addi %iota3A, %add3A_26 : vector<32x32xi32>
    %eq3A = arith.cmpi eq, %add3A_27, %iota3A_24 : vector<32x32xi32>
    %convert_element_type3A = arith.extui %eq3A : vector<32x32xi1> to vector<32x32xi32>
    %convert_element_type3A_28 = arith.sitofp %convert_element_type3A : vector<32x32xi32> to vector<32x32xf32>
    %dot_general3A = arith.constant dense<0.000000e+00> : vector<32x10240xf32>
    %dot_general3A_29 = tpu.matmul %convert_element_type3A_28, %add3A_23, %dot_general3A {dimension_numbers = #tpu.dot_dimension_numbers<[1], [1], [0], [0], [0, 0, 1, 0], [], []>, transpose_lhs_hint = false} : vector<32x32xf32>, vector<10240x32xf32>, vector<32x10240xf32> -> vector<32x10240xf32>
    %reshape3A = vector.shape_cast %dot_general3A_29 : vector<32x10240xf32> to vector<32x80x128xf32>
    %broadcast_in_dim3A = vector.shape_cast %div3A_12 : vector<80x128xf32> to vector<1x80x128xf32>
    %mul3A = vector.broadcast %broadcast_in_dim3A : vector<1x80x128xf32> to vector<32x80x128xf32>
    %mul3A_30 = arith.mulf %reshape3A, %mul3A : vector<32x80x128xf32>
    %get3A_31 = arith.constant 0 : index
    %get3A_32 = arith.constant 0 : index
    %get3A_33 = arith.constant 0 : index
    %get3A_34 = vector.load %arg3[%get3A_31, %get3A_32, %get3A_33] : memref<32x1x128xf32, #tpu.memory_space<vmem>>, vector<32x1x128xf32>
    %add3A_35 = vector.broadcast %get3A_34 : vector<32x1x128xf32> to vector<32x80x128xf32>
    %add3A_36 = arith.addf %mul3A_30, %add3A_35 : vector<32x80x128xf32>
    %get3A_37 = arith.constant 0 : index
    %get3A_38 = arith.constant 0 : index
    %get3A_39 = arith.constant 0 : index
    %get3A_40 = vector.load %arg2[%get3A_37, %get3A_38, %get3A_39] : memref<32x80x128xf32, #tpu.memory_space<vmem>>, vector<32x80x128xf32>
    %add3A_41 = arith.addf %add3A_36, %get3A_40 : vector<32x80x128xf32>
    %max3A_42 = arith.constant 0.000000e+00 : f32
    %max3A_43 = vector.broadcast %max3A_42 : f32 to vector<32x80x128xf32>
    %max3A_44 = arith.maximumf %add3A_41, %max3A_43 : vector<32x80x128xf32>
    %get3A_45 = arith.constant 0 : index
    %get3A_46 = arith.constant 0 : index
    %get3A_47 = arith.constant 0 : index
    %get3A_48 = vector.load %arg4[%get3A_45, %get3A_46, %get3A_47] : memref<32x1x128xf32, #tpu.memory_space<vmem>>, vector<32x1x128xf32>
    %mul3A_49 = vector.broadcast %get3A_48 : vector<32x1x128xf32> to vector<32x80x128xf32>
    %mul3A_50 = arith.mulf %max3A_44, %mul3A_49 : vector<32x80x128xf32>
    %reduce_sum3A = arith.constant dense<0.000000e+00> : vector<80x128xf32>
    %reduce_sum3A_51 = vector.multi_reduction <add>, %mul3A_50, %reduce_sum3A [0] : vector<32x80x128xf32> to vector<80x128xf32>
    %swap3A = arith.constant 0 : index
    %swap3A_52 = arith.constant 0 : index
    %swap3A_53 = vector.load %arg7[%swap3A, %swap3A_52] : memref<80x128xf32, #tpu.memory_space<vmem>>, vector<80x128xf32>
    tpu.vector_store %arg7[%swap3A, %swap3A_52], %reduce_sum3A_51 {strides = array<i32>} : memref<80x128xf32, #tpu.memory_space<vmem>>, vector<80x128xf32>,
    %get3A_54 = arith.constant 0 : index
    %get3A_55 = arith.constant 0 : index
    %get3A_56 = arith.constant 0 : index
    %get3A_57 = vector.load %arg5[%get3A_54, %get3A_55, %get3A_56] : memref<32x1x128xf32, #tpu.memory_space<vmem>>, vector<32x1x128xf32>
    %mul3A_58 = vector.broadcast %get3A_57 : vector<32x1x128xf32> to vector<32x80x128xf32>
    %mul3A_59 = arith.mulf %max3A_44, %mul3A_58 : vector<32x80x128xf32>
    %reduce_sum3A_60 = arith.constant dense<0.000000e+00> : vector<80x128xf32>
    %reduce_sum3A_61 = vector.multi_reduction <add>, %mul3A_59, %reduce_sum3A_60 [0] : vector<32x80x128xf32> to vector<80x128xf32>
    %get3A_62 = arith.constant 0 : index
    %get3A_63 = arith.constant 0 : index
    %get3A_64 = vector.load %arg6[%get3A_62, %get3A_63] : memref<1x1xf32, #tpu.memory_space<vmem>>, vector<1x1xf32>
    %add3A_65 = vector.broadcast %get3A_64 : vector<1x1xf32> to vector<80x128xf32>
    %add3A_66 = arith.addf %reduce_sum3A_61, %add3A_65 : vector<80x128xf32>
    %swap3A_67 = arith.constant 0 : index
    %swap3A_68 = arith.constant 0 : index
    %swap3A_69 = vector.load %arg8[%swap3A_67, %swap3A_68] : memref<80x128xf32, #tpu.memory_space<vmem>>, vector<80x128xf32>
    tpu.vector_store %arg8[%swap3A_67, %swap3A_68], %add3A_66 {strides = array<i32>} : memref<80x128xf32, #tpu.memory_space<vmem>>, vector<80x128xf32>,
    %swap3A_70 = arith.constant 0 : index
    %swap3A_71 = arith.constant 0 : index
    %swap3A_72 = vector.load %arg9[%swap3A_70, %swap3A_71] : memref<80x128xf32, #tpu.memory_space<vmem>>, vector<80x128xf32>
    tpu.vector_store %arg9[%swap3A_70, %swap3A_71], %div3A_12 {strides = array<i32>} : memref<80x128xf32, #tpu.memory_space<vmem>>, vector<80x128xf32>,
    return
  }
}

module attributes {stable_mosaic.version = 14 : i64} {
  func.func @_tc3_body(%arg0: memref<2x80x128xf32, #tpu.memory_space<vmem>>, %arg1: memref<80x128xf32, #tpu.memory_space<vmem>>, %arg2: memref<80x128xf32, #tpu.memory_space<vmem>>, %arg3: memref<80x128xf32, #tpu.memory_space<vmem>>) attributes {dimension_semantics = [], scalar_prefetch = 0 : i64, scratch_operands = 0 : i64, tpu.core_type = #tpu.core_type<tc>} {
    %get3A = arith.constant 0 : index
    %get3A_0 = arith.constant 0 : index
    %get3A_1 = arith.constant 0 : index
    %get3A_2 = vector.load %arg0[%get3A, %get3A_0, %get3A_1] : memref<2x80x128xf32, #tpu.memory_space<vmem>>, vector<1x80x128xf32>
    %get3A_3 = vector.shape_cast %get3A_2 : vector<1x80x128xf32> to vector<80x128xf32>
    %get3A_4 = arith.constant 1 : index
    %get3A_5 = arith.constant 0 : index
    %get3A_6 = arith.constant 0 : index
    %get3A_7 = vector.load %arg0[%get3A_4, %get3A_5, %get3A_6] : memref<2x80x128xf32, #tpu.memory_space<vmem>>, vector<1x80x128xf32>
    %get3A_8 = vector.shape_cast %get3A_7 : vector<1x80x128xf32> to vector<80x128xf32>
    %add3A = arith.addf %get3A_3, %get3A_8 : vector<80x128xf32>
    %get3A_9 = arith.constant 0 : index
    %get3A_10 = arith.constant 0 : index
    %get3A_11 = vector.load %arg1[%get3A_9, %get3A_10] : memref<80x128xf32, #tpu.memory_space<vmem>>, vector<80x128xf32>
    %mul3A = arith.mulf %add3A, %get3A_11 : vector<80x128xf32>
    %get3A_12 = arith.constant 0 : index
    %get3A_13 = arith.constant 0 : index
    %get3A_14 = vector.load %arg2[%get3A_12, %get3A_13] : memref<80x128xf32, #tpu.memory_space<vmem>>, vector<80x128xf32>
    %add3A_15 = arith.addf %mul3A, %get3A_14 : vector<80x128xf32>
    %swap3A = arith.constant 0 : index
    %swap3A_16 = arith.constant 0 : index
    %swap3A_17 = vector.load %arg3[%swap3A, %swap3A_16] : memref<80x128xf32, #tpu.memory_space<vmem>>, vector<80x128xf32>
    tpu.vector_store %arg3[%swap3A, %swap3A_16], %add3A_15 {strides = array<i32>} : memref<80x128xf32, #tpu.memory_space<vmem>>, vector<80x128xf32>,
    return
  }
}

</mosaic_0001>

<sc_bundles>
// kernel: kernel.10.cloned.1.call-start
scs
__scs_entry_jumppad:
0x0: {  	(pc) =	sbr.rel $0x88, $3  }
0x1: {  	(tag) =	ssettag $0x0;
	lr =	simm.s32 $0x1  }
0x2: {  	[smem:$0x3F97] =	sst lr;
	_ =	strace $0xD0000000  }
0x3: {  	_ = 	snop  }
0x4: {  	_ = 	snop  }
0x5: {  	_ = 	snop  }
0x6: {  	_ = 	snop  }
0x7: {  	_ = 	snop  }
__scs_overlays_trampoline_lowered:
0x8: {  	[smem:$0x3FA6] =	sst s0  }
0x9: {  	[smem:$0x3FA7] =	sst s1  }
0xa: {  	[smem:$0x3FA8] =	sst s2  }
0xb: {  	[smem:$0x3FA9] =	sst s3  }
0xc: {  	[smem:$0x3FAA] =	sst s4  }
0xd: {  	[smem:$0x3FAB] =	sst s5  }
0xe: {  	[smem:$0x3FAC] =	sst s6  }
0xf: {  	[smem:$0x3FAD] =	sst s7  }
0x10: {  	[smem:$0x3FAE] =	sst s8  }
0x11: {  	[smem:$0x3FAF] =	sst s9;
	s0 =	simm.s32 @!p0 $0x0  }
0x12: {  	s1 =	sld [smem:$0x3F95];
	s0 =	simm.s32 @p0 $0x1  }
0x13: {  	[smem:$0x3FB0] =	sst s0;
	s0 =	simm.s32 @!p1 $0x0  }
0x14: {  	s2 =	sld [smem:$0x3F94];
	s0 =	simm.s32 @p1 $0x1  }
0x15: {  	[smem:$0x3FB1] =	sst s0;
	s0 =	simm.s32 @!p2 $0x0  }
0x16: {  	s3 =	sld [smem:$0x3FDB];
	s0 =	simm.s32 @p2 $0x1  }
0x17: {  	s4 =	simm.s32 $0x1BF5;
	[smem:$0x3FB3] =	sst s0  }
0x18: {  	s0 =	sld [smem:$0x3F96];
	_ =	swait.ge [sflag:s4], $0x0  }
0x19: {  	s7 =	sld [smem:$0x3F97]  }
0x1a: {  	s8 =	sadd.s32 $0xFFFFE003, lr  }
0x1b: {  	s9 =	sadd.s32 $0xFFFFFEF7, lr;
	s5 =	simm.s32 $0xFFFFFFFF;
	p2 =	slt.u32 s8, $0xFFFFF086  }
0x1c: {  	p1 =	slt.u32 s9, $0xF7A;
	s5 =	simm.s32 @!p2 $0x0  }
0x1d: {  	s5 =	simm.s32 @p1 $0x1;
	p0 =	seq.s32 s7, s2  }
0x1e: {  	s7 =	smul.u32 @!p0 $0xF7A, s2;
	p2 =	seq.s32 @!p0 s5, $0x0  }
0x1f: {  	s9 =	smul.u32 $0xF7A, s1;
	s8 =	simm.s32 @!p0 $0x1BF5;
	p2 =	por !p2, p0  }
0x20: {  	[sflag:s8] =	ssyncset.s32 @!p0 $0xFFFFF086;
	s6 =	sadd.s32 @!p0 s3, s7;
	s7 =	simm.s32 @!p0 $0x108  }
0x21: {  	s3 =	sadd.s32 s3, s9;
	s6 =	sadd.s32 @!p0 $0x88, s6;
	s7 =	simm.s32 @p2 $0x1082  }
0x22: {  	[simem:s7], [sflag:s8] =	dma.local @!p0 [hbm:s6], $0xF7A  }
0x23: {  	s9 =	sor.u32 $0xD0000000, s2;
	s6 =	simm.s32 $0x108;
	_ =	swait.ge @!p0 [sflag:s8], $0x0  }
0x24: {  	s3 =	sadd.s32 $0x88, s3;
	s6 =	simm.s32 @!p1 $0x1082;
	[sflag:s4] =	ssyncset.s32 $0xFFFFF086  }
0x25: {  	[simem:s6], [sflag:s4] =	dma.local [hbm:s3], $0xF7A  }
0x26: {  	[smem:$0x3F97] =	sst s1;
	(tag) =	ssettag s2;
	_ =	strace s9  }
0x27: {  	s1 =	sld [smem:$0x3FA7]  }
0x28: {  	s2 =	sld [smem:$0x3FA8]  }
0x29: {  	s4 =	sld [smem:$0x3FAA]  }
0x2a: {  	p0 =	seq.s32 s5, $0x0;
	s5 =	sld [smem:$0x3FAB]  }
0x2b: {  	s6 =	sld [smem:$0x3FAC]  }
0x2c: {  	s7 =	sld [smem:$0x3FAD]  }
0x2d: {  	s3 =	simm.s32 $0x108;
	s8 =	sld [smem:$0x3FAE]  }
0x2e: {  	s3 =	simm.s32 @!p0 $0x1082;
	s9 =	sld [smem:$0x3FAF]  }
0x2f: {  	lr =	sadd.s32 s0, s3;
	s0 =	sld [smem:$0x3FA6]  }
0x30: {  	s3 =	sld [smem:$0x3FA9]  }
0x31: {  	[smem:$0x3FB2] =	sst s10  }
0x32: {  	s10 =	sld [smem:$0x3FB0];
	_ =	sdelay $0x3  }
0x33: {  	p0 =	seq.s32 s10, $0x1;
	s10 =	sld [smem:$0x3FB2];
	_ =	sdelay $0x3  }
0x34: {  	[smem:$0x3FB2] =	sst s10  }
0x35: {  	s10 =	sld [smem:$0x3FB1];
	_ =	sdelay $0x3  }
0x36: {  	p1 =	seq.s32 s10, $0x1;
	s10 =	sld [smem:$0x3FB2];
	_ =	sdelay $0x3  }
0x37: {  	[smem:$0x3FB2] =	sst s10  }
0x38: {  	s10 =	sld [smem:$0x3FB3]  }
0x39: {  	_ = 	snop;
	(pc) =	sbr.ind lr, $3  }
0x3a: {  	_ = 	snop  }
0x3b: {  	_ = 	snop  }
0x3c: {  	p2 =	seq.s32 s10, $0x1;
	s10 =	sld [smem:$0x3FB2]  }
0x3d: {  	_ =	shalt  }
0x3e: {  	_ =	shalt  }
0x3f: {  	_ =	shalt  }
0x40: {  	_ =	shalt  }
0x41: {  	_ =	shalt  }
0x42: {  	_ =	shalt  }
0x43: {  	_ =	shalt  }
0x44: {  	_ =	shalt  }
0x45: {  	_ =	shalt  }
0x46: {  	_ =	shalt  }
0x47: {  	_ =	shalt  }
0x48: {  	_ =	shalt  }
0x49: {  	_ =	shalt  }
0x4a: {  	_ =	shalt  }
0x4b: {  	_ =	shalt  }
0x4c: {  	_ =	shalt  }
0x4d: {  	_ =	shalt  }
0x4e: {  	_ =	shalt  }
0x4f: {  	_ =	shalt  }
0x50: {  	_ =	shalt  }
0x51: {  	_ =	shalt  }
0x52: {  	_ =	shalt  }
0x53: {  	_ =	shalt  }
0x54: {  	_ =	shalt  }
0x55: {  	_ =	shalt  }
0x56: {  	_ =	shalt  }
0x57: {  	_ =	shalt  }
0x58: {  	_ =	shalt  }
0x59: {  	_ =	shalt  }
0x5a: {  	_ =	shalt  }
0x5b: {  	_ =	shalt  }
0x5c: {  	_ =	shalt  }
0x5d: {  	_ =	shalt  }
0x5e: {  	_ =	shalt  }
0x5f: {  	_ =	shalt  }
0x60: {  	_ =	shalt  }
0x61: {  	_ =	shalt  }
0x62: {  	_ =	shalt  }
0x63: {  	_ =	shalt  }
0x64: {  	_ =	shalt  }
0x65: {  	_ =	shalt  }
0x66: {  	_ =	shalt  }
0x67: {  	_ =	shalt  }
0x68: {  	_ =	shalt  }
0x69: {  	_ =	shalt  }
0x6a: {  	_ =	shalt  }
0x6b: {  	_ =	shalt  }
0x6c: {  	_ =	shalt  }
0x6d: {  	_ =	shalt  }
0x6e: {  	_ =	shalt  }
0x6f: {  	_ =	shalt  }
0x70: {  	_ =	shalt  }
0x71: {  	_ =	shalt  }
0x72: {  	_ =	shalt  }
0x73: {  	_ =	shalt  }
0x74: {  	_ =	shalt  }
0x75: {  	_ =	shalt  }
0x76: {  	_ =	shalt  }
0x77: {  	_ =	shalt  }
0x78: {  	_ =	shalt  }
0x79: {  	_ =	shalt  }
0x7a: {  	_ =	shalt  }
0x7b: {  	_ =	shalt  }
0x7c: {  	_ =	shalt  }
0x7d: {  	_ =	shalt  }
0x7e: {  	_ =	shalt  }
0x7f: {  	_ =	shalt  }
0x80: {  	_ =	shalt  }
0x81: {  	_ =	shalt  }
0x82: {  	_ =	shalt  }
0x83: {  	_ =	shalt  }
0x84: {  	_ =	shalt  }
0x85: {  	_ =	shalt  }
0x86: {  	_ =	shalt  }
0x87: {  	_ =	shalt  }
.Lfunc_end0:
.L_simem_size_0:
called_computation.1_lowered:
.L_overlay_start_0:
0x88: {  	s2 =	sld [smem:$0x3FD9]  }
0x89: {  	s3 =	sld [smem:$0x3FFE];
	_ =	sdelay $0x1  }
0x8a: {  	s1 =	srdreg.scid  }
0x8b: {  	s0 =	sand.u32 $0x1, s1  }
0x8c: {  	s16 =	sshll.u32 s0, $0xA;
	s2 =	sadd.s32 s3, s2  }
0x8d: {  	s2 =	sadd.s32 s2, s16  }
0x8e: {  	[smem:$0x3FBE] =	sst s2  }
0x8f: {  	_ = 	snop  }
0x90: {  	(tm) =	ssettm $0x1  }
0x91: {  	s17 =	sld [smem:$0x3FFB];
	_ =	sdelay $0x3  }
0x92: {  	_ =	strace s17  }
0x93: {  	s2 =	sld [smem:$0x3FFC];
	_ =	sdelay $0x3  }
0x94: {  	_ =	strace s2  }
0x95: {  	s2 =	sld [smem:$0x3FFD];
	_ =	sdelay $0x3  }
0x96: {  	_ =	strace s2  }
0x97: {  	_ =	strace $0x8FFFFFFF  }
0x98: {  	s18 =	sld [smem:$0x3FDB];
	_ =	sdelay $0x1  }
0x99: {  	s19 =	simm.s32 $_scs_section_size  }
0x9a: {  	s4 =	simm.s32 $_size__tile_overlayer_lowered;
	s5 =	simm.s32 $_tile_overlayer_lowered  }
0x9b: {  	s22 =	simm.s32 $0x1BFF;
	s21 =	sshll.u32 s5, $0x1;
	s2 =	sadd.s32 s19, s18  }
0x9c: {  	s6 =	simm.s32 $0x0;
	s20 =	sshll.u32 s4, $0x1;
	s4 =	sadd.s32 s21, s2  }
0x9d: {  	[timem:s6], [sflag:s22] =	dma.local [hbm:s4], s20  }
0x9e: {  	_ =	swait.ge [sflag:s22], s20  }
0x9f: {  	s3 =	ssub.s32 $0x0, s20;
	[sflag:s22] =	ssyncset.done $0x0  }
0xa0: {  	[sflag:s22] =	ssyncadd.s32 s3;
	_ =	sdelay $0x1  }
0xa1: {  	s23 =	simm.s32 $0x1B8B  }
0xa2: {  	_ =	swait.ge [sflag:s23], $0x1  }
0xa3: {  	[sflag:s23] =	ssyncset.done $0x0  }
0xa4: {  	s25 =	simm.s32 $0x1B8E;
	s24 =	sld [smem:$0x3FFE];
	[sflag:s23] =	ssyncadd.s32 $0xFFFFFFFF  }
0xa5: {  	s26 =	simm.s32 $execute0_lowered;
	[smem:$0x3FD2] =	sst s25  }
0xa6: {  	s4 =	sshll.u32 s26, $0x1;
	_ =	strace $0x80000049;
	[dreg:$0x1] =	wrdreg $0xFFFFFFFF  }
0xa7: {  	s28 =	simm.s32 $_size_execute0_lowered;
	s2 =	sadd.s32 s2, s4;
	[dreg:$0x0] =	wrdreg $0x0  }
0xa8: {  	s4 =	sshll.u32 s28, $0x1;
	[dreg:$0x2] =	wrdreg s2  }
0xa9: {  	[dreg:$0x3] =	wrdreg s4  }
0xaa: {  	[dreg:$0x4] =	wrdreg $0xC0  }
0xab: {  	_ =	task [dreg:s6], $0x5FFFF  }
0xac: {  	[dreg:$0x1] =	wrdreg $0xFFFFFFFF  }
0xad: {  	[dreg:$0x0] =	wrdreg $0x60  }
0xae: {  	[dreg:$0x2] =	wrdreg s24  }
0xaf: {  	[dreg:$0x3] =	wrdreg $0xA0000  }
0xb0: {  	[dreg:$0x4] =	wrdreg $0x9  }
0xb1: {  	_ =	task.clear_ibuf [dreg:s6], $0x5FFFF;
	_ =	strace $0x90000049  }
0xb2: {  	s29 =	simm.s32 $0x9;
	_ =	strace $0x8000004B  }
0xb3: {  	_ =	swait.ge [sflag:s29], $0x1  }
0xb4: {  	[sflag:s29] =	ssyncadd.s32 $0xFFFFFFFF  }
0xb5: {  	_ =	strace $0x9000004B  }
0xb6: {  	_ =	sfence  }
0xb7: {  	s30 =	sld [smem:$0x0];
	_ =	sdelay $0x2  }
0xb8: {  	s31 =	sshll.u32 s1, $0xD;
	s1 =	sshrl.u32 s1, $0x2  }
0xb9: {  	s3 =	sand.u32 $0x4000, s31;
	s1 =	sadd.s32 s1, s30  }
0xba: {  	s0 =	sor.u32 s3, s0;
	s1 =	sshll.u32 s1, $0x11  }
0xbb: {  	s0 =	sor.u32 s1, s0  }
0xbc: {  	s0 =	sadd.s32 $0x8F2B, s0  }
0xbd: {  	[sflag:s0] =	ssyncadd.remote.s32 $0x1  }
0xbe: {  	_ =	sfence.sel $0xFFFF  }
0xbf: {  	[dreg:$0x0] =	wrdreg $0xFFFFFFFF;
	(pc) =	sbr.abs _section_cstart, $3  }
0xc0: {  	[dreg:$0x1] =	wrdreg $0xFFFFFFFF  }
0xc1: {  	_ =	task.clear_ibuf [dreg:s6], $0x2FFFF;
	_ =	strace $0x9FFFFFFF  }
0xc2: {  	(tm) =	ssettm $0x7FFFFFFF  }
0xc3: {  	_ =	shalt  }
tec
execute0_lowered:
.L_overlay_start_1:
0x0: {  	(tag) =	ssettag $0x1  }
0x1: {  	s6 =	rddreg [dreg:$0x0]  }
0x2: {  	s0 =	srdreg.scid;
	s2 =	rddreg [dreg:$0x1]  }
0x3: {  	s3 =	simm.s32 $0x0;
	s12 =	simm.s32 $0x5000;
	s15 =	simm.s32 $0x80  }
0x4: {  	s16 =	simm.s32 $0x1;
	s5 =	sand.u32 $0x1, s0;
	s0 =	stileid.u32  }
0x5: {  	s17 =	simm.s32 $0x0;
	[smem:$0x7FF] =	sst s3;
	s8 =	smul.u32 $0x280, s0  }
0x6: {  	s4 =	sadd.s32 $0x1800, s6;
	s1 =	sshll.u32 s5, $0x4;
	s9 =	smul.u32 $0x2800, s5  }
0x7: {  	s5 =	ssub.s32 $0x2, s5;
	s13 =	sshll.u32 s0, $0x6;
	s1 =	sor.u32 s0, s1  }
0x8: {  	s11 =	sshrl.u32 s5, $0x1;
	s13 =	sor.u32 $0x1C02, s13;
	s7 =	smul.u32 $0x500, s1  }
0x9: {  	s1 =	rddreg [dreg:$0x2];
	_ =	strace $0x8000004A;
	s9 =	sadd.s32 s8, s9  }
0xa: {  	s10 =	sshrl.u32 s8, $0x3;
	s11 =	ssub.s32 s5, s11;
	s14 =	sadd.s32 s8, s2  }
0xb: {  	s9 =	sshrl.u32 s9, $0x3;
	s10 =	sadd.s32 s10, s6;
	s7 =	sadd.s32 s7, s6  }
0xc: {  	s14 =	sshrl.u32 s14, $0x3;
	s9 =	sadd.s32 s9, s6;
	s5 =	sadd.s32 $0xB800, s7  }
0xd: {  	s6 =	sadd.s32 $0x15800, s7;
	s7 =	sadd.s32 $0x1F800, s10;
	s8 =	sadd.s32 $0x1E00, s9  }
0xe: {  	s9 =	smax.u32 s11, $0x1;
	s10 =	simm.s32 $0x2;
	s11 =	simm.s32 $0x2800  }
.LBB2_1:
0xf: {  	[tilespmem:s3], [sflag:$0x2] =	stream.linear.gather [hbm4b:s5+s3], $0x2800, $0x38;
	[tilespmem:$0xA280] =	vst v63  }
0x10: {  	_ =	swait.ge [sflag:s10], $0x2800  }
0x11: {  	[sflag:s10] =	ssyncset.done $0x0  }
0x12: {  	[sflag:s10] =	ssyncadd.s32 $0xFFFFD800  }
0x13: {  	[tilespmem:s11], [sflag:$0x2] =	stream.linear.gather [hbm4b:s6+s3], $0x2800, $0x38;
	[tilespmem:$0xA280] =	vst v63  }
0x14: {  	_ =	swait.ge [sflag:s10], $0x2800  }
0x15: {  	[sflag:s10] =	ssyncset.done $0x0  }
0x16: {  	[sflag:s10] =	ssyncadd.s32 $0xFFFFD800  }
0x17: {  	[tilespmem:s12], [sflag:$0x2] =	stream.linear.gather [hbm4b:s4+s3], $0x2800, $0x38;
	[tilespmem:$0xA280] =	vst v63  }
0x18: {  	_ =	swait.ge [sflag:s10], $0x2800  }
0x19: {  	[sflag:s10] =	ssyncset.done $0x0  }
0x1a: {  	[sflag:s10] =	ssyncadd.s32 $0xFFFFD800  }
0x1b: {  	[spmem:s14], [sflag:s13] =	dma.local [hbm:s7], $0x50  }
0x1c: {  	_ =	swait.ge [sflag:s10], $0x50  }
0x1d: {  	[sflag:s10] =	ssyncset.done $0x0  }
0x1e: {  	s18 =	simm.s32 $0x0;
	[sflag:s10] =	ssyncadd.s32 $0xFFFFFFB0  }
0x1f: {  	v0 =	vld [tilespmem:s18+$0x0];
	_ =	sdelay $0x5  }
0x20: {  	v1 =	vld [tilespmem:s18+$0x10];
	_ =	sdelay $0x1  }
0x21: {  	v0 =	vld.idx.msk [tilespmem:v0+s12+$0x0], $0xffff;
	_ =	sdelay $0x4  }
0x22: {  	[tilespmem:s18+$0x7800] =	vst v0;
	v0 =	vld [tilespmem:s18+$0x20]  }
0x23: {  	v1 =	vld.idx.msk [tilespmem:v1+s12+$0x0], $0xffff;
	_ =	sdelay $0x4  }
0x24: {  	[tilespmem:s18+$0x7810] =	vst v1;
	v1 =	vld [tilespmem:s18+$0x30];
	_ =	sdelay $0x1  }
0x25: {  	v0 =	vld.idx.msk [tilespmem:v0+s12+$0x0], $0xffff;
	_ =	sdelay $0x4  }
0x26: {  	[tilespmem:s18+$0x7820] =	vst v0;
	v0 =	vld [tilespmem:s18+$0x40]  }
0x27: {  	v1 =	vld.idx.msk [tilespmem:v1+s12+$0x0], $0xffff;
	_ =	sdelay $0x4  }
0x28: {  	[tilespmem:s18+$0x7830] =	vst v1;
	v1 =	vld [tilespmem:s18+$0x50];
	_ =	sdelay $0x1  }
0x29: {  	v0 =	vld.idx.msk [tilespmem:v0+s12+$0x0], $0xffff;
	_ =	sdelay $0x4  }
0x2a: {  	v2 =	vld [tilespmem:s18+$0x60];
	[tilespmem:s18+$0x7840] =	vst v0  }
0x2b: {  	v0 =	vld.idx.msk [tilespmem:v1+s12+$0x0], $0xffff;
	_ =	sdelay $0x4  }
0x2c: {  	[tilespmem:s18+$0x7850] =	vst v0;
	v0 =	vld [tilespmem:s18+$0x70];
	_ =	sdelay $0x1  }
0x2d: {  	v1 =	vld.idx.msk [tilespmem:v2+s12+$0x0], $0xffff;
	_ =	sdelay $0x3  }
0x2e: {  	s20 =	simm.s32 $0x80;
	s19 =	simm.s32 $0x400  }
.LBB2_2:
0x2f: {  	p0 =	sne.s32 s19, $0x9E00;
	v2 =	vld [tilespmem:s20+$0x0];
	[tilespmem:s18+$0x7860] =	vst v1  }
0x30: {  	v0 =	vld.idx.msk [tilespmem:v0+s12+$0x0], $0xffff;
	_ =	sdelay $0x5  }
0x31: {  	v1 =	vld [tilespmem:s20+$0x10];
	[tilespmem:s18+$0x7870] =	vst v0;
	s18 =	smov.u32 s20  }
0x32: {  	v0 =	vld.idx.msk [tilespmem:v2+s12+$0x0], $0xffff;
	_ =	sdelay $0x5  }
0x33: {  	[tilespmem:s18+$0x7800] =	vst v0;
	v0 =	vld [tilespmem:s18+$0x20]  }
0x34: {  	v1 =	vld.idx.msk [tilespmem:v1+s12+$0x0], $0xffff;
	_ =	sdelay $0x5  }
0x35: {  	[tilespmem:s18+$0x7810] =	vst v1;
	v1 =	vld [tilespmem:s18+$0x30]  }
0x36: {  	v0 =	vld.idx.msk [tilespmem:v0+s12+$0x0], $0xffff;
	_ =	sdelay $0x5  }
0x37: {  	[tilespmem:s18+$0x7820] =	vst v0;
	v0 =	vld [tilespmem:s18+$0x40]  }
0x38: {  	v1 =	vld.idx.msk [tilespmem:v1+s12+$0x0], $0xffff;
	_ =	sdelay $0x5  }
0x39: {  	[tilespmem:s18+$0x7830] =	vst v1;
	v1 =	vld [tilespmem:s18+$0x50]  }
0x3a: {  	v0 =	vld.idx.msk [tilespmem:v0+s12+$0x0], $0xffff;
	_ =	sdelay $0x5  }
0x3b: {  	[tilespmem:s18+$0x7840] =	vst v0;
	v2 =	vld [tilespmem:s18+$0x60]  }
0x3c: {  	v0 =	vld.idx.msk [tilespmem:v1+s12+$0x0], $0xffff;
	_ =	sdelay $0x5  }
0x3d: {  	[tilespmem:s18+$0x7850] =	vst v0;
	v0 =	vld [tilespmem:s18+$0x70]  }
0x3e: {  	v1 =	vld.idx.msk [tilespmem:v2+s12+$0x0], $0xffff  }
.Ltmp0:
0x3f: {  	(pc) =	sbr.rel @p0 .LBB2_2-.Ltmp0, $2  }
0x40: {  	_ =	sdelay $0x2  }
0x41: {  	s20 =	sshra.s32 s19, $0x2;
	s19 =	sadd.s32 $0x200, s19  }
0x42: {  	_ =	sdelay $0x1  }
0x43: {  	v2 =	vld [tilespmem:s20+$0x0]  }
0x44: {  	[tilespmem:s18+$0x7860] =	vst v1  }
0x45: {  	v0 =	vld.idx.msk [tilespmem:v0+s12+$0x0], $0xffff;
	_ =	sdelay $0x3  }
0x46: {  	v1 =	vld [tilespmem:s20+$0x10]  }
0x47: {  	[tilespmem:s18+$0x7870] =	vst v0  }
0x48: {  	v0 =	vld.idx.msk [tilespmem:v2+s12+$0x0], $0xffff;
	_ =	sdelay $0x3  }
0x49: {  	v58 =	vld [tilespmem:s20+$0x20]  }
0x4a: {  	[tilespmem:s20+$0x7800] =	vst v0  }
0x4b: {  	v1 =	vld.idx.msk [tilespmem:v1+s12+$0x0], $0xffff;
	_ =	sdelay $0x3  }
0x4c: {  	v59 =	vld [tilespmem:s20+$0x30]  }
0x4d: {  	[tilespmem:s20+$0x7810] =	vst v1  }
0x4e: {  	v0 =	vld.idx.msk [tilespmem:v58+s12+$0x0], $0xffff;
	_ =	sdelay $0x3  }
0x4f: {  	v60 =	vld [tilespmem:s20+$0x40]  }
0x50: {  	[tilespmem:s20+$0x7820] =	vst v0  }
0x51: {  	v1 =	vld.idx.msk [tilespmem:v59+s12+$0x0], $0xffff;
	_ =	sdelay $0x3  }
0x52: {  	v61 =	vld [tilespmem:s20+$0x50]  }
0x53: {  	[tilespmem:s20+$0x7830] =	vst v1  }
0x54: {  	v0 =	vld.idx.msk [tilespmem:v60+s12+$0x0], $0xffff;
	_ =	sdelay $0x3  }
0x55: {  	v62 =	vld [tilespmem:s20+$0x60]  }
0x56: {  	[tilespmem:s20+$0x7840] =	vst v0  }
0x57: {  	v1 =	vld.idx.msk [tilespmem:v61+s12+$0x0], $0xffff;
	_ =	sdelay $0x3  }
0x58: {  	v63 =	vld [tilespmem:s20+$0x70]  }
0x59: {  	[tilespmem:s20+$0x7850] =	vst v1  }
0x5a: {  	v0 =	vld.idx.msk [tilespmem:v62+s12+$0x0], $0xffff;
	_ =	sdelay $0x4  }
0x5b: {  	[tilespmem:s20+$0x7860] =	vst v0  }
0x5c: {  	v0 =	vld.idx.msk [tilespmem:v63+s12+$0x0], $0xffff;
	_ =	sdelay $0x4  }
0x5d: {  	[tilespmem:s20+$0x7870] =	vst v0  }
0x5e: {  	s29 =	simm.s32 $0x7800;
	s19 =	simm.s32 $0x2800;
	[bflag:$0x0] =	sbarrier.arrive $0xFFFF  }
0x5f: {  	[spmem:s2] =	stream.indirect.scatter.add.f32 [tilespmem:s29], [sflag:$0x1], $0x1, s19, s15, $0xb8;
	[tilespmem:$0xA280] =	vst v63  }
0x60: {  	s30 =	simm.s32 $0x7880;
	s31 =	simm.s32 $0x2880  }
0x61: {  	[spmem:s2] =	stream.indirect.scatter.add.f32 [tilespmem:s30], [sflag:$0x1], $0x1, s31, s15, $0xb8;
	[tilespmem:$0xA280] =	vst v63  }
0x62: {  	s20 =	simm.s32 $0x2900;
	s19 =	simm.s32 $0x7900  }
0x63: {  	[spmem:s2] =	stream.indirect.scatter.add.f32 [tilespmem:s19], [sflag:$0x1], $0x1, s20, s15, $0xb8;
	[tilespmem:$0xA280] =	vst v63  }
0x64: {  	s21 =	simm.s32 $0x7980;
	s22 =	simm.s32 $0x2980  }
0x65: {  	[spmem:s2] =	stream.indirect.scatter.add.f32 [tilespmem:s21], [sflag:$0x1], $0x1, s22, s15, $0xb8;
	[tilespmem:$0xA280] =	vst v63  }
0x66: {  	s23 =	simm.s32 $0x7A00;
	s24 =	simm.s32 $0x2A00  }
0x67: {  	[spmem:s2] =	stream.indirect.scatter.add.f32 [tilespmem:s23], [sflag:$0x1], $0x1, s24, s15, $0xb8;
	[tilespmem:$0xA280] =	vst v63  }
0x68: {  	s25 =	simm.s32 $0x7A80;
	s26 =	simm.s32 $0x2A80  }
0x69: {  	[spmem:s2] =	stream.indirect.scatter.add.f32 [tilespmem:s25], [sflag:$0x1], $0x1, s26, s15, $0xb8;
	[tilespmem:$0xA280] =	vst v63  }
0x6a: {  	s28 =	simm.s32 $0x7B00;
	s29 =	simm.s32 $0x2B00  }
0x6b: {  	[spmem:s2] =	stream.indirect.scatter.add.f32 [tilespmem:s28], [sflag:$0x1], $0x1, s29, s15, $0xb8;
	[tilespmem:$0xA280] =	vst v63  }
0x6c: {  	s30 =	simm.s32 $0x7B80;
	s31 =	simm.s32 $0x2B80  }
0x6d: {  	[spmem:s2] =	stream.indirect.scatter.add.f32 [tilespmem:s30], [sflag:$0x1], $0x1, s31, s15, $0xb8;
	[tilespmem:$0xA280] =	vst v63  }
0x6e: {  	_ =	swait.ge [sflag:s16], $0x80  }
0x6f: {  	[sflag:s16] =	ssyncset.done $0x0  }
0x70: {  	[sflag:s16] =	ssyncadd.s32 $0xFFFFFF80  }
0x71: {  	_ =	swait.ge [sflag:s16], $0x80  }
0x72: {  	[sflag:s16] =	ssyncset.done $0x0  }
0x73: {  	[sflag:s16] =	ssyncadd.s32 $0xFFFFFF80  }
0x74: {  	_ =	swait.ge [sflag:s16], $0x80  }
0x75: {  	[sflag:s16] =	ssyncset.done $0x0  }
0x76: {  	[sflag:s16] =	ssyncadd.s32 $0xFFFFFF80  }
0x77: {  	_ =	swait.ge [sflag:s16], $0x80  }
0x78: {  	[sflag:s16] =	ssyncset.done $0x0  }
0x79: {  	[sflag:s16] =	ssyncadd.s32 $0xFFFFFF80  }
0x7a: {  	_ =	swait.ge [sflag:s16], $0x80  }
0x7b: {  	[sflag:s16] =	ssyncset.done $0x0  }
0x7c: {  	[sflag:s16] =	ssyncadd.s32 $0xFFFFFF80  }
0x7d: {  	_ =	swait.ge [sflag:s16], $0x80  }
0x7e: {  	[sflag:s16] =	ssyncset.done $0x0  }
0x7f: {  	[sflag:s16] =	ssyncadd.s32 $0xFFFFFF80  }
0x80: {  	_ =	swait.ge [sflag:s16], $0x80  }
0x81: {  	[sflag:s16] =	ssyncset.done $0x0  }
0x82: {  	[sflag:s16] =	ssyncadd.s32 $0xFFFFFF80  }
0x83: {  	_ =	swait.ge [sflag:s16], $0x80  }
0x84: {  	s20 =	simm.s32 $0x400;
	s21 =	simm.s32 $0x2000;
	[sflag:s16] =	ssyncset.done $0x0  }
.LBB2_4:
0x85: {  	s19 =	sadd.s32 $0x7800, s20  }
0x86: {  	s22 =	sadd.s32 $0x2800, s20;
	[sflag:s16] =	ssyncadd.s32 $0xFFFFFF80;
	s18 =	smov.u32 s21  }
0x87: {  	[spmem:s2] =	stream.indirect.scatter.add.f32 [tilespmem:s19], [sflag:$0x1], $0x1, s22, s15, $0xb8;
	[tilespmem:$0xA280] =	vst v63  }
0x88: {  	s23 =	sadd.s32 $0x2880, s20;
	s19 =	sadd.s32 $0x1000, s21;
	s22 =	sadd.s32 $0x7880, s20  }
0x89: {  	[spmem:s2] =	stream.indirect.scatter.add.f32 [tilespmem:s22], [sflag:$0x1], $0x1, s23, s15, $0xb8;
	[tilespmem:$0xA280] =	vst v63  }
0x8a: {  	p0 =	sne.s32 s21, $0x9000;
	s21 =	sadd.s32 $0x7900, s20;
	s22 =	sadd.s32 $0x2900, s20  }
0x8b: {  	[spmem:s2] =	stream.indirect.scatter.add.f32 [tilespmem:s21], [sflag:$0x1], $0x1, s22, s15, $0xb8;
	[tilespmem:$0xA280] =	vst v63  }
0x8c: {  	s21 =	sadd.s32 $0x7980, s20;
	s22 =	sadd.s32 $0x2980, s20  }
0x8d: {  	[spmem:s2] =	stream.indirect.scatter.add.f32 [tilespmem:s21], [sflag:$0x1], $0x1, s22, s15, $0xb8;
	[tilespmem:$0xA280] =	vst v63  }
0x8e: {  	s21 =	sadd.s32 $0x7A00, s20;
	s22 =	sadd.s32 $0x2A00, s20  }
0x8f: {  	[spmem:s2] =	stream.indirect.scatter.add.f32 [tilespmem:s21], [sflag:$0x1], $0x1, s22, s15, $0xb8;
	[tilespmem:$0xA280] =	vst v63  }
0x90: {  	s21 =	sadd.s32 $0x7A80, s20;
	s22 =	sadd.s32 $0x2A80, s20  }
0x91: {  	[spmem:s2] =	stream.indirect.scatter.add.f32 [tilespmem:s21], [sflag:$0x1], $0x1, s22, s15, $0xb8;
	[tilespmem:$0xA280] =	vst v63  }
0x92: {  	s21 =	sadd.s32 $0x7B00, s20;
	s22 =	sadd.s32 $0x2B00, s20  }
0x93: {  	[spmem:s2] =	stream.indirect.scatter.add.f32 [tilespmem:s21], [sflag:$0x1], $0x1, s22, s15, $0xb8;
	[tilespmem:$0xA280] =	vst v63  }
0x94: {  	s21 =	sadd.s32 $0x7B80, s20;
	s20 =	sadd.s32 $0x2B80, s20  }
0x95: {  	[spmem:s2] =	stream.indirect.scatter.add.f32 [tilespmem:s21], [sflag:$0x1], $0x1, s20, s15, $0xb8;
	[tilespmem:$0xA280] =	vst v63  }
0x96: {  	_ =	swait.ge [sflag:s16], $0x80  }
0x97: {  	[sflag:s16] =	ssyncset.done $0x0  }
0x98: {  	[sflag:s16] =	ssyncadd.s32 $0xFFFFFF80  }
0x99: {  	_ =	swait.ge [sflag:s16], $0x80  }
0x9a: {  	[sflag:s16] =	ssyncset.done $0x0  }
0x9b: {  	[sflag:s16] =	ssyncadd.s32 $0xFFFFFF80  }
0x9c: {  	_ =	swait.ge [sflag:s16], $0x80  }
0x9d: {  	[sflag:s16] =	ssyncset.done $0x0  }
0x9e: {  	[sflag:s16] =	ssyncadd.s32 $0xFFFFFF80  }
0x9f: {  	_ =	swait.ge [sflag:s16], $0x80  }
0xa0: {  	[sflag:s16] =	ssyncset.done $0x0  }
0xa1: {  	[sflag:s16] =	ssyncadd.s32 $0xFFFFFF80  }
0xa2: {  	_ =	swait.ge [sflag:s16], $0x80  }
0xa3: {  	[sflag:s16] =	ssyncset.done $0x0  }
0xa4: {  	[sflag:s16] =	ssyncadd.s32 $0xFFFFFF80  }
0xa5: {  	_ =	swait.ge [sflag:s16], $0x80  }
0xa6: {  	[sflag:s16] =	ssyncset.done $0x0  }
0xa7: {  	[sflag:s16] =	ssyncadd.s32 $0xFFFFFF80  }
.Ltmp1:
0xa8: {  	_ =	swait.ge [sflag:s16], $0x80;
	(pc) =	sbr.rel @p0 .LBB2_4-.Ltmp1, $4  }
0xa9: {  	[sflag:s16] =	ssyncset.done $0x0  }
0xaa: {  	[sflag:s16] =	ssyncadd.s32 $0xFFFFFF80  }
0xab: {  	_ =	swait.ge [sflag:s16], $0x80  }
0xac: {  	s20 =	sshra.s32 s18, $0x2;
	s21 =	smov.u32 s19;
	[sflag:s16] =	ssyncset.done $0x0  }
0xad: {  	s18 =	sadd.s32 $0x7800, s20;
	s19 =	sadd.s32 $0x2800, s20;
	[sflag:s16] =	ssyncadd.s32 $0xFFFFFF80  }
0xae: {  	[spmem:s2] =	stream.indirect.scatter.add.f32 [tilespmem:s18], [sflag:$0x1], $0x1, s19, s15, $0xb8;
	[tilespmem:$0xA280] =	vst v63  }
0xaf: {  	s28 =	sadd.s32 $0x7880, s20;
	s29 =	sadd.s32 $0x2880, s20  }
0xb0: {  	[spmem:s2] =	stream.indirect.scatter.add.f32 [tilespmem:s28], [sflag:$0x1], $0x1, s29, s15, $0xb8;
	[tilespmem:$0xA280] =	vst v63  }
0xb1: {  	s30 =	sadd.s32 $0x7900, s20;
	s31 =	sadd.s32 $0x2900, s20  }
0xb2: {  	[spmem:s2] =	stream.indirect.scatter.add.f32 [tilespmem:s30], [sflag:$0x1], $0x1, s31, s15, $0xb8;
	[tilespmem:$0xA280] =	vst v63  }
0xb3: {  	s21 =	sadd.s32 $0x7980, s20;
	s22 =	sadd.s32 $0x2980, s20  }
0xb4: {  	[spmem:s2] =	stream.indirect.scatter.add.f32 [tilespmem:s21], [sflag:$0x1], $0x1, s22, s15, $0xb8;
	[tilespmem:$0xA280] =	vst v63  }
0xb5: {  	s23 =	sadd.s32 $0x7A00, s20;
	s24 =	sadd.s32 $0x2A00, s20  }
0xb6: {  	[spmem:s2] =	stream.indirect.scatter.add.f32 [tilespmem:s23], [sflag:$0x1], $0x1, s24, s15, $0xb8;
	[tilespmem:$0xA280] =	vst v63  }
0xb7: {  	s25 =	sadd.s32 $0x7A80, s20;
	s26 =	sadd.s32 $0x2A80, s20  }
0xb8: {  	[spmem:s2] =	stream.indirect.scatter.add.f32 [tilespmem:s25], [sflag:$0x1], $0x1, s26, s15, $0xb8;
	[tilespmem:$0xA280] =	vst v63  }
0xb9: {  	s28 =	sadd.s32 $0x7B00, s20;
	s29 =	sadd.s32 $0x2B00, s20  }
0xba: {  	[spmem:s2] =	stream.indirect.scatter.add.f32 [tilespmem:s28], [sflag:$0x1], $0x1, s29, s15, $0xb8;
	[tilespmem:$0xA280] =	vst v63  }
0xbb: {  	s30 =	sadd.s32 $0x7B80, s20;
	s31 =	sadd.s32 $0x2B80, s20  }
0xbc: {  	[spmem:s2] =	stream.indirect.scatter.add.f32 [tilespmem:s30], [sflag:$0x1], $0x1, s31, s15, $0xb8;
	[tilespmem:$0xA280] =	vst v63  }
0xbd: {  	_ =	swait.ge [sflag:s16], $0x80  }
0xbe: {  	[sflag:s16] =	ssyncset.done $0x0  }
0xbf: {  	[sflag:s16] =	ssyncadd.s32 $0xFFFFFF80  }
0xc0: {  	_ =	swait.ge [sflag:s16], $0x80  }
0xc1: {  	[sflag:s16] =	ssyncset.done $0x0  }
0xc2: {  	[sflag:s16] =	ssyncadd.s32 $0xFFFFFF80  }
0xc3: {  	_ =	swait.ge [sflag:s16], $0x80  }
0xc4: {  	[sflag:s16] =	ssyncset.done $0x0  }
0xc5: {  	[sflag:s16] =	ssyncadd.s32 $0xFFFFFF80  }
0xc6: {  	_ =	swait.ge [sflag:s16], $0x80  }
0xc7: {  	[sflag:s16] =	ssyncset.done $0x0  }
0xc8: {  	[sflag:s16] =	ssyncadd.s32 $0xFFFFFF80  }
0xc9: {  	_ =	swait.ge [sflag:s16], $0x80  }
0xca: {  	[sflag:s16] =	ssyncset.done $0x0  }
0xcb: {  	[sflag:s16] =	ssyncadd.s32 $0xFFFFFF80  }
0xcc: {  	_ =	swait.ge [sflag:s16], $0x80  }
0xcd: {  	[sflag:s16] =	ssyncset.done $0x0  }
0xce: {  	[sflag:s16] =	ssyncadd.s32 $0xFFFFFF80  }
0xcf: {  	_ =	swait.ge [sflag:s16], $0x80  }
0xd0: {  	[sflag:s16] =	ssyncset.done $0x0  }
0xd1: {  	[sflag:s16] =	ssyncadd.s32 $0xFFFFFF80  }
0xd2: {  	_ =	swait.ge [sflag:s16], $0x80  }
0xd3: {  	s17 =	sadd.s32 $0x1, s17;
	[sflag:s16] =	ssyncset.done $0x0  }
0xd4: {  	p0 =	sne.s32 s17, s9;
	[sflag:s16] =	ssyncadd.s32 $0xFFFFFF80  }
.Ltmp2:
0xd5: {  	[bflag:$0x0] =	sbarrier.arrive $0xFFFF;
	(pc) =	sbr.rel @p0 .LBB2_1-.Ltmp2, $4  }
0xd6: {  	[hbm:s8], [sflag:s13] =	dma.local [spmem:s14], $0x50  }
0xd7: {  	_ =	swait.ge [sflag:s10], $0x50  }
0xd8: {  	[sflag:s10] =	ssyncset.done $0x0  }
0xd9: {  	[sflag:s10] =	ssyncadd.s32 $0xFFFFFFB0  }
0xda: {  	_ =	sfence.sel $0x180000  }
0xdb: {  	[bflag:$0x0] =	sbarrier.arrive $0xFFFF  }
0xdc: {  	p0 =	sne.s32 s0, $0x0;
	_ =	strace $0x9000004A  }
0xdd: {  	s0 =	sadd.s32 @!p0 $0x100000, s1;
	[bflag:$0x2] =	sbarrier.arrive $0xFFFF  }
0xde: {  	[sflag:s0] =	ssyncadd.tile.s32 @!p0 $0x1;
	_ =	shalt  }
.Lfunc_end2:
_tile_overlayer_lowered:
.L_overlay_start_2:
0xdf: {  	(tag) =	ssettag $0x2  }
0xe0: {  	s0 =	rddreg [dreg:$0x0];
	s2 =	stileid.u32  }
0xe1: {  	s1 =	rddreg [dreg:$0x1];
	p0 =	sne.s32 s2, $0x0  }
0xe2: {  	s3 =	rddreg [dreg:$0x2];
	[bflag:$0x3] =	sbarrier.arrive $0xFFFF;
	s2 =	simm.s32 @!p0 $0x1C02  }
0xe3: {  	[timem:s3], [sflag:s2] =	dma.local @!p0 [hbm:s0], s1  }
0xe4: {  	s0 =	simm.s32 @!p0 $0x2  }
0xe5: {  	_ =	swait.ge @!p0 [sflag:s0], s1  }
0xe6: {  	s1 =	ssub.s32 @!p0 $0x0, s1;
	[sflag:s0] =	ssyncset.done @!p0 $0x0  }
0xe7: {  	[sflag:s0] =	ssyncadd.s32 @!p0 s1  }
0xe8: {  	[bflag:$0x3] =	sbarrier.arrive $0xFFFF  }
0xe9: {  	_ =	shalt  }

// kernel: kernel.7.cloned.1.call-start
scs
__scs_entry_jumppad:
0x0: {  	(pc) =	sbr.rel $0x88, $3  }
0x1: {  	(tag) =	ssettag $0x0;
	lr =	simm.s32 $0x1  }
0x2: {  	[smem:$0x3F97] =	sst lr;
	_ =	strace $0xD0000000  }
0x3: {  	_ = 	snop  }
0x4: {  	_ = 	snop  }
0x5: {  	_ = 	snop  }
0x6: {  	_ = 	snop  }
0x7: {  	_ = 	snop  }
__scs_overlays_trampoline_lowered:
0x8: {  	[smem:$0x3FA6] =	sst s0  }
0x9: {  	[smem:$0x3FA7] =	sst s1  }
0xa: {  	[smem:$0x3FA8] =	sst s2  }
0xb: {  	[smem:$0x3FA9] =	sst s3  }
0xc: {  	[smem:$0x3FAA] =	sst s4  }
0xd: {  	[smem:$0x3FAB] =	sst s5  }
0xe: {  	[smem:$0x3FAC] =	sst s6  }
0xf: {  	[smem:$0x3FAD] =	sst s7  }
0x10: {  	[smem:$0x3FAE] =	sst s8  }
0x11: {  	[smem:$0x3FAF] =	sst s9;
	s0 =	simm.s32 @!p0 $0x0  }
0x12: {  	s1 =	sld [smem:$0x3F95];
	s0 =	simm.s32 @p0 $0x1  }
0x13: {  	[smem:$0x3FB0] =	sst s0;
	s0 =	simm.s32 @!p1 $0x0  }
0x14: {  	s2 =	sld [smem:$0x3F94];
	s0 =	simm.s32 @p1 $0x1  }
0x15: {  	[smem:$0x3FB1] =	sst s0;
	s0 =	simm.s32 @!p2 $0x0  }
0x16: {  	s3 =	sld [smem:$0x3FDB];
	s0 =	simm.s32 @p2 $0x1  }
0x17: {  	s4 =	simm.s32 $0x1BF5;
	[smem:$0x3FB3] =	sst s0  }
0x18: {  	s0 =	sld [smem:$0x3F96];
	_ =	swait.ge [sflag:s4], $0x0  }
0x19: {  	s7 =	sld [smem:$0x3F97]  }
0x1a: {  	s8 =	sadd.s32 $0xFFFFE003, lr  }
0x1b: {  	s9 =	sadd.s32 $0xFFFFFEF7, lr;
	s5 =	simm.s32 $0xFFFFFFFF;
	p2 =	slt.u32 s8, $0xFFFFF086  }
0x1c: {  	p1 =	slt.u32 s9, $0xF7A;
	s5 =	simm.s32 @!p2 $0x0  }
0x1d: {  	s5 =	simm.s32 @p1 $0x1;
	p0 =	seq.s32 s7, s2  }
0x1e: {  	s7 =	smul.u32 @!p0 $0xF7A, s2;
	p2 =	seq.s32 @!p0 s5, $0x0  }
0x1f: {  	s9 =	smul.u32 $0xF7A, s1;
	s8 =	simm.s32 @!p0 $0x1BF5;
	p2 =	por !p2, p0  }
0x20: {  	[sflag:s8] =	ssyncset.s32 @!p0 $0xFFFFF086;
	s6 =	sadd.s32 @!p0 s3, s7;
	s7 =	simm.s32 @!p0 $0x108  }
0x21: {  	s3 =	sadd.s32 s3, s9;
	s6 =	sadd.s32 @!p0 $0x88, s6;
	s7 =	simm.s32 @p2 $0x1082  }
0x22: {  	[simem:s7], [sflag:s8] =	dma.local @!p0 [hbm:s6], $0xF7A  }
0x23: {  	s9 =	sor.u32 $0xD0000000, s2;
	s6 =	simm.s32 $0x108;
	_ =	swait.ge @!p0 [sflag:s8], $0x0  }
0x24: {  	s3 =	sadd.s32 $0x88, s3;
	s6 =	simm.s32 @!p1 $0x1082;
	[sflag:s4] =	ssyncset.s32 $0xFFFFF086  }
0x25: {  	[simem:s6], [sflag:s4] =	dma.local [hbm:s3], $0xF7A  }
0x26: {  	[smem:$0x3F97] =	sst s1;
	(tag) =	ssettag s2;
	_ =	strace s9  }
0x27: {  	s1 =	sld [smem:$0x3FA7]  }
0x28: {  	s2 =	sld [smem:$0x3FA8]  }
0x29: {  	s4 =	sld [smem:$0x3FAA]  }
0x2a: {  	p0 =	seq.s32 s5, $0x0;
	s5 =	sld [smem:$0x3FAB]  }
0x2b: {  	s6 =	sld [smem:$0x3FAC]  }
0x2c: {  	s7 =	sld [smem:$0x3FAD]  }
0x2d: {  	s3 =	simm.s32 $0x108;
	s8 =	sld [smem:$0x3FAE]  }
0x2e: {  	s3 =	simm.s32 @!p0 $0x1082;
	s9 =	sld [smem:$0x3FAF]  }
0x2f: {  	lr =	sadd.s32 s0, s3;
	s0 =	sld [smem:$0x3FA6]  }
0x30: {  	s3 =	sld [smem:$0x3FA9]  }
0x31: {  	[smem:$0x3FB2] =	sst s10  }
0x32: {  	s10 =	sld [smem:$0x3FB0];
	_ =	sdelay $0x3  }
0x33: {  	p0 =	seq.s32 s10, $0x1;
	s10 =	sld [smem:$0x3FB2];
	_ =	sdelay $0x3  }
0x34: {  	[smem:$0x3FB2] =	sst s10  }
0x35: {  	s10 =	sld [smem:$0x3FB1];
	_ =	sdelay $0x3  }
0x36: {  	p1 =	seq.s32 s10, $0x1;
	s10 =	sld [smem:$0x3FB2];
	_ =	sdelay $0x3  }
0x37: {  	[smem:$0x3FB2] =	sst s10  }
0x38: {  	s10 =	sld [smem:$0x3FB3]  }
0x39: {  	_ = 	snop;
	(pc) =	sbr.ind lr, $3  }
0x3a: {  	_ = 	snop  }
0x3b: {  	_ = 	snop  }
0x3c: {  	p2 =	seq.s32 s10, $0x1;
	s10 =	sld [smem:$0x3FB2]  }
0x3d: {  	_ =	shalt  }
0x3e: {  	_ =	shalt  }
0x3f: {  	_ =	shalt  }
0x40: {  	_ =	shalt  }
0x41: {  	_ =	shalt  }
0x42: {  	_ =	shalt  }
0x43: {  	_ =	shalt  }
0x44: {  	_ =	shalt  }
0x45: {  	_ =	shalt  }
0x46: {  	_ =	shalt  }
0x47: {  	_ =	shalt  }
0x48: {  	_ =	shalt  }
0x49: {  	_ =	shalt  }
0x4a: {  	_ =	shalt  }
0x4b: {  	_ =	shalt  }
0x4c: {  	_ =	shalt  }
0x4d: {  	_ =	shalt  }
0x4e: {  	_ =	shalt  }
0x4f: {  	_ =	shalt  }
0x50: {  	_ =	shalt  }
0x51: {  	_ =	shalt  }
0x52: {  	_ =	shalt  }
0x53: {  	_ =	shalt  }
0x54: {  	_ =	shalt  }
0x55: {  	_ =	shalt  }
0x56: {  	_ =	shalt  }
0x57: {  	_ =	shalt  }
0x58: {  	_ =	shalt  }
0x59: {  	_ =	shalt  }
0x5a: {  	_ =	shalt  }
0x5b: {  	_ =	shalt  }
0x5c: {  	_ =	shalt  }
0x5d: {  	_ =	shalt  }
0x5e: {  	_ =	shalt  }
0x5f: {  	_ =	shalt  }
0x60: {  	_ =	shalt  }
0x61: {  	_ =	shalt  }
0x62: {  	_ =	shalt  }
0x63: {  	_ =	shalt  }
0x64: {  	_ =	shalt  }
0x65: {  	_ =	shalt  }
0x66: {  	_ =	shalt  }
0x67: {  	_ =	shalt  }
0x68: {  	_ =	shalt  }
0x69: {  	_ =	shalt  }
0x6a: {  	_ =	shalt  }
0x6b: {  	_ =	shalt  }
0x6c: {  	_ =	shalt  }
0x6d: {  	_ =	shalt  }
0x6e: {  	_ =	shalt  }
0x6f: {  	_ =	shalt  }
0x70: {  	_ =	shalt  }
0x71: {  	_ =	shalt  }
0x72: {  	_ =	shalt  }
0x73: {  	_ =	shalt  }
0x74: {  	_ =	shalt  }
0x75: {  	_ =	shalt  }
0x76: {  	_ =	shalt  }
0x77: {  	_ =	shalt  }
0x78: {  	_ =	shalt  }
0x79: {  	_ =	shalt  }
0x7a: {  	_ =	shalt  }
0x7b: {  	_ =	shalt  }
0x7c: {  	_ =	shalt  }
0x7d: {  	_ =	shalt  }
0x7e: {  	_ =	shalt  }
0x7f: {  	_ =	shalt  }
0x80: {  	_ =	shalt  }
0x81: {  	_ =	shalt  }
0x82: {  	_ =	shalt  }
0x83: {  	_ =	shalt  }
0x84: {  	_ =	shalt  }
0x85: {  	_ =	shalt  }
0x86: {  	_ =	shalt  }
0x87: {  	_ =	shalt  }
.Lfunc_end0:
.L_simem_size_0:
called_computation_lowered:
.L_overlay_start_0:
0x88: {  	s2 =	sld [smem:$0x3FD9]  }
0x89: {  	s3 =	sld [smem:$0x3FFE];
	_ =	sdelay $0x1  }
0x8a: {  	s1 =	srdreg.scid  }
0x8b: {  	s0 =	sand.u32 $0x1, s1  }
0x8c: {  	s16 =	sshll.u32 s0, $0xA;
	s2 =	sadd.s32 s3, s2  }
0x8d: {  	s2 =	sadd.s32 s2, s16  }
0x8e: {  	[smem:$0x3FBE] =	sst s2  }
0x8f: {  	_ = 	snop  }
0x90: {  	(tm) =	ssettm $0x1  }
0x91: {  	s17 =	sld [smem:$0x3FFB];
	_ =	sdelay $0x3  }
0x92: {  	_ =	strace s17  }
0x93: {  	s2 =	sld [smem:$0x3FFC];
	_ =	sdelay $0x3  }
0x94: {  	_ =	strace s2  }
0x95: {  	s2 =	sld [smem:$0x3FFD];
	_ =	sdelay $0x3  }
0x96: {  	_ =	strace s2  }
0x97: {  	_ =	strace $0x8FFFFFFF  }
0x98: {  	s18 =	sld [smem:$0x3FDB];
	_ =	sdelay $0x1  }
0x99: {  	s19 =	simm.s32 $_scs_section_size  }
0x9a: {  	s4 =	simm.s32 $_size__tile_overlayer_lowered;
	s5 =	simm.s32 $_tile_overlayer_lowered  }
0x9b: {  	s22 =	simm.s32 $0x1BFF;
	s21 =	sshll.u32 s5, $0x1;
	s2 =	sadd.s32 s19, s18  }
0x9c: {  	s6 =	simm.s32 $0x0;
	s20 =	sshll.u32 s4, $0x1;
	s4 =	sadd.s32 s21, s2  }
0x9d: {  	[timem:s6], [sflag:s22] =	dma.local [hbm:s4], s20  }
0x9e: {  	_ =	swait.ge [sflag:s22], s20  }
0x9f: {  	s3 =	ssub.s32 $0x0, s20;
	[sflag:s22] =	ssyncset.done $0x0  }
0xa0: {  	[sflag:s22] =	ssyncadd.s32 s3;
	_ =	sdelay $0x1  }
0xa1: {  	s23 =	simm.s32 $0x1B8B  }
0xa2: {  	_ =	swait.ge [sflag:s23], $0x1  }
0xa3: {  	[sflag:s23] =	ssyncset.done $0x0  }
0xa4: {  	s25 =	simm.s32 $0x1B8E;
	s24 =	sld [smem:$0x3FFE];
	[sflag:s23] =	ssyncadd.s32 $0xFFFFFFFF  }
0xa5: {  	s26 =	simm.s32 $execute0_lowered;
	[smem:$0x3FD2] =	sst s25  }
0xa6: {  	s4 =	sshll.u32 s26, $0x1;
	_ =	strace $0x80000046;
	[dreg:$0x1] =	wrdreg $0xFFFFFFFF  }
0xa7: {  	s28 =	simm.s32 $_size_execute0_lowered;
	s2 =	sadd.s32 s2, s4;
	[dreg:$0x0] =	wrdreg $0x0  }
0xa8: {  	s4 =	sshll.u32 s28, $0x1;
	[dreg:$0x2] =	wrdreg s2  }
0xa9: {  	[dreg:$0x3] =	wrdreg s4  }
0xaa: {  	[dreg:$0x4] =	wrdreg $0xC0  }
0xab: {  	_ =	task [dreg:s6], $0x5FFFF  }
0xac: {  	[dreg:$0x1] =	wrdreg $0xFFFFFFFF  }
0xad: {  	[dreg:$0x0] =	wrdreg $0x60  }
0xae: {  	[dreg:$0x2] =	wrdreg s24  }
0xaf: {  	[dreg:$0x3] =	wrdreg $0x1A3000  }
0xb0: {  	[dreg:$0x4] =	wrdreg $0x150800  }
0xb1: {  	[dreg:$0x5] =	wrdreg $0x1A0800  }
0xb2: {  	[dreg:$0x6] =	wrdreg $0x9  }
0xb3: {  	_ =	task.clear_ibuf [dreg:s6], $0x7FFFF;
	_ =	strace $0x90000046  }
0xb4: {  	s29 =	simm.s32 $0x9;
	_ =	strace $0x80000048  }
0xb5: {  	_ =	swait.ge [sflag:s29], $0x1  }
0xb6: {  	[sflag:s29] =	ssyncadd.s32 $0xFFFFFFFF  }
0xb7: {  	_ =	strace $0x90000048  }
0xb8: {  	_ =	sfence  }
0xb9: {  	s30 =	sld [smem:$0x0];
	_ =	sdelay $0x2  }
0xba: {  	s31 =	sshll.u32 s1, $0xD;
	s1 =	sshrl.u32 s1, $0x2  }
0xbb: {  	s3 =	sand.u32 $0x4000, s31;
	s1 =	sadd.s32 s1, s30  }
0xbc: {  	s0 =	sor.u32 s3, s0;
	s1 =	sshll.u32 s1, $0x11  }
0xbd: {  	s0 =	sor.u32 s1, s0  }
0xbe: {  	s0 =	sadd.s32 $0x8F2B, s0  }
0xbf: {  	[sflag:s0] =	ssyncadd.remote.s32 $0x1  }
0xc0: {  	_ =	sfence.sel $0xFFFF  }
0xc1: {  	[dreg:$0x0] =	wrdreg $0xFFFFFFFF;
	(pc) =	sbr.abs _section_cstart, $3  }
0xc2: {  	[dreg:$0x1] =	wrdreg $0xFFFFFFFF  }
0xc3: {  	_ =	task.clear_ibuf [dreg:s6], $0x2FFFF;
	_ =	strace $0x9FFFFFFF  }
0xc4: {  	(tm) =	ssettm $0x7FFFFFFF  }
0xc5: {  	_ =	shalt  }
tec
execute0_lowered:
.L_overlay_start_1:
0x0: {  	(tag) =	ssettag $0x1  }
0x1: {  	s2 =	rddreg [dreg:$0x0]  }
0x2: {  	s0 =	srdreg.scid;
	s1 =	rddreg [dreg:$0x1]  }
0x3: {  	s13 =	stileid.u32;
	s3 =	rddreg [dreg:$0x2];
	s7 =	simm.s32 $0x0  }
0x4: {  	s16 =	simm.s32 $0x6;
	s29 =	simm.s32 $0x7000;
	s28 =	simm.s32 $0x15000  }
0x5: {  	s30 =	simm.s32 $0xD000;
	s15 =	simm.s32 $0xF000;
	s6 =	smul.u32 $0x5000, s13  }
0x6: {  	s17 =	simm.s32 $0x5;
	s0 =	sand.u32 $0x1, s0;
	s20 =	smul.u32 $0x280, s13  }
0x7: {  	s31 =	simm.s32 $0xC000;
	[smem:$0x7FF] =	sst s7;
	s8 =	smul.u32 $0x50000, s0  }
0x8: {  	s25 =	sshll.u32 s13, $0x6;
	s4 =	sshll.u32 s0, $0x4;
	s11 =	smul.u32 $0x2800, s0  }
0x9: {  	s0 =	ssub.s32 $0x2, s0;
	s19 =	sor.u32 $0x1C06, s25;
	s25 =	simm.s32 $0x1  }
0xa: {  	s5 =	sor.u32 s13, s4;
	s4 =	rddreg [dreg:$0x3];
	_ =	strace $0x80000047  }
0xb: {  	s9 =	sshrl.u32 s6, $0x3;
	s10 =	sshrl.u32 s20, $0x3;
	s12 =	sshrl.u32 s0, $0x1  }
0xc: {  	s22 =	sadd.s32 s6, s1;
	s13 =	simm.s32 $0x4;
	[dreg:$0xd] =	wrdreg s19  }
0xd: {  	s5 =	smul.u32 $0x500, s5;
	s9 =	sadd.s32 s9, s2;
	s10 =	sadd.s32 s10, s2  }
0xe: {  	s8 =	sadd.s32 s6, s8;
	s11 =	sadd.s32 s20, s11;
	s0 =	ssub.s32 s0, s12  }
0xf: {  	s6 =	sadd.s32 s6, s3;
	s7 =	sadd.s32 s20, s4;
	s26 =	sshrl.u32 s22, $0x3  }
0x10: {  	s20 =	simm.s32 $0x80;
	s12 =	simm.s32 $0x2;
	s8 =	sshrl.u32 s8, $0x3  }
0x11: {  	s11 =	sshrl.u32 s11, $0x3;
	s23 =	sadd.s32 $0x1800, s9;
	s9 =	sadd.s32 $0x1FE00, s9  }
0x12: {  	s24 =	sadd.s32 $0x1F800, s10;
	s0 =	smax.u32 s0, $0x1;
	[dreg:$0xe] =	wrdreg s26  }
0x13: {  	s22 =	sshrl.u32 s7, $0x3;
	s26 =	simm.s32 $0x6000;
	[dreg:$0x7] =	wrdreg s23  }
0x14: {  	s7 =	simm.s32 $0x11000;
	s10 =	simm.s32 $0x14000;
	[dreg:$0x8] =	wrdreg s9  }
0x15: {  	s5 =	sadd.s32 s5, s2;
	s8 =	sadd.s32 s8, s2;
	[dreg:$0x9] =	wrdreg s24  }
0x16: {  	s2 =	sadd.s32 s11, s2;
	[dreg:$0xc] =	wrdreg s0;
	s24 =	simm.s32 $0x5000  }
0x17: {  	s9 =	simm.s32 $0x13000;
	[dreg:$0x10] =	wrdreg s22;
	s21 =	sadd.s32 $0xB800, s5  }
0x18: {  	s11 =	simm.s32 $0x3;
	s5 =	sadd.s32 $0x15800, s5;
	[dreg:$0x5] =	wrdreg s21  }
0x19: {  	s0 =	simm.s32 $0x0;
	s8 =	sadd.s32 $0x29E00, s8;
	[dreg:$0x6] =	wrdreg s5  }
0x1a: {  	s23 =	simm.s32 $0xB000;
	s2 =	sadd.s32 $0x3DE00, s2;
	[dreg:$0xa] =	wrdreg s8  }
0x1b: {  	[dreg:$0xb] =	wrdreg s2;
	s21 =	sshrl.u32 s6, $0x3;
	s2 =	simm.s32 $0xE000  }
0x1c: {  	v0 =	vimm.f32 $1.000000000e+00;
	s6 =	simm.s32 $0x10000;
	s8 =	simm.s32 $0x12000;
	[dreg:$0xf] =	wrdreg s21  }
.LBB2_1:
0x1d: {  	[dreg:$0x11] =	wrdreg s0  }
0x1e: {  	s5 =	simm.s32 $0x0;
	s14 =	rddreg [dreg:$0x5]  }
0x1f: {  	[tilespmem:s5], [sflag:$0x6] =	stream.linear.gather [hbm4b:s14+s5], $0x2800, $0x38;
	[tilespmem:$0x1F300] =	vst v63  }
0x20: {  	_ =	swait.ge [sflag:s16], $0x2800  }
0x21: {  	[sflag:s16] =	ssyncset.done $0x0  }
0x22: {  	s18 =	simm.s32 $0x2800;
	s0 =	rddreg [dreg:$0x6];
	[sflag:s16] =	ssyncadd.s32 $0xFFFFD800  }
0x23: {  	[tilespmem:s18], [sflag:$0x6] =	stream.linear.gather [hbm4b:s0+s5], $0x2800, $0x38;
	[tilespmem:$0x1F300] =	vst v63  }
0x24: {  	_ =	swait.ge [sflag:s16], $0x2800  }
0x25: {  	[sflag:s16] =	ssyncset.done $0x0;
	s18 =	rddreg [dreg:$0x7]  }
0x26: {  	s0 =	rddreg [dreg:$0xe];
	[sflag:s16] =	ssyncadd.s32 $0xFFFFD800  }
0x27: {  	[spmem:s0], [sflag:s19] =	dma.local [hbm:s18], $0xA00  }
0x28: {  	_ =	swait.ge [sflag:s16], $0xA00  }
0x29: {  	[sflag:s16] =	ssyncset.done $0x0  }
0x2a: {  	s18 =	rddreg [dreg:$0x8];
	[sflag:s16] =	ssyncadd.s32 $0xFFFFF600  }
0x2b: {  	[spmem:s21], [sflag:s19] =	dma.local [hbm:s18], $0xA00  }
0x2c: {  	_ =	swait.ge [sflag:s16], $0xA00  }
0x2d: {  	[sflag:s16] =	ssyncset.done $0x0  }
0x2e: {  	s21 =	rddreg [dreg:$0x9];
	[sflag:s16] =	ssyncadd.s32 $0xFFFFF600  }
0x2f: {  	[spmem:s22], [sflag:s19] =	dma.local [hbm:s21], $0x50  }
0x30: {  	_ =	swait.ge [sflag:s16], $0x50  }
0x31: {  	[sflag:s16] =	ssyncset.done $0x0  }
0x32: {  	[sflag:s16] =	ssyncadd.s32 $0xFFFFFFB0  }
0x33: {  	[tilespmem:$0x15000] =	vst v0  }
0x34: {  	[tilespmem:$0x15010] =	vst v0  }
0x35: {  	[tilespmem:$0x15020] =	vst v0  }
0x36: {  	[tilespmem:$0x15030] =	vst v0  }
0x37: {  	[tilespmem:$0x15040] =	vst v0  }
0x38: {  	[tilespmem:$0x15050] =	vst v0  }
0x39: {  	[tilespmem:$0x15060] =	vst v0  }
0x3a: {  	[tilespmem:$0x15070] =	vst v0  }
0x3b: {  	[bflag:$0x0] =	sbarrier.arrive $0xFFFF  }
0x3c: {  	[tilespmem:s24], [sflag:$0x1] =	stream.indirect.gather [spmem:s1], $0x20, s5, s20, $0xb8;
	[tilespmem:$0x1F300] =	vst v63  }
0x3d: {  	_ = 	snop  }
0x3e: {  	[tilespmem:s26], [sflag:$0x1] =	stream.indirect.gather [spmem:s1], $0x20, s20, s20, $0xb8;
	[tilespmem:$0x1F300] =	vst v63  }
0x3f: {  	s22 =	simm.s32 $0x100  }
0x40: {  	[tilespmem:s29], [sflag:$0x1] =	stream.indirect.gather [spmem:s1], $0x20, s22, s20, $0xb8;
	[tilespmem:$0x1F300] =	vst v63  }
0x41: {  	s0 =	simm.s32 $0x180;
	s22 =	simm.s32 $0x8000  }
0x42: {  	[tilespmem:s22], [sflag:$0x1] =	stream.indirect.gather [spmem:s1], $0x20, s0, s20, $0xb8;
	[tilespmem:$0x1F300] =	vst v63  }
0x43: {  	s14 =	simm.s32 $0x200;
	s16 =	simm.s32 $0x9000  }
0x44: {  	[tilespmem:s16], [sflag:$0x1] =	stream.indirect.gather [spmem:s1], $0x20, s14, s20, $0xb8;
	[tilespmem:$0x1F300] =	vst v63  }
0x45: {  	s18 =	simm.s32 $0x280;
	s0 =	simm.s32 $0xA000  }
0x46: {  	[tilespmem:s0], [sflag:$0x1] =	stream.indirect.gather [spmem:s1], $0x20, s18, s20, $0xb8;
	[tilespmem:$0x1F300] =	vst v63  }
0x47: {  	s19 =	simm.s32 $0x300  }
0x48: {  	[tilespmem:s23], [sflag:$0x1] =	stream.indirect.gather [spmem:s1], $0x20, s19, s20, $0xb8;
	[tilespmem:$0x1F300] =	vst v63  }
0x49: {  	s21 =	simm.s32 $0x380;
	s18 =	simm.s32 $0x0  }
0x4a: {  	[tilespmem:s31], [sflag:$0x1] =	stream.indirect.gather [spmem:s1], $0x20, s21, s20, $0xb8;
	[tilespmem:$0x1F300] =	vst v63  }
.LBB2_2:
0x4b: {  	_ =	swait.ge [sflag:s25], $0x1000  }
0x4c: {  	[sflag:s25] =	ssyncset.done $0x0  }
0x4d: {  	[sflag:s25] =	ssyncadd.s32 $0xFFFFF000  }
0x4e: {  	_ =	swait.ge [sflag:s25], $0x1000  }
0x4f: {  	[sflag:s25] =	ssyncset.done $0x0  }
0x50: {  	[sflag:s25] =	ssyncadd.s32 $0xFFFFF000  }
0x51: {  	_ =	swait.ge [sflag:s25], $0x1000  }
0x52: {  	[sflag:s25] =	ssyncset.done $0x0  }
0x53: {  	[sflag:s25] =	ssyncadd.s32 $0xFFFFF000  }
0x54: {  	_ =	swait.ge [sflag:s25], $0x1000  }
0x55: {  	[sflag:s25] =	ssyncset.done $0x0  }
0x56: {  	[sflag:s25] =	ssyncadd.s32 $0xFFFFF000  }
0x57: {  	_ =	swait.ge [sflag:s25], $0x1000  }
0x58: {  	[sflag:s25] =	ssyncset.done $0x0  }
0x59: {  	[sflag:s25] =	ssyncadd.s32 $0xFFFFF000  }
0x5a: {  	_ =	swait.ge [sflag:s25], $0x1000  }
0x5b: {  	[sflag:s25] =	ssyncset.done $0x0  }
0x5c: {  	[sflag:s25] =	ssyncadd.s32 $0xFFFFF000  }
0x5d: {  	_ =	swait.ge [sflag:s25], $0x1000  }
0x5e: {  	[sflag:s25] =	ssyncset.done $0x0  }
0x5f: {  	[sflag:s25] =	ssyncadd.s32 $0xFFFFF000  }
0x60: {  	_ =	swait.ge [sflag:s25], $0x1000  }
0x61: {  	s19 =	sshra.s32 s18, $0x2;
	[sflag:s25] =	ssyncset.done $0x0  }
0x62: {  	s16 =	sadd.s32 $0x2800, s19;
	[sflag:s25] =	ssyncadd.s32 $0xFFFFF000  }
0x63: {  	[spmem:s3] =	stream.indirect.scatter.add.f32 [tilespmem:s24], [sflag:$0x3], $0x20, s16, s20, $0xb8;
	[tilespmem:$0x1F300] =	vst v63  }
0x64: {  	s5 =	sadd.s32 $0x2880, s19  }
0x65: {  	[spmem:s3] =	stream.indirect.scatter.add.f32 [tilespmem:s26], [sflag:$0x3], $0x20, s5, s20, $0xb8;
	[tilespmem:$0x1F300] =	vst v63  }
0x66: {  	s14 =	sadd.s32 $0x2900, s19  }
0x67: {  	[spmem:s3] =	stream.indirect.scatter.add.f32 [tilespmem:s29], [sflag:$0x3], $0x20, s14, s20, $0xb8;
	[tilespmem:$0x1F300] =	vst v63  }
0x68: {  	s21 =	sadd.s32 $0x2980, s19  }
0x69: {  	[spmem:s3] =	stream.indirect.scatter.add.f32 [tilespmem:s22], [sflag:$0x3], $0x20, s21, s20, $0xb8;
	[tilespmem:$0x1F300] =	vst v63  }
0x6a: {  	s26 =	simm.s32 $0x9000;
	s22 =	sadd.s32 $0x2A00, s19  }
0x6b: {  	[spmem:s3] =	stream.indirect.scatter.add.f32 [tilespmem:s26], [sflag:$0x3], $0x20, s22, s20, $0xb8;
	[tilespmem:$0x1F300] =	vst v63  }
0x6c: {  	s24 =	sadd.s32 $0x2A80, s19  }
0x6d: {  	[spmem:s3] =	stream.indirect.scatter.add.f32 [tilespmem:s0], [sflag:$0x3], $0x20, s24, s20, $0xb8;
	[tilespmem:$0x1F300] =	vst v63  }
0x6e: {  	s26 =	sadd.s32 $0x2B00, s19  }
0x6f: {  	[spmem:s3] =	stream.indirect.scatter.add.f32 [tilespmem:s23], [sflag:$0x3], $0x20, s26, s20, $0xb8;
	[tilespmem:$0x1F300] =	vst v63  }
0x70: {  	s29 =	sadd.s32 $0x2B80, s19  }
0x71: {  	[spmem:s3] =	stream.indirect.scatter.add.f32 [tilespmem:s31], [sflag:$0x3], $0x20, s29, s20, $0xb8;
	[tilespmem:$0x1F300] =	vst v63  }
0x72: {  	_ = 	snop  }
0x73: {  	[spmem:s4] =	stream.indirect.scatter.add.f32 [tilespmem:s28], [sflag:$0x5], $0x1, s16, s20, $0xb8;
	[tilespmem:$0x1F300] =	vst v63  }
0x74: {  	_ = 	snop  }
0x75: {  	[spmem:s4] =	stream.indirect.scatter.add.f32 [tilespmem:s28], [sflag:$0x5], $0x1, s5, s20, $0xb8;
	[tilespmem:$0x1F300] =	vst v63  }
0x76: {  	_ = 	snop  }
0x77: {  	[spmem:s4] =	stream.indirect.scatter.add.f32 [tilespmem:s28], [sflag:$0x5], $0x1, s14, s20, $0xb8;
	[tilespmem:$0x1F300] =	vst v63  }
0x78: {  	_ = 	snop  }
0x79: {  	[spmem:s4] =	stream.indirect.scatter.add.f32 [tilespmem:s28], [sflag:$0x5], $0x1, s21, s20, $0xb8;
	[tilespmem:$0x1F300] =	vst v63  }
0x7a: {  	_ = 	snop  }
0x7b: {  	[spmem:s4] =	stream.indirect.scatter.add.f32 [tilespmem:s28], [sflag:$0x5], $0x1, s22, s20, $0xb8;
	[tilespmem:$0x1F300] =	vst v63  }
0x7c: {  	_ = 	snop  }
0x7d: {  	[spmem:s4] =	stream.indirect.scatter.add.f32 [tilespmem:s28], [sflag:$0x5], $0x1, s24, s20, $0xb8;
	[tilespmem:$0x1F300] =	vst v63  }
0x7e: {  	_ = 	snop  }
0x7f: {  	[spmem:s4] =	stream.indirect.scatter.add.f32 [tilespmem:s28], [sflag:$0x5], $0x1, s26, s20, $0xb8;
	[tilespmem:$0x1F300] =	vst v63  }
0x80: {  	_ = 	snop  }
0x81: {  	[spmem:s4] =	stream.indirect.scatter.add.f32 [tilespmem:s28], [sflag:$0x5], $0x1, s29, s20, $0xb8;
	[tilespmem:$0x1F300] =	vst v63  }
0x82: {  	s24 =	sadd.s32 $0x400, s19  }
0x83: {  	[tilespmem:s30], [sflag:$0x2] =	stream.indirect.gather [spmem:s1], $0x20, s24, s20, $0xb8;
	[tilespmem:$0x1F300] =	vst v63  }
0x84: {  	s26 =	sadd.s32 $0x480, s19  }
0x85: {  	[tilespmem:s2], [sflag:$0x2] =	stream.indirect.gather [spmem:s1], $0x20, s26, s20, $0xb8;
	[tilespmem:$0x1F300] =	vst v63  }
0x86: {  	s14 =	sadd.s32 $0x500, s19  }
0x87: {  	[tilespmem:s15], [sflag:$0x2] =	stream.indirect.gather [spmem:s1], $0x20, s14, s20, $0xb8;
	[tilespmem:$0x1F300] =	vst v63  }
0x88: {  	s16 =	sadd.s32 $0x580, s19  }
0x89: {  	[tilespmem:s6], [sflag:$0x2] =	stream.indirect.gather [spmem:s1], $0x20, s16, s20, $0xb8;
	[tilespmem:$0x1F300] =	vst v63  }
0x8a: {  	s21 =	sadd.s32 $0x600, s19  }
0x8b: {  	[tilespmem:s7], [sflag:$0x2] =	stream.indirect.gather [spmem:s1], $0x20, s21, s20, $0xb8;
	[tilespmem:$0x1F300] =	vst v63  }
0x8c: {  	s22 =	sadd.s32 $0x680, s19  }
0x8d: {  	[tilespmem:s8], [sflag:$0x2] =	stream.indirect.gather [spmem:s1], $0x20, s22, s20, $0xb8;
	[tilespmem:$0x1F300] =	vst v63  }
0x8e: {  	s24 =	sadd.s32 $0x700, s19  }
0x8f: {  	[tilespmem:s9], [sflag:$0x2] =	stream.indirect.gather [spmem:s1], $0x20, s24, s20, $0xb8;
	[tilespmem:$0x1F300] =	vst v63  }
0x90: {  	s26 =	sadd.s32 $0x780, s19  }
0x91: {  	[tilespmem:s10], [sflag:$0x2] =	stream.indirect.gather [spmem:s1], $0x20, s26, s20, $0xb8;
	[tilespmem:$0x1F300] =	vst v63  }
0x92: {  	_ =	swait.ge [sflag:s11], $0x1000  }
0x93: {  	[sflag:s11] =	ssyncset.done $0x0  }
0x94: {  	[sflag:s11] =	ssyncadd.s32 $0xFFFFF000  }
0x95: {  	_ =	swait.ge [sflag:s11], $0x1000  }
0x96: {  	[sflag:s11] =	ssyncset.done $0x0  }
0x97: {  	[sflag:s11] =	ssyncadd.s32 $0xFFFFF000  }
0x98: {  	_ =	swait.ge [sflag:s11], $0x1000  }
0x99: {  	[sflag:s11] =	ssyncset.done $0x0  }
0x9a: {  	[sflag:s11] =	ssyncadd.s32 $0xFFFFF000  }
0x9b: {  	_ =	swait.ge [sflag:s11], $0x1000  }
0x9c: {  	[sflag:s11] =	ssyncset.done $0x0  }
0x9d: {  	[sflag:s11] =	ssyncadd.s32 $0xFFFFF000  }
0x9e: {  	_ =	swait.ge [sflag:s11], $0x1000  }
0x9f: {  	[sflag:s11] =	ssyncset.done $0x0  }
0xa0: {  	[sflag:s11] =	ssyncadd.s32 $0xFFFFF000  }
0xa1: {  	_ =	swait.ge [sflag:s11], $0x1000  }
0xa2: {  	[sflag:s11] =	ssyncset.done $0x0  }
0xa3: {  	[sflag:s11] =	ssyncadd.s32 $0xFFFFF000  }
0xa4: {  	_ =	swait.ge [sflag:s11], $0x1000  }
0xa5: {  	[sflag:s11] =	ssyncset.done $0x0  }
0xa6: {  	[sflag:s11] =	ssyncadd.s32 $0xFFFFF000  }
0xa7: {  	_ =	swait.ge [sflag:s11], $0x1000  }
0xa8: {  	[sflag:s11] =	ssyncset.done $0x0  }
0xa9: {  	[sflag:s11] =	ssyncadd.s32 $0xFFFFF000  }
0xaa: {  	_ =	swait.ge [sflag:s12], $0x1000  }
0xab: {  	[sflag:s12] =	ssyncset.done $0x0  }
0xac: {  	[sflag:s12] =	ssyncadd.s32 $0xFFFFF000  }
0xad: {  	_ =	swait.ge [sflag:s12], $0x1000  }
0xae: {  	[sflag:s12] =	ssyncset.done $0x0  }
0xaf: {  	[sflag:s12] =	ssyncadd.s32 $0xFFFFF000  }
0xb0: {  	_ =	swait.ge [sflag:s12], $0x1000  }
0xb1: {  	[sflag:s12] =	ssyncset.done $0x0  }
0xb2: {  	[sflag:s12] =	ssyncadd.s32 $0xFFFFF000  }
0xb3: {  	_ =	swait.ge [sflag:s12], $0x1000  }
0xb4: {  	[sflag:s12] =	ssyncset.done $0x0  }
0xb5: {  	[sflag:s12] =	ssyncadd.s32 $0xFFFFF000  }
0xb6: {  	_ =	swait.ge [sflag:s12], $0x1000  }
0xb7: {  	[sflag:s12] =	ssyncset.done $0x0  }
0xb8: {  	[sflag:s12] =	ssyncadd.s32 $0xFFFFF000  }
0xb9: {  	_ =	swait.ge [sflag:s12], $0x1000  }
0xba: {  	[sflag:s12] =	ssyncset.done $0x0  }
0xbb: {  	[sflag:s12] =	ssyncadd.s32 $0xFFFFF000  }
0xbc: {  	_ =	swait.ge [sflag:s12], $0x1000  }
0xbd: {  	[sflag:s12] =	ssyncset.done $0x0  }
0xbe: {  	[sflag:s12] =	ssyncadd.s32 $0xFFFFF000  }
0xbf: {  	_ =	swait.ge [sflag:s12], $0x1000  }
0xc0: {  	[sflag:s12] =	ssyncset.done $0x0  }
0xc1: {  	s5 =	sadd.s32 $0x2C00, s19;
	[sflag:s12] =	ssyncadd.s32 $0xFFFFF000  }
0xc2: {  	[spmem:s3] =	stream.indirect.scatter.add.f32 [tilespmem:s30], [sflag:$0x4], $0x20, s5, s20, $0xb8;
	[tilespmem:$0x1F300] =	vst v63  }
0xc3: {  	s14 =	sadd.s32 $0x2C80, s19  }
0xc4: {  	[spmem:s3] =	stream.indirect.scatter.add.f32 [tilespmem:s2], [sflag:$0x4], $0x20, s14, s20, $0xb8;
	[tilespmem:$0x1F300] =	vst v63  }
0xc5: {  	s16 =	sadd.s32 $0x2D00, s19  }
0xc6: {  	[spmem:s3] =	stream.indirect.scatter.add.f32 [tilespmem:s15], [sflag:$0x4], $0x20, s16, s20, $0xb8;
	[tilespmem:$0x1F300] =	vst v63  }
0xc7: {  	s21 =	sadd.s32 $0x2D80, s19  }
0xc8: {  	[spmem:s3] =	stream.indirect.scatter.add.f32 [tilespmem:s6], [sflag:$0x4], $0x20, s21, s20, $0xb8;
	[tilespmem:$0x1F300] =	vst v63  }
0xc9: {  	s22 =	sadd.s32 $0x2E00, s19  }
0xca: {  	[spmem:s3] =	stream.indirect.scatter.add.f32 [tilespmem:s7], [sflag:$0x4], $0x20, s22, s20, $0xb8;
	[tilespmem:$0x1F300] =	vst v63  }
0xcb: {  	s24 =	sadd.s32 $0x2E80, s19  }
0xcc: {  	[spmem:s3] =	stream.indirect.scatter.add.f32 [tilespmem:s8], [sflag:$0x4], $0x20, s24, s20, $0xb8;
	[tilespmem:$0x1F300] =	vst v63  }
0xcd: {  	s26 =	sadd.s32 $0x2F00, s19  }
0xce: {  	[spmem:s3] =	stream.indirect.scatter.add.f32 [tilespmem:s9], [sflag:$0x4], $0x20, s26, s20, $0xb8;
	[tilespmem:$0x1F300] =	vst v63  }
0xcf: {  	s19 =	sadd.s32 $0x2F80, s19  }
0xd0: {  	[spmem:s3] =	stream.indirect.scatter.add.f32 [tilespmem:s10], [sflag:$0x4], $0x20, s19, s20, $0xb8;
	[tilespmem:$0x1F300] =	vst v63  }
0xd1: {  	_ = 	snop  }
0xd2: {  	[spmem:s4] =	stream.indirect.scatter.add.f32 [tilespmem:s28], [sflag:$0x5], $0x1, s5, s20, $0xb8;
	[tilespmem:$0x1F300] =	vst v63  }
0xd3: {  	_ = 	snop  }
0xd4: {  	[spmem:s4] =	stream.indirect.scatter.add.f32 [tilespmem:s28], [sflag:$0x5], $0x1, s14, s20, $0xb8;
	[tilespmem:$0x1F300] =	vst v63  }
0xd5: {  	_ = 	snop  }
0xd6: {  	[spmem:s4] =	stream.indirect.scatter.add.f32 [tilespmem:s28], [sflag:$0x5], $0x1, s16, s20, $0xb8;
	[tilespmem:$0x1F300] =	vst v63  }
0xd7: {  	_ = 	snop  }
0xd8: {  	[spmem:s4] =	stream.indirect.scatter.add.f32 [tilespmem:s28], [sflag:$0x5], $0x1, s21, s20, $0xb8;
	[tilespmem:$0x1F300] =	vst v63  }
0xd9: {  	_ = 	snop  }
0xda: {  	[spmem:s4] =	stream.indirect.scatter.add.f32 [tilespmem:s28], [sflag:$0x5], $0x1, s22, s20, $0xb8;
	[tilespmem:$0x1F300] =	vst v63  }
0xdb: {  	_ = 	snop  }
0xdc: {  	[spmem:s4] =	stream.indirect.scatter.add.f32 [tilespmem:s28], [sflag:$0x5], $0x1, s24, s20, $0xb8;
	[tilespmem:$0x1F300] =	vst v63  }
0xdd: {  	p0 =	seq.s32 s18, $0x8000  }
0xde: {  	[spmem:s4] =	stream.indirect.scatter.add.f32 [tilespmem:s28], [sflag:$0x5], $0x1, s26, s20, $0xb8;
	[tilespmem:$0x1F300] =	vst v63  }
0xdf: {  	s5 =	sshra.s32 @!p0 s18, $0x2  }
0xe0: {  	[spmem:s4] =	stream.indirect.scatter.add.f32 [tilespmem:s28], [sflag:$0x5], $0x1, s19, s20, $0xb8;
	[tilespmem:$0x1F300] =	vst v63  }
0xe1: {  	s14 =	sadd.s32 @!p0 $0x800, s5;
	s16 =	simm.s32 @!p0 $0x80;
	s19 =	simm.s32 @!p0 $0x5000  }
0xe2: {  	[tilespmem:s19], [sflag:$0x1] =	stream.indirect.gather @!p0 [spmem:s1], $0x20, s14, s16, $0xb8;
	[tilespmem:$0x1F300] =	vst v63  }
0xe3: {  	s14 =	sadd.s32 @!p0 $0x880, s5;
	s19 =	simm.s32 @!p0 $0x6000  }
0xe4: {  	[tilespmem:s19], [sflag:$0x1] =	stream.indirect.gather @!p0 [spmem:s1], $0x20, s14, s16, $0xb8;
	[tilespmem:$0x1F300] =	vst v63  }
0xe5: {  	s14 =	sadd.s32 @!p0 $0x900, s5;
	s19 =	simm.s32 @!p0 $0x7000  }
0xe6: {  	[tilespmem:s19], [sflag:$0x1] =	stream.indirect.gather @!p0 [spmem:s1], $0x20, s14, s16, $0xb8;
	[tilespmem:$0x1F300] =	vst v63  }
0xe7: {  	s14 =	sadd.s32 @!p0 $0x980, s5;
	s19 =	simm.s32 @!p0 $0x8000  }
0xe8: {  	[tilespmem:s19], [sflag:$0x1] =	stream.indirect.gather @!p0 [spmem:s1], $0x20, s14, s16, $0xb8;
	[tilespmem:$0x1F300] =	vst v63  }
0xe9: {  	s14 =	sadd.s32 @!p0 $0xA00, s5;
	s19 =	simm.s32 @!p0 $0x9000  }
0xea: {  	[tilespmem:s19], [sflag:$0x1] =	stream.indirect.gather @!p0 [spmem:s1], $0x20, s14, s16, $0xb8;
	[tilespmem:$0x1F300] =	vst v63  }
0xeb: {  	s14 =	sadd.s32 @!p0 $0xA80, s5;
	s19 =	simm.s32 @!p0 $0xA000  }
0xec: {  	[tilespmem:s19], [sflag:$0x1] =	stream.indirect.gather @!p0 [spmem:s1], $0x20, s14, s16, $0xb8;
	[tilespmem:$0x1F300] =	vst v63  }
0xed: {  	s14 =	sadd.s32 @!p0 $0xB00, s5;
	s19 =	simm.s32 @!p0 $0xB000  }
0xee: {  	[tilespmem:s19], [sflag:$0x1] =	stream.indirect.gather @!p0 [spmem:s1], $0x20, s14, s16, $0xb8;
	[tilespmem:$0x1F300] =	vst v63  }
0xef: {  	s5 =	sadd.s32 @!p0 $0xB80, s5;
	s14 =	simm.s32 @!p0 $0xC000  }
0xf0: {  	[tilespmem:s14], [sflag:$0x1] =	stream.indirect.gather @!p0 [spmem:s1], $0x20, s5, s16, $0xb8;
	[tilespmem:$0x1F300] =	vst v63  }
0xf1: {  	_ =	swait.ge [sflag:s13], $0x1000  }
0xf2: {  	[sflag:s13] =	ssyncset.done $0x0  }
0xf3: {  	[sflag:s13] =	ssyncadd.s32 $0xFFFFF000  }
0xf4: {  	_ =	swait.ge [sflag:s13], $0x1000  }
0xf5: {  	[sflag:s13] =	ssyncset.done $0x0  }
0xf6: {  	[sflag:s13] =	ssyncadd.s32 $0xFFFFF000  }
0xf7: {  	_ =	swait.ge [sflag:s13], $0x1000  }
0xf8: {  	[sflag:s13] =	ssyncset.done $0x0  }
0xf9: {  	[sflag:s13] =	ssyncadd.s32 $0xFFFFF000  }
0xfa: {  	_ =	swait.ge [sflag:s13], $0x1000  }
0xfb: {  	[sflag:s13] =	ssyncset.done $0x0  }
0xfc: {  	[sflag:s13] =	ssyncadd.s32 $0xFFFFF000  }
0xfd: {  	_ =	swait.ge [sflag:s13], $0x1000  }
0xfe: {  	[sflag:s13] =	ssyncset.done $0x0  }
0xff: {  	[sflag:s13] =	ssyncadd.s32 $0xFFFFF000  }
0x100: {  	_ =	swait.ge [sflag:s13], $0x1000  }
0x101: {  	[sflag:s13] =	ssyncset.done $0x0  }
0x102: {  	s18 =	sadd.s32 $0x2000, s18;
	[sflag:s13] =	ssyncadd.s32 $0xFFFFF000  }
0x103: {  	p0 =	sne.s32 s18, $0xA000;
	_ =	swait.ge [sflag:s13], $0x1000  }
.Ltmp0:
0x104: {  	[sflag:s13] =	ssyncset.done $0x0;
	(pc) =	sbr.rel @p0 .LBB2_2-.Ltmp0, $4  }
0x105: {  	[sflag:s13] =	ssyncadd.s32 $0xFFFFF000  }
0x106: {  	_ =	swait.ge [sflag:s13], $0x1000  }
0x107: {  	s29 =	simm.s32 $0x7000;
	s22 =	simm.s32 $0x8000;
	[sflag:s13] =	ssyncset.done $0x0  }
0x108: {  	s24 =	simm.s32 $0x5000;
	s26 =	simm.s32 $0x6000;
	[sflag:s13] =	ssyncadd.s32 $0xFFFFF000  }
0x109: {  	_ =	swait.ge [sflag:s17], $0x80  }
0x10a: {  	s18 =	simm.s32 $0x4F;
	[sflag:s17] =	ssyncset.done $0x0  }
.LBB2_4:
0x10b: {  	p0 =	sne.s32 s18, $0x1;
	s18 =	sadd.s32 $0xFFFFFFFF, s18;
	[sflag:s17] =	ssyncadd.s32 $0xFFFFFF80  }
.Ltmp1:
0x10c: {  	(pc) =	sbr.rel @p0 .LBB2_4-.Ltmp1, $3  }
0x10d: {  	_ =	sdelay $0x1  }
0x10e: {  	_ =	swait.ge [sflag:s17], $0x80  }
0x10f: {  	[sflag:s17] =	ssyncset.done $0x0  }
0x110: {  	[sflag:s17] =	ssyncadd.s32 $0xFFFFFF80  }
0x111: {  	[bflag:$0x0] =	sbarrier.arrive $0xFFFF  }
0x112: {  	s5 =	rddreg [dreg:$0xa]  }
0x113: {  	s19 =	rddreg [dreg:$0xd]  }
0x114: {  	s16 =	simm.s32 $0x6;
	s21 =	rddreg [dreg:$0xf]  }
0x115: {  	[hbm:s5], [sflag:s19] =	dma.local [spmem:s21], $0xA00  }
0x116: {  	_ =	swait.ge [sflag:s16], $0xA00  }
0x117: {  	[sflag:s16] =	ssyncset.done $0x0;
	s14 =	rddreg [dreg:$0xb]  }
0x118: {  	s22 =	rddreg [dreg:$0x10];
	[sflag:s16] =	ssyncadd.s32 $0xFFFFF600  }
0x119: {  	[hbm:s14], [sflag:s19] =	dma.local [spmem:s22], $0x50  }
0x11a: {  	_ =	swait.ge [sflag:s16], $0x50  }
0x11b: {  	s0 =	rddreg [dreg:$0x11]  }
0x11c: {  	s18 =	rddreg [dreg:$0xc];
	s0 =	sadd.s32 $0x1, s0  }
0x11d: {  	p0 =	sne.s32 s0, s18  }
.Ltmp2:
0x11e: {  	_ = 	snop;
	(pc) =	sbr.rel @p0 .LBB2_1-.Ltmp2, $3  }
0x11f: {  	_ =	sdelay $0x1  }
0x120: {  	[sflag:s16] =	ssyncset.done $0x0  }
0x121: {  	[sflag:s16] =	ssyncadd.s32 $0xFFFFFFB0  }
0x122: {  	_ =	sfence.sel $0x180000  }
0x123: {  	[bflag:$0x0] =	sbarrier.arrive $0xFFFF  }
0x124: {  	_ =	strace $0x90000047  }
0x125: {  	s0 =	stileid.u32;
	[bflag:$0x2] =	sbarrier.arrive $0xFFFF  }
0x126: {  	p0 =	sne.s32 s0, $0x0;
	s0 =	rddreg [dreg:$0x4]  }
0x127: {  	s0 =	sadd.s32 @!p0 $0x100000, s0  }
0x128: {  	[sflag:s0] =	ssyncadd.tile.s32 @!p0 $0x1;
	_ =	shalt  }
.Lfunc_end2:
_tile_overlayer_lowered:
.L_overlay_start_2:
0x129: {  	(tag) =	ssettag $0x2  }
0x12a: {  	s0 =	rddreg [dreg:$0x0];
	s2 =	stileid.u32  }
0x12b: {  	s1 =	rddreg [dreg:$0x1];
	p0 =	sne.s32 s2, $0x0  }
0x12c: {  	s3 =	rddreg [dreg:$0x2];
	[bflag:$0x3] =	sbarrier.arrive $0xFFFF;
	s2 =	simm.s32 @!p0 $0x1C06  }
0x12d: {  	[timem:s3], [sflag:s2] =	dma.local @!p0 [hbm:s0], s1  }
0x12e: {  	s0 =	simm.s32 @!p0 $0x6  }
0x12f: {  	_ =	swait.ge @!p0 [sflag:s0], s1  }
0x130: {  	s1 =	ssub.s32 @!p0 $0x0, s1;
	[sflag:s0] =	ssyncset.done @!p0 $0x0  }
0x131: {  	[sflag:s0] =	ssyncadd.s32 @!p0 s1  }
0x132: {  	[bflag:$0x3] =	sbarrier.arrive $0xFFFF  }
0x133: {  	_ =	shalt  }

</sc_bundles>
